<compile_context>
chip_gen: v7x
topology: tpu7x:2x2x1
jax: 0.10.2.dev20260603
libtpu: 0.0.44.dev20260713+nightly
codegen_flags: <defaults>
</compile_context>

<pallas_src>
import functools

import jax
import jax.numpy as jnp
from jax import lax
from jax.experimental import pallas as pl
from jax.experimental.pallas import tpu as pltpu
from jax.experimental.pallas import tpu_sc as plsc

N = 10000
D = 128
E = 320000

NC = 2
NS = 16
NW = NC * NS

NPAD = 10240
CH = 80
IB = 32
NBT = 4
CHUNKS = IB * NBT
EPT = CH * CHUNKS
EPAD = EPT * NW
PAD_IDX = N
ZR = 80

BLK = 512
GRID = NPAD // BLK

_MESH = plsc.VectorSubcoreMesh(core_axis_name="c", subcore_axis_name="s")


def _zero_vmem(ref, rows, width):
    zeros16 = jnp.zeros((16,), jnp.float32)
    cols = width // 16

    def body(i, _):
        r = i // cols
        co = (i % cols) * 16
        ref[r, pl.ds(co, 16)] = zeros16
        return 0

    lax.fori_loop(0, rows * cols, body, 0)


@functools.partial(
    pl.kernel,
    mesh=_MESH,
    out_type=(
        jax.ShapeDtypeStruct((NC * NPAD,), jnp.float32),
        jax.ShapeDtypeStruct((NC * NPAD,), jnp.float32),
    ),
    scratch_types=[
        pltpu.VMEM((IB, CH), jnp.int32),
        pltpu.VMEM((IB, CH), jnp.int32),
        pltpu.VMEM((CH,), jnp.float32),
        pltpu.VMEM((NPAD // NS,), jnp.float32),
        pltpu.VMEM_SHARED((NPAD,), jnp.float32),
        pltpu.VMEM_SHARED((NPAD,), jnp.float32),
    ],
)
def _sc_degrees(src_hbm, dst_hbm, dego_hbm, degi_hbm,
                sidx_v, didx_v, ones_v, zero_v, dego_sh, degi_sh):
    c = lax.axis_index("c")
    s = lax.axis_index("s")
    wid = c * NS + s

    one16 = jnp.ones((16,), jnp.float32)
    zero16 = jnp.zeros((16,), jnp.float32)

    def fill(i, _):
        ones_v[pl.ds(i * 16, 16)] = one16
        return 0

    lax.fori_loop(0, CH // 16, fill, 0)

    def zfill(i, _):
        zero_v[pl.ds(i * 16, 16)] = zero16
        return 0

    lax.fori_loop(0, NPAD // NS // 16, zfill, 0)

    rows = NPAD // NS
    pltpu.sync_copy(zero_v, dego_sh.at[pl.ds(s * rows, rows)])
    pltpu.sync_copy(zero_v, degi_sh.at[pl.ds(s * rows, rows)])
    plsc.subcore_barrier()

    def outer(ob, _):
        pltpu.sync_copy(src_hbm.at[wid * NBT + ob], sidx_v)
        pltpu.sync_copy(dst_hbm.at[wid * NBT + ob], didx_v)

        def body(j, _2):
            pltpu.sync_copy(ones_v, dego_sh.at[sidx_v.at[j]], add=True)
            pltpu.sync_copy(ones_v, degi_sh.at[didx_v.at[j]], add=True)
            return 0

        lax.fori_loop(0, IB, body, 0)
        return 0

    lax.fori_loop(0, NBT, outer, 0)
    plsc.subcore_barrier()

    pltpu.sync_copy(dego_sh.at[pl.ds(s * rows, rows)],
                    dego_hbm.at[pl.ds(c * NPAD + s * rows, rows)])
    pltpu.sync_copy(degi_sh.at[pl.ds(s * rows, rows)],
                    degi_hbm.at[pl.ds(c * NPAD + s * rows, rows)])


@functools.partial(
    pl.kernel,
    mesh=_MESH,
    out_type=jax.ShapeDtypeStruct((NC * NPAD, D), jnp.float32),
    scratch_types=[
        pltpu.VMEM((IB, CH), jnp.int32),
        pltpu.VMEM((IB, CH), jnp.int32),
        pltpu.VMEM((CH, D), jnp.float32),
        pltpu.VMEM((CH, D), jnp.float32),
        pltpu.VMEM((CH, D), jnp.float32),
        pltpu.VMEM((CH, D), jnp.float32),
        pltpu.VMEM_SHARED((NPAD, D), jnp.float32),
        pltpu.SemaphoreType.DMA,
        pltpu.SemaphoreType.DMA,
        pltpu.SemaphoreType.DMA,
        pltpu.SemaphoreType.DMA,
    ],
)
def _sc_edge_agg(z_hbm, src_hbm, dst_hbm, out_hbm,
                 sidx_v, didx_v, rows_a, rows_b, rows_c, rows_d, acc_sh,
                 sem_a, sem_b, sem_c, sem_d):
    c = lax.axis_index("c")
    s = lax.axis_index("s")
    wid = c * NS + s
    rows = NPAD // NS

    _zero_vmem(rows_a, ZR, D)

    def zbody(i, _):
        pltpu.sync_copy(rows_a.at[pl.ds(0, ZR)],
                        acc_sh.at[pl.ds(s * rows + i * ZR, ZR)])
        return 0

    lax.fori_loop(0, rows // ZR, zbody, 0)
    plsc.subcore_barrier()

    def outer(ob, _):
        pltpu.sync_copy(src_hbm.at[wid * NBT + ob], sidx_v)
        pltpu.sync_copy(dst_hbm.at[wid * NBT + ob], didx_v)
        pltpu.async_copy(z_hbm.at[sidx_v.at[0]], rows_a, sem_a)
        pltpu.async_copy(z_hbm.at[sidx_v.at[1]], rows_b, sem_b)
        pltpu.async_copy(z_hbm.at[sidx_v.at[2]], rows_c, sem_c)

        def body(jj, _2):
            j0 = jj * 4
            pltpu.async_copy(z_hbm.at[sidx_v.at[j0 + 3]], rows_d, sem_d)
            pltpu.make_async_copy(z_hbm.at[sidx_v.at[j0]], rows_a, sem_a).wait()
            pltpu.sync_copy(rows_a, acc_sh.at[didx_v.at[j0]], add=True)

            @pl.when(j0 + 4 < IB)
            def _():
                pltpu.async_copy(z_hbm.at[sidx_v.at[j0 + 4]], rows_a, sem_a)

            pltpu.make_async_copy(z_hbm.at[sidx_v.at[j0 + 1]], rows_b, sem_b).wait()
            pltpu.sync_copy(rows_b, acc_sh.at[didx_v.at[j0 + 1]], add=True)

            @pl.when(j0 + 5 < IB)
            def _():
                pltpu.async_copy(z_hbm.at[sidx_v.at[j0 + 5]], rows_b, sem_b)

            pltpu.make_async_copy(z_hbm.at[sidx_v.at[j0 + 2]], rows_c, sem_c).wait()
            pltpu.sync_copy(rows_c, acc_sh.at[didx_v.at[j0 + 2]], add=True)

            @pl.when(j0 + 6 < IB)
            def _():
                pltpu.async_copy(z_hbm.at[sidx_v.at[j0 + 6]], rows_c, sem_c)

            pltpu.make_async_copy(z_hbm.at[sidx_v.at[j0 + 3]], rows_d, sem_d).wait()
            pltpu.sync_copy(rows_d, acc_sh.at[didx_v.at[j0 + 3]], add=True)
            return 0

        lax.fori_loop(0, IB // 4, body, 0)
        return 0

    lax.fori_loop(0, NBT, outer, 0)
    plsc.subcore_barrier()

    def dbody(i, _):
        r0 = s * rows + i * ZR
        pltpu.sync_copy(acc_sh.at[pl.ds(r0, ZR)],
                        out_hbm.at[pl.ds(c * NPAD + r0, ZR)])
        return 0

    lax.fori_loop(0, rows // ZR, dbody, 0)


def _rsqrt_deg(a, b):
    deg = a[...] + b[...]
    return lax.rsqrt(jnp.maximum(deg, 1.0))


def _tc_first_body(feat_ref, dgo_a, dgo_b, w_ref, o_ref):
    nout = _rsqrt_deg(dgo_a[...], dgo_b[...])
    o_ref[...] = jnp.dot(feat_ref[...] * nout, w_ref[...],
                         preferred_element_type=jnp.float32)


def _tc_mid_body(agg_a, agg_b, dgi_a, dgi_b, dgo_a, dgo_b, b_ref, w_ref, o_ref):
    nin = _rsqrt_deg(dgi_a[...], dgi_b[...])
    h = jnp.maximum((agg_a[...] + agg_b[...]) * nin + b_ref[...], 0.0)
    nout = _rsqrt_deg(dgo_a[...], dgo_b[...])
    o_ref[...] = jnp.dot(h * nout, w_ref[...], preferred_element_type=jnp.float32)


def _tc_last_body(agg_a, agg_b, dgi_a, dgi_b, b_ref, o_ref):
    nin = _rsqrt_deg(dgi_a[...], dgi_b[...])
    o_ref[...] = (agg_a[...] + agg_b[...]) * nin + b_ref[...]


def _row_spec(off=0):
    return pl.BlockSpec((BLK, D), lambda i, _o=off: (i + _o, 0))


def _deg_spec(off=0):
    return pl.BlockSpec((BLK, 1), lambda i, _o=off: (i + _o, 0))


_W_SPEC = pl.BlockSpec((D, D), lambda i: (0, 0))
_B_SPEC = pl.BlockSpec((1, D), lambda i: (0, 0))
_OUT_SHAPE = jax.ShapeDtypeStruct((NPAD, D), jnp.float32)

_tc_first = pl.pallas_call(
    _tc_first_body,
    grid=(GRID,),
    in_specs=[_row_spec(), _deg_spec(), _deg_spec(GRID), _W_SPEC],
    out_specs=_row_spec(),
    out_shape=_OUT_SHAPE,
)

_tc_mid = pl.pallas_call(
    _tc_mid_body,
    grid=(GRID,),
    in_specs=[_row_spec(), _row_spec(GRID),
              _deg_spec(), _deg_spec(GRID),
              _deg_spec(), _deg_spec(GRID),
              _B_SPEC, _W_SPEC],
    out_specs=_row_spec(),
    out_shape=_OUT_SHAPE,
)

_tc_last = pl.pallas_call(
    _tc_last_body,
    grid=(GRID,),
    in_specs=[_row_spec(), _row_spec(GRID),
              _deg_spec(), _deg_spec(GRID),
              _B_SPEC],
    out_specs=_row_spec(),
    out_shape=_OUT_SHAPE,
)


def kernel(features, edge_index, W0, b0, W1, b1, W2, b2):
    src = edge_index[0].astype(jnp.int32)
    dst = edge_index[1].astype(jnp.int32)
    pad = jnp.full((EPAD - E,), PAD_IDX, jnp.int32)
    src_t = jnp.concatenate([src, pad]).reshape(NW * NBT, IB, CH)
    dst_t = jnp.concatenate([dst, pad]).reshape(NW * NBT, IB, CH)

    feat_p = jnp.pad(features, ((0, NPAD - N), (0, 0)))
    b0r = b0.reshape(1, D)
    b1r = b1.reshape(1, D)
    b2r = b2.reshape(1, D)

    dego, degi = _sc_degrees(src_t, dst_t)
    dego = dego.reshape(NC * NPAD, 1)
    degi = degi.reshape(NC * NPAD, 1)

    z0 = _tc_first(feat_p, dego, dego, W0)
    a0 = _sc_edge_agg(z0, src_t, dst_t)
    z1 = _tc_mid(a0, a0, degi, degi, dego, dego, b0r, W1)
    a1 = _sc_edge_agg(z1, src_t, dst_t)
    z2 = _tc_mid(a1, a1, degi, degi, dego, dego, b1r, W2)
    a2 = _sc_edge_agg(z2, src_t, dst_t)
    out = _tc_last(a2, a2, degi, degi, b2r)
    return out[:N]

# --- scband reference (transcript-rebuilt; emitter-appended) ---
"""Pipeline reference for scband-gcn-29583734735280 (READ-ONLY COPY).

The authoritative reference and input builder live on the scoring server;
editing this copy changes nothing except your own understanding.
"""

import jax, jax.numpy as jnp
import numpy as np

N = 10000
E = 320000
D_IN = 128
D_H = 128
D_OUT = 128


def setup_inputs(seed: int = 0) -> dict:
    key = jax.random.key(seed)
    ks = jax.random.split(key, 10)
    features = jax.random.normal(ks[0], (N, D_IN), dtype=jnp.float32)
    edge_index = jax.random.randint(ks[1], (2, E), 0, N, dtype=jnp.int64)
    # GraphConv weights (3 layers: in->hidden, hidden->hidden, hidden->out), glorot-ish scale
    W0 = jax.random.normal(ks[2], (D_IN, D_H), dtype=jnp.float32) * (1.0 / np.sqrt(D_IN))
    b0 = jnp.zeros((D_H,), dtype=jnp.float32)
    W1 = jax.random.normal(ks[3], (D_H, D_H), dtype=jnp.float32) * (1.0 / np.sqrt(D_H))
    b1 = jnp.zeros((D_H,), dtype=jnp.float32)
    W2 = jax.random.normal(ks[4], (D_H, D_OUT), dtype=jnp.float32) * (1.0 / np.sqrt(D_H))
    b2 = jnp.zeros((D_OUT,), dtype=jnp.float32)
    return {"features": features, "edge_index": edge_index,
            "W0": W0, "b0": b0, "W1": W1, "b1": b1, "W2": W2, "b2": b2}


def _graph_conv(h, src, dst, norm_out, norm_in, W, b, activation):
    # DGL GraphConv with norm='both': D_out^{-1/2} A D_in^{-1/2} h W + b
    h = h * norm_out[:, None]
    msgs = jnp.take(h, src, axis=0)
    agg = jax.ops.segment_sum(msgs, dst, num_segments=N)
    agg = agg * norm_in[:, None]
    out = agg @ W + b
    if activation:
        out = jax.nn.relu(out)
    return out


def reference(features, edge_index, W0, b0, W1, b1, W2, b2):
    src = edge_index[0]
    dst = edge_index[1]
    deg_out = jnp.bincount(src, length=N).astype(jnp.float32)
    deg_in = jnp.bincount(dst, length=N).astype(jnp.float32)
    norm_out = jnp.clip(deg_out, 1.0, None) ** -0.5
    norm_in = jnp.clip(deg_in, 1.0, None) ** -0.5
    h = features
    # layer 0: in -> hidden, relu (dropout is identity in eval mode)
    h = _graph_conv(h, src, dst, norm_out, norm_in, W0, b0, True)
    # layer 1: hidden -> hidden, relu
    h = _graph_conv(h, src, dst, norm_out, norm_in, W1, b1, True)
    # layer 2: hidden -> out, no activation
    h = _graph_conv(h, src, dst, norm_out, norm_in, W2, b2, False)
    return h

if __name__ == "__main__":
    import jax
    _d = setup_inputs()
    print(jax.jit(kernel)(*tuple(_d.values())))

</pallas_src>

<mosaic_0001>
#map = affine_map<(d0, d1) -> (0, 0, 0)>
#map1 = affine_map<(d0, d1) -> (0)>
module attributes {stable_mosaic.version = 14 : i64} {
  func.func @_sc_degrees(%arg0: i32, %arg1: i32, %arg2: memref<128x32x80xi32, #tpu.memory_space<hbm>>, %arg3: memref<128x32x80xi32, #tpu.memory_space<hbm>>, %arg4: memref<20480xf32, #tpu.memory_space<hbm>>, %arg5: memref<20480xf32, #tpu.memory_space<hbm>>, %arg6: memref<32x80xi32, #tpu.memory_space<vmem>>, %arg7: memref<32x80xi32, #tpu.memory_space<vmem>>, %arg8: memref<80xf32, #tpu.memory_space<vmem>>, %arg9: memref<640xf32, #tpu.memory_space<vmem>>, %arg10: memref<10240xf32, #tpu.memory_space<vmem_shared>>, %arg11: memref<10240xf32, #tpu.memory_space<vmem_shared>>) attributes {dimension_semantics = [#tpu.dimension_semantics<core_parallel>, #tpu.dimension_semantics<subcore_parallel>], iteration_bounds = array<i64: 2, 16>, scalar_prefetch = 0 : i64, scratch_operands = 6 : i64, tpu.core_type = #tpu.core_type<sc_vector_subcore>, window_params = [{transform_indices = #map}, {transform_indices = #map}, {transform_indices = #map1}, {transform_indices = #map1}]} {
    %mul3A = arith.constant 16 : i32
    %mul3A_0 = arith.muli %arg0, %mul3A : i32
    %add3A = arith.addi %mul3A_0, %arg1 : i32
    %broadcast_in_dim3A = arith.constant 1.000000e+00 : f32
    %broadcast_in_dim3A_1 = vector.broadcast %broadcast_in_dim3A : f32 to vector<16xf32>
    %broadcast_in_dim3A_2 = arith.constant 0.000000e+00 : f32
    %broadcast_in_dim3A_3 = vector.broadcast %broadcast_in_dim3A_2 : f32 to vector<16xf32>
    %scan3A = arith.constant 0 : i32
    %scan3A_4 = arith.constant 0 : i32
    %scan3A_5 = arith.constant 5 : i32
    %scan3A_6 = arith.addi %scan3A_4, %scan3A_5 : i32
    %scan3A_7 = arith.constant 1 : i32
    %scan3A_8 = scf.for %scan3A_43 = %scan3A_4 to %scan3A_6 step %scan3A_7 iter_args(%scan3A_44 = %scan3A) -> (i32)  : i32 {
      %mul3A_45 = arith.constant 16 : i32
      %mul3A_46 = arith.muli %scan3A_43, %mul3A_45 : i32
      %swap3A = arith.index_cast %mul3A_46 : i32 to index
      %swap3A_47 = tpu.vector_load %arg8[%swap3A] {strides = array<i32>} : memref<80xf32, #tpu.memory_space<vmem>>, vector<16xf32>,
      %swap3A_48 = vector.shape_cast %swap3A_47 : vector<16xf32> to vector<16xf32>
      %swap3A_49 = vector.shape_cast %broadcast_in_dim3A_1 : vector<16xf32> to vector<16xf32>
      tpu.vector_store %arg8[%swap3A], %swap3A_49 {strides = array<i32>} : memref<80xf32, #tpu.memory_space<vmem>>, vector<16xf32>,
      %scan3A_50 = arith.constant 0 : i32
      scf.yield %scan3A_50 : i32
    }
    %scan3A_9 = arith.constant 5 : i32
    %scan3A_10 = arith.constant 0 : i32
    %scan3A_11 = arith.constant 0 : i32
    %scan3A_12 = arith.constant 40 : i32
    %scan3A_13 = arith.addi %scan3A_11, %scan3A_12 : i32
    %scan3A_14 = arith.constant 1 : i32
    %scan3A_15 = scf.for %scan3A_43 = %scan3A_11 to %scan3A_13 step %scan3A_14 iter_args(%scan3A_44 = %scan3A_10) -> (i32)  : i32 {
      %mul3A_45 = arith.constant 16 : i32
      %mul3A_46 = arith.muli %scan3A_43, %mul3A_45 : i32
      %swap3A = arith.index_cast %mul3A_46 : i32 to index
      %swap3A_47 = tpu.vector_load %arg9[%swap3A] {strides = array<i32>} : memref<640xf32, #tpu.memory_space<vmem>>, vector<16xf32>,
      %swap3A_48 = vector.shape_cast %swap3A_47 : vector<16xf32> to vector<16xf32>
      %swap3A_49 = vector.shape_cast %broadcast_in_dim3A_3 : vector<16xf32> to vector<16xf32>
      tpu.vector_store %arg9[%swap3A], %swap3A_49 {strides = array<i32>} : memref<640xf32, #tpu.memory_space<vmem>>, vector<16xf32>,
      %scan3A_50 = arith.constant 0 : i32
      scf.yield %scan3A_50 : i32
    }
    %scan3A_16 = arith.constant 40 : i32
    %mul3A_17 = arith.constant 640 : i32
    %mul3A_18 = arith.muli %arg1, %mul3A_17 : i32
    "tpu.region"() ({
      %run_scoped3A = tpu.sem_alloc : memref<!tpu.dma_semaphore, #tpu.memory_space<semaphore_mem>>
      %dma_start3A = tpu.memref_slice %arg10[%mul3A_18] : memref<10240xf32, #tpu.memory_space<vmem_shared>> -> memref<640xf32, #tpu.memory_space<vmem_shared>>
      %dma_start3A_43 = tpu.memref_slice %arg10[%mul3A_18] : memref<10240xf32, #tpu.memory_space<vmem_shared>> -> memref<640xf32, #tpu.memory_space<vmem_shared>>
      tpu.enqueue_dma source(%arg9 : memref<640xf32, #tpu.memory_space<vmem>>) target(%dma_start3A_43 : memref<640xf32, #tpu.memory_space<vmem_shared>>) target_semaphore(%run_scoped3A : memref<!tpu.dma_semaphore, #tpu.memory_space<semaphore_mem>>)
      %dma_wait3A = tpu.memref_slice %arg10[%mul3A_18] : memref<10240xf32, #tpu.memory_space<vmem_shared>> -> memref<640xf32, #tpu.memory_space<vmem_shared>>
      %dma_wait3A_44 = tpu.memref_slice %arg10[%mul3A_18] : memref<10240xf32, #tpu.memory_space<vmem_shared>> -> memref<640xf32, #tpu.memory_space<vmem_shared>>
      tpu.wait_dma2 semaphore(%run_scoped3A : memref<!tpu.dma_semaphore, #tpu.memory_space<semaphore_mem>>) src(%arg9 : memref<640xf32, #tpu.memory_space<vmem>>) dst(%dma_wait3A_44 : memref<640xf32, #tpu.memory_space<vmem_shared>>)
      tpu.yield
    }) : () -> ()
    %mul3A_19 = arith.constant 640 : i32
    %mul3A_20 = arith.muli %arg1, %mul3A_19 : i32
    "tpu.region"() ({
      %run_scoped3A = tpu.sem_alloc : memref<!tpu.dma_semaphore, #tpu.memory_space<semaphore_mem>>
      %dma_start3A = tpu.memref_slice %arg11[%mul3A_20] : memref<10240xf32, #tpu.memory_space<vmem_shared>> -> memref<640xf32, #tpu.memory_space<vmem_shared>>
      %dma_start3A_43 = tpu.memref_slice %arg11[%mul3A_20] : memref<10240xf32, #tpu.memory_space<vmem_shared>> -> memref<640xf32, #tpu.memory_space<vmem_shared>>
      tpu.enqueue_dma source(%arg9 : memref<640xf32, #tpu.memory_space<vmem>>) target(%dma_start3A_43 : memref<640xf32, #tpu.memory_space<vmem_shared>>) target_semaphore(%run_scoped3A : memref<!tpu.dma_semaphore, #tpu.memory_space<semaphore_mem>>)
      %dma_wait3A = tpu.memref_slice %arg11[%mul3A_20] : memref<10240xf32, #tpu.memory_space<vmem_shared>> -> memref<640xf32, #tpu.memory_space<vmem_shared>>
      %dma_wait3A_44 = tpu.memref_slice %arg11[%mul3A_20] : memref<10240xf32, #tpu.memory_space<vmem_shared>> -> memref<640xf32, #tpu.memory_space<vmem_shared>>
      tpu.wait_dma2 semaphore(%run_scoped3A : memref<!tpu.dma_semaphore, #tpu.memory_space<semaphore_mem>>) src(%arg9 : memref<640xf32, #tpu.memory_space<vmem>>) dst(%dma_wait3A_44 : memref<640xf32, #tpu.memory_space<vmem_shared>>)
      tpu.yield
    }) : () -> ()
    %barrier3A = arith.constant 0 : index
    tpu.barrier barrier_id(%barrier3A)
    %scan3A_21 = arith.constant 0 : i32
    %scan3A_22 = arith.constant 0 : i32
    %scan3A_23 = arith.constant 4 : i32
    %scan3A_24 = arith.addi %scan3A_22, %scan3A_23 : i32
    %scan3A_25 = arith.constant 1 : i32
    %scan3A_26 = scf.for %scan3A_43 = %scan3A_22 to %scan3A_24 step %scan3A_25 iter_args(%scan3A_44 = %scan3A_21) -> (i32)  : i32 {
      %mul3A_45 = arith.constant 4 : i32
      %mul3A_46 = arith.muli %add3A, %mul3A_45 : i32
      %add3A_47 = arith.addi %mul3A_46, %scan3A_43 : i32
      "tpu.region"() ({
        %run_scoped3A = tpu.sem_alloc : memref<!tpu.dma_semaphore, #tpu.memory_space<semaphore_mem>>
        %dma_start3A = arith.constant 0 : i32
        %dma_start3A_59 = arith.constant 0 : i32
        %dma_start3A_60 = tpu.memref_slice %arg2[%add3A_47, %dma_start3A, %dma_start3A_59] : memref<128x32x80xi32, #tpu.memory_space<hbm>> -> memref<1x32x80xi32, #tpu.memory_space<hbm>>
        %dma_start3A_61 = tpu.memref_squeeze %dma_start3A_60 : memref<1x32x80xi32, #tpu.memory_space<hbm>> -> memref<32x80xi32, #tpu.memory_space<hbm>>
        %dma_start3A_62 = arith.constant 0 : i32
        %dma_start3A_63 = arith.constant 0 : i32
        %dma_start3A_64 = tpu.memref_slice %arg2[%add3A_47, %dma_start3A_62, %dma_start3A_63] : memref<128x32x80xi32, #tpu.memory_space<hbm>> -> memref<1x32x80xi32, #tpu.memory_space<hbm>>
        %dma_start3A_65 = tpu.memref_squeeze %dma_start3A_64 : memref<1x32x80xi32, #tpu.memory_space<hbm>> -> memref<32x80xi32, #tpu.memory_space<hbm>>
        tpu.enqueue_dma source(%dma_start3A_65 : memref<32x80xi32, #tpu.memory_space<hbm>>) target(%arg6 : memref<32x80xi32, #tpu.memory_space<vmem>>) target_semaphore(%run_scoped3A : memref<!tpu.dma_semaphore, #tpu.memory_space<semaphore_mem>>)
        %dma_wait3A = arith.constant 0 : i32
        %dma_wait3A_66 = arith.constant 0 : i32
        %dma_wait3A_67 = tpu.memref_slice %arg2[%add3A_47, %dma_wait3A, %dma_wait3A_66] : memref<128x32x80xi32, #tpu.memory_space<hbm>> -> memref<1x32x80xi32, #tpu.memory_space<hbm>>
        %dma_wait3A_68 = tpu.memref_squeeze %dma_wait3A_67 : memref<1x32x80xi32, #tpu.memory_space<hbm>> -> memref<32x80xi32, #tpu.memory_space<hbm>>
        %dma_wait3A_69 = arith.constant 0 : i32
        %dma_wait3A_70 = arith.constant 0 : i32
        %dma_wait3A_71 = tpu.memref_slice %arg2[%add3A_47, %dma_wait3A_69, %dma_wait3A_70] : memref<128x32x80xi32, #tpu.memory_space<hbm>> -> memref<1x32x80xi32, #tpu.memory_space<hbm>>
        %dma_wait3A_72 = tpu.memref_squeeze %dma_wait3A_71 : memref<1x32x80xi32, #tpu.memory_space<hbm>> -> memref<32x80xi32, #tpu.memory_space<hbm>>
        tpu.wait_dma2 semaphore(%run_scoped3A : memref<!tpu.dma_semaphore, #tpu.memory_space<semaphore_mem>>) src(%dma_wait3A_72 : memref<32x80xi32, #tpu.memory_space<hbm>>) dst(%arg6 : memref<32x80xi32, #tpu.memory_space<vmem>>)
        tpu.yield
      }) : () -> ()
      %mul3A_48 = arith.constant 4 : i32
      %mul3A_49 = arith.muli %add3A, %mul3A_48 : i32
      %add3A_50 = arith.addi %mul3A_49, %scan3A_43 : i32
      "tpu.region"() ({
        %run_scoped3A = tpu.sem_alloc : memref<!tpu.dma_semaphore, #tpu.memory_space<semaphore_mem>>
        %dma_start3A = arith.constant 0 : i32
        %dma_start3A_59 = arith.constant 0 : i32
        %dma_start3A_60 = tpu.memref_slice %arg3[%add3A_50, %dma_start3A, %dma_start3A_59] : memref<128x32x80xi32, #tpu.memory_space<hbm>> -> memref<1x32x80xi32, #tpu.memory_space<hbm>>
        %dma_start3A_61 = tpu.memref_squeeze %dma_start3A_60 : memref<1x32x80xi32, #tpu.memory_space<hbm>> -> memref<32x80xi32, #tpu.memory_space<hbm>>
        %dma_start3A_62 = arith.constant 0 : i32
        %dma_start3A_63 = arith.constant 0 : i32
        %dma_start3A_64 = tpu.memref_slice %arg3[%add3A_50, %dma_start3A_62, %dma_start3A_63] : memref<128x32x80xi32, #tpu.memory_space<hbm>> -> memref<1x32x80xi32, #tpu.memory_space<hbm>>
        %dma_start3A_65 = tpu.memref_squeeze %dma_start3A_64 : memref<1x32x80xi32, #tpu.memory_space<hbm>> -> memref<32x80xi32, #tpu.memory_space<hbm>>
        tpu.enqueue_dma source(%dma_start3A_65 : memref<32x80xi32, #tpu.memory_space<hbm>>) target(%arg7 : memref<32x80xi32, #tpu.memory_space<vmem>>) target_semaphore(%run_scoped3A : memref<!tpu.dma_semaphore, #tpu.memory_space<semaphore_mem>>)
        %dma_wait3A = arith.constant 0 : i32
        %dma_wait3A_66 = arith.constant 0 : i32
        %dma_wait3A_67 = tpu.memref_slice %arg3[%add3A_50, %dma_wait3A, %dma_wait3A_66] : memref<128x32x80xi32, #tpu.memory_space<hbm>> -> memref<1x32x80xi32, #tpu.memory_space<hbm>>
        %dma_wait3A_68 = tpu.memref_squeeze %dma_wait3A_67 : memref<1x32x80xi32, #tpu.memory_space<hbm>> -> memref<32x80xi32, #tpu.memory_space<hbm>>
        %dma_wait3A_69 = arith.constant 0 : i32
        %dma_wait3A_70 = arith.constant 0 : i32
        %dma_wait3A_71 = tpu.memref_slice %arg3[%add3A_50, %dma_wait3A_69, %dma_wait3A_70] : memref<128x32x80xi32, #tpu.memory_space<hbm>> -> memref<1x32x80xi32, #tpu.memory_space<hbm>>
        %dma_wait3A_72 = tpu.memref_squeeze %dma_wait3A_71 : memref<1x32x80xi32, #tpu.memory_space<hbm>> -> memref<32x80xi32, #tpu.memory_space<hbm>>
        tpu.wait_dma2 semaphore(%run_scoped3A : memref<!tpu.dma_semaphore, #tpu.memory_space<semaphore_mem>>) src(%dma_wait3A_72 : memref<32x80xi32, #tpu.memory_space<hbm>>) dst(%arg7 : memref<32x80xi32, #tpu.memory_space<vmem>>)
        tpu.yield
      }) : () -> ()
      %scan3A_51 = arith.constant 0 : i32
      %scan3A_52 = arith.constant 0 : i32
      %scan3A_53 = arith.constant 32 : i32
      %scan3A_54 = arith.addi %scan3A_52, %scan3A_53 : i32
      %scan3A_55 = arith.constant 1 : i32
      %scan3A_56 = scf.for %scan3A_59 = %scan3A_52 to %scan3A_54 step %scan3A_55 iter_args(%scan3A_60 = %scan3A_51) -> (i32)  : i32 {
        "tpu.region"() ({
          %run_scoped3A = tpu.sem_alloc : memref<!tpu.dma_semaphore, #tpu.memory_space<semaphore_mem>>
          %dma_start3A = arith.constant 0 : i32
          %dma_start3A_62 = tpu.memref_slice %arg6[%scan3A_59, %dma_start3A] : memref<32x80xi32, #tpu.memory_space<vmem>> -> memref<1x80xi32, #tpu.memory_space<vmem>>
          %dma_start3A_63 = tpu.memref_squeeze %dma_start3A_62 : memref<1x80xi32, #tpu.memory_space<vmem>> -> memref<80xi32, #tpu.memory_space<vmem>>
          %dma_start3A_64 = arith.constant 0 : i32
          %dma_start3A_65 = tpu.memref_slice %arg10[%dma_start3A_64] : memref<10240xf32, #tpu.memory_space<vmem_shared>> -> memref<10240xf32, #tpu.memory_space<vmem_shared>>
          tpu.enqueue_indirect_dma source(%arg8 : memref<80xf32, #tpu.memory_space<vmem>>) target(%dma_start3A_65 : memref<10240xf32, #tpu.memory_space<vmem_shared>>) offsets(%dma_start3A_63 : memref<80xi32, #tpu.memory_space<vmem>>) semaphore(%run_scoped3A : memref<!tpu.dma_semaphore, #tpu.memory_space<semaphore_mem>>) {add = true}
          %dma_wait3A = arith.constant 0 : i32
          %dma_wait3A_66 = tpu.memref_slice %arg6[%scan3A_59, %dma_wait3A] : memref<32x80xi32, #tpu.memory_space<vmem>> -> memref<1x80xi32, #tpu.memory_space<vmem>>
          %dma_wait3A_67 = tpu.memref_squeeze %dma_wait3A_66 : memref<1x80xi32, #tpu.memory_space<vmem>> -> memref<80xi32, #tpu.memory_space<vmem>>
          %dma_wait3A_68 = arith.constant 0 : i32
          %dma_wait3A_69 = tpu.memref_slice %arg10[%dma_wait3A_68] : memref<10240xf32, #tpu.memory_space<vmem_shared>> -> memref<10240xf32, #tpu.memory_space<vmem_shared>>
          tpu.wait_indirect_dma semaphore(%run_scoped3A : memref<!tpu.dma_semaphore, #tpu.memory_space<semaphore_mem>>) src(%arg8 : memref<80xf32, #tpu.memory_space<vmem>>) dst(%dma_wait3A_69 : memref<10240xf32, #tpu.memory_space<vmem_shared>>)
          tpu.yield
        }) : () -> ()
        "tpu.region"() ({
          %run_scoped3A = tpu.sem_alloc : memref<!tpu.dma_semaphore, #tpu.memory_space<semaphore_mem>>
          %dma_start3A = arith.constant 0 : i32
          %dma_start3A_62 = tpu.memref_slice %arg7[%scan3A_59, %dma_start3A] : memref<32x80xi32, #tpu.memory_space<vmem>> -> memref<1x80xi32, #tpu.memory_space<vmem>>
          %dma_start3A_63 = tpu.memref_squeeze %dma_start3A_62 : memref<1x80xi32, #tpu.memory_space<vmem>> -> memref<80xi32, #tpu.memory_space<vmem>>
          %dma_start3A_64 = arith.constant 0 : i32
          %dma_start3A_65 = tpu.memref_slice %arg11[%dma_start3A_64] : memref<10240xf32, #tpu.memory_space<vmem_shared>> -> memref<10240xf32, #tpu.memory_space<vmem_shared>>
          tpu.enqueue_indirect_dma source(%arg8 : memref<80xf32, #tpu.memory_space<vmem>>) target(%dma_start3A_65 : memref<10240xf32, #tpu.memory_space<vmem_shared>>) offsets(%dma_start3A_63 : memref<80xi32, #tpu.memory_space<vmem>>) semaphore(%run_scoped3A : memref<!tpu.dma_semaphore, #tpu.memory_space<semaphore_mem>>) {add = true}
          %dma_wait3A = arith.constant 0 : i32
          %dma_wait3A_66 = tpu.memref_slice %arg7[%scan3A_59, %dma_wait3A] : memref<32x80xi32, #tpu.memory_space<vmem>> -> memref<1x80xi32, #tpu.memory_space<vmem>>
          %dma_wait3A_67 = tpu.memref_squeeze %dma_wait3A_66 : memref<1x80xi32, #tpu.memory_space<vmem>> -> memref<80xi32, #tpu.memory_space<vmem>>
          %dma_wait3A_68 = arith.constant 0 : i32
          %dma_wait3A_69 = tpu.memref_slice %arg11[%dma_wait3A_68] : memref<10240xf32, #tpu.memory_space<vmem_shared>> -> memref<10240xf32, #tpu.memory_space<vmem_shared>>
          tpu.wait_indirect_dma semaphore(%run_scoped3A : memref<!tpu.dma_semaphore, #tpu.memory_space<semaphore_mem>>) src(%arg8 : memref<80xf32, #tpu.memory_space<vmem>>) dst(%dma_wait3A_69 : memref<10240xf32, #tpu.memory_space<vmem_shared>>)
          tpu.yield
        }) : () -> ()
        %scan3A_61 = arith.constant 0 : i32
        scf.yield %scan3A_61 : i32
      }
      %scan3A_57 = arith.constant 32 : i32
      %scan3A_58 = arith.constant 0 : i32
      scf.yield %scan3A_58 : i32
    }
    %scan3A_27 = arith.constant 4 : i32
    %barrier3A_28 = arith.constant 0 : index
    tpu.barrier barrier_id(%barrier3A_28)
    %mul3A_29 = arith.constant 640 : i32
    %mul3A_30 = arith.muli %arg1, %mul3A_29 : i32
    %mul3A_31 = arith.constant 10240 : i32
    %mul3A_32 = arith.muli %arg0, %mul3A_31 : i32
    %mul3A_33 = arith.constant 640 : i32
    %mul3A_34 = arith.muli %arg1, %mul3A_33 : i32
    %add3A_35 = arith.addi %mul3A_32, %mul3A_34 : i32
    "tpu.region"() ({
      %run_scoped3A = tpu.sem_alloc : memref<!tpu.dma_semaphore, #tpu.memory_space<semaphore_mem>>
      %dma_start3A = tpu.memref_slice %arg4[%add3A_35] : memref<20480xf32, #tpu.memory_space<hbm>> -> memref<640xf32, #tpu.memory_space<hbm>>
      %dma_start3A_43 = tpu.memref_slice %arg10[%mul3A_30] : memref<10240xf32, #tpu.memory_space<vmem_shared>> -> memref<640xf32, #tpu.memory_space<vmem_shared>>
      tpu.enqueue_dma source(%dma_start3A_43 : memref<640xf32, #tpu.memory_space<vmem_shared>>) target(%dma_start3A : memref<640xf32, #tpu.memory_space<hbm>>) target_semaphore(%run_scoped3A : memref<!tpu.dma_semaphore, #tpu.memory_space<semaphore_mem>>)
      %dma_wait3A = tpu.memref_slice %arg4[%add3A_35] : memref<20480xf32, #tpu.memory_space<hbm>> -> memref<640xf32, #tpu.memory_space<hbm>>
      %dma_wait3A_44 = tpu.memref_slice %arg10[%mul3A_30] : memref<10240xf32, #tpu.memory_space<vmem_shared>> -> memref<640xf32, #tpu.memory_space<vmem_shared>>
      tpu.wait_dma2 semaphore(%run_scoped3A : memref<!tpu.dma_semaphore, #tpu.memory_space<semaphore_mem>>) src(%dma_wait3A_44 : memref<640xf32, #tpu.memory_space<vmem_shared>>) dst(%dma_wait3A : memref<640xf32, #tpu.memory_space<hbm>>)
      tpu.yield
    }) : () -> ()
    %mul3A_36 = arith.constant 640 : i32
    %mul3A_37 = arith.muli %arg1, %mul3A_36 : i32
    %mul3A_38 = arith.constant 10240 : i32
    %mul3A_39 = arith.muli %arg0, %mul3A_38 : i32
    %mul3A_40 = arith.constant 640 : i32
    %mul3A_41 = arith.muli %arg1, %mul3A_40 : i32
    %add3A_42 = arith.addi %mul3A_39, %mul3A_41 : i32
    "tpu.region"() ({
      %run_scoped3A = tpu.sem_alloc : memref<!tpu.dma_semaphore, #tpu.memory_space<semaphore_mem>>
      %dma_start3A = tpu.memref_slice %arg5[%add3A_42] : memref<20480xf32, #tpu.memory_space<hbm>> -> memref<640xf32, #tpu.memory_space<hbm>>
      %dma_start3A_43 = tpu.memref_slice %arg11[%mul3A_37] : memref<10240xf32, #tpu.memory_space<vmem_shared>> -> memref<640xf32, #tpu.memory_space<vmem_shared>>
      tpu.enqueue_dma source(%dma_start3A_43 : memref<640xf32, #tpu.memory_space<vmem_shared>>) target(%dma_start3A : memref<640xf32, #tpu.memory_space<hbm>>) target_semaphore(%run_scoped3A : memref<!tpu.dma_semaphore, #tpu.memory_space<semaphore_mem>>)
      %dma_wait3A = tpu.memref_slice %arg5[%add3A_42] : memref<20480xf32, #tpu.memory_space<hbm>> -> memref<640xf32, #tpu.memory_space<hbm>>
      %dma_wait3A_44 = tpu.memref_slice %arg11[%mul3A_37] : memref<10240xf32, #tpu.memory_space<vmem_shared>> -> memref<640xf32, #tpu.memory_space<vmem_shared>>
      tpu.wait_dma2 semaphore(%run_scoped3A : memref<!tpu.dma_semaphore, #tpu.memory_space<semaphore_mem>>) src(%dma_wait3A_44 : memref<640xf32, #tpu.memory_space<vmem_shared>>) dst(%dma_wait3A : memref<640xf32, #tpu.memory_space<hbm>>)
      tpu.yield
    }) : () -> ()
    return
  }
}

#map = affine_map<(d0, d1) -> (0, 0)>
#map1 = affine_map<(d0, d1) -> (0, 0, 0)>
module attributes {stable_mosaic.version = 14 : i64} {
  func.func @_sc_edge_agg(%arg0: i32, %arg1: i32, %arg2: memref<10240x128xf32, #tpu.memory_space<hbm>>, %arg3: memref<128x32x80xi32, #tpu.memory_space<hbm>>, %arg4: memref<128x32x80xi32, #tpu.memory_space<hbm>>, %arg5: memref<20480x128xf32, #tpu.memory_space<hbm>>, %arg6: memref<32x80xi32, #tpu.memory_space<vmem>>, %arg7: memref<32x80xi32, #tpu.memory_space<vmem>>, %arg8: memref<80x128xf32, #tpu.memory_space<vmem>>, %arg9: memref<80x128xf32, #tpu.memory_space<vmem>>, %arg10: memref<80x128xf32, #tpu.memory_space<vmem>>, %arg11: memref<80x128xf32, #tpu.memory_space<vmem>>, %arg12: memref<10240x128xf32, #tpu.memory_space<vmem_shared>>, %arg13: memref<!tpu.dma_semaphore, #tpu.memory_space<semaphore_mem>>, %arg14: memref<!tpu.dma_semaphore, #tpu.memory_space<semaphore_mem>>, %arg15: memref<!tpu.dma_semaphore, #tpu.memory_space<semaphore_mem>>, %arg16: memref<!tpu.dma_semaphore, #tpu.memory_space<semaphore_mem>>) attributes {dimension_semantics = [#tpu.dimension_semantics<core_parallel>, #tpu.dimension_semantics<subcore_parallel>], iteration_bounds = array<i64: 2, 16>, scalar_prefetch = 0 : i64, scratch_operands = 11 : i64, tpu.core_type = #tpu.core_type<sc_vector_subcore>, window_params = [{transform_indices = #map}, {transform_indices = #map1}, {transform_indices = #map1}, {transform_indices = #map}]} {
    %mul3A = arith.constant 16 : i32
    %mul3A_0 = arith.muli %arg0, %mul3A : i32
    %add3A = arith.addi %mul3A_0, %arg1 : i32
    %broadcast_in_dim3A = arith.constant 0.000000e+00 : f32
    %broadcast_in_dim3A_1 = vector.broadcast %broadcast_in_dim3A : f32 to vector<16xf32>
    %scan3A = arith.constant 0 : i32
    %scan3A_2 = arith.constant 0 : i32
    %scan3A_3 = arith.constant 640 : i32
    %scan3A_4 = arith.addi %scan3A_2, %scan3A_3 : i32
    %scan3A_5 = arith.constant 1 : i32
    %scan3A_6 = scf.for %scan3A_30 = %scan3A_2 to %scan3A_4 step %scan3A_5 iter_args(%scan3A_31 = %scan3A) -> (i32)  : i32 {
      %jit3A = arith.constant 8 : i32
      %div3A = arith.divsi %scan3A_30, %jit3A : i32
      %sign3A = arith.constant 0 : i32
      %sign3A_32 = arith.cmpi sgt, %scan3A_30, %sign3A : i32
      %sign3A_33 = arith.extui %sign3A_32 : i1 to i32
      %sign3A_34 = arith.constant 0 : i32
      %sign3A_35 = arith.cmpi slt, %scan3A_30, %sign3A_34 : i32
      %sign3A_36 = arith.extui %sign3A_35 : i1 to i32
      %sign3A_37 = arith.subi %sign3A_33, %sign3A_36 : i32
      %sign3A_38 = arith.constant 0 : i32
      %sign3A_39 = arith.cmpi sgt, %jit3A, %sign3A_38 : i32
      %sign3A_40 = arith.extui %sign3A_39 : i1 to i32
      %sign3A_41 = arith.constant 0 : i32
      %sign3A_42 = arith.cmpi slt, %jit3A, %sign3A_41 : i32
      %sign3A_43 = arith.extui %sign3A_42 : i1 to i32
      %sign3A_44 = arith.subi %sign3A_40, %sign3A_43 : i32
      %ne3A = arith.cmpi ne, %sign3A_37, %sign3A_44 : i32
      %rem3A = arith.remsi %scan3A_30, %jit3A : i32
      %ne3A_45 = arith.constant 0 : i32
      %ne3A_46 = arith.cmpi ne, %rem3A, %ne3A_45 : i32
      %and3A = arith.andi %ne3A, %ne3A_46 : i1
      %sub3A = arith.constant 1 : i32
      %sub3A_47 = arith.subi %div3A, %sub3A : i32
      %select_n3A = arith.select %and3A, %sub3A_47, %div3A : i32
      %jit3A_48 = arith.constant 8 : i32
      %eq3A = arith.constant 0 : i32
      %eq3A_49 = arith.cmpi eq, %jit3A_48, %eq3A : i32
      %jit3A_50 = arith.constant 1 : i32
      %select_n3A_51 = arith.select %eq3A_49, %jit3A_50, %jit3A_48 : i32
      %rem3A_52 = arith.remsi %scan3A_30, %select_n3A_51 : i32
      %ne3A_53 = arith.constant 0 : i32
      %ne3A_54 = arith.cmpi ne, %rem3A_52, %ne3A_53 : i32
      %lt3A = arith.constant 0 : i32
      %lt3A_55 = arith.cmpi slt, %rem3A_52, %lt3A : i32
      %lt3A_56 = arith.constant 0 : i32
      %lt3A_57 = arith.cmpi slt, %select_n3A_51, %lt3A_56 : i32
      %ne3A_58 = arith.xori %lt3A_55, %lt3A_57 : i1
      %and3A_59 = arith.andi %ne3A_58, %ne3A_54 : i1
      %add3A_60 = arith.addi %rem3A_52, %select_n3A_51 : i32
      %select_n3A_61 = arith.select %and3A_59, %add3A_60, %rem3A_52 : i32
      %mul3A_62 = arith.constant 16 : i32
      %mul3A_63 = arith.muli %select_n3A_61, %mul3A_62 : i32
      %swap3A = arith.index_cast %select_n3A : i32 to index
      %swap3A_64 = arith.index_cast %mul3A_63 : i32 to index
      %swap3A_65 = tpu.vector_load %arg8[%swap3A, %swap3A_64] {strides = array<i32>} : memref<80x128xf32, #tpu.memory_space<vmem>>, vector<1x16xf32>,
      %swap3A_66 = vector.shape_cast %swap3A_65 : vector<1x16xf32> to vector<16xf32>
      %swap3A_67 = vector.shape_cast %broadcast_in_dim3A_1 : vector<16xf32> to vector<1x16xf32>
      tpu.vector_store %arg8[%swap3A, %swap3A_64], %swap3A_67 {strides = array<i32>} : memref<80x128xf32, #tpu.memory_space<vmem>>, vector<1x16xf32>,
      %scan3A_68 = arith.constant 0 : i32
      scf.yield %scan3A_68 : i32
    }
    %scan3A_7 = arith.constant 640 : i32
    %scan3A_8 = arith.constant 0 : i32
    %scan3A_9 = arith.constant 0 : i32
    %scan3A_10 = arith.constant 8 : i32
    %scan3A_11 = arith.addi %scan3A_9, %scan3A_10 : i32
    %scan3A_12 = arith.constant 1 : i32
    %scan3A_13 = scf.for %scan3A_30 = %scan3A_9 to %scan3A_11 step %scan3A_12 iter_args(%scan3A_31 = %scan3A_8) -> (i32)  : i32 {
      %mul3A_32 = arith.constant 640 : i32
      %mul3A_33 = arith.muli %arg1, %mul3A_32 : i32
      %mul3A_34 = arith.constant 80 : i32
      %mul3A_35 = arith.muli %scan3A_30, %mul3A_34 : i32
      %add3A_36 = arith.addi %mul3A_33, %mul3A_35 : i32
      "tpu.region"() ({
        %run_scoped3A = tpu.sem_alloc : memref<!tpu.dma_semaphore, #tpu.memory_space<semaphore_mem>>
        %dma_start3A = arith.constant 0 : i32
        %dma_start3A_38 = arith.constant 0 : i32
        %dma_start3A_39 = tpu.memref_slice %arg8[%dma_start3A, %dma_start3A_38] : memref<80x128xf32, #tpu.memory_space<vmem>> -> memref<80x128xf32, #tpu.memory_space<vmem>>
        %dma_start3A_40 = arith.constant 0 : i32
        %dma_start3A_41 = tpu.memref_slice %arg12[%add3A_36, %dma_start3A_40] : memref<10240x128xf32, #tpu.memory_space<vmem_shared>> -> memref<80x128xf32, #tpu.memory_space<vmem_shared>>
        %dma_start3A_42 = arith.constant 0 : i32
        %dma_start3A_43 = tpu.memref_slice %arg12[%add3A_36, %dma_start3A_42] : memref<10240x128xf32, #tpu.memory_space<vmem_shared>> -> memref<80x128xf32, #tpu.memory_space<vmem_shared>>
        %dma_start3A_44 = arith.constant 0 : i32
        %dma_start3A_45 = arith.constant 0 : i32
        %dma_start3A_46 = tpu.memref_slice %arg8[%dma_start3A_44, %dma_start3A_45] : memref<80x128xf32, #tpu.memory_space<vmem>> -> memref<80x128xf32, #tpu.memory_space<vmem>>
        tpu.enqueue_dma source(%dma_start3A_46 : memref<80x128xf32, #tpu.memory_space<vmem>>) target(%dma_start3A_43 : memref<80x128xf32, #tpu.memory_space<vmem_shared>>) target_semaphore(%run_scoped3A : memref<!tpu.dma_semaphore, #tpu.memory_space<semaphore_mem>>)
        %dma_wait3A = arith.constant 0 : i32
        %dma_wait3A_47 = arith.constant 0 : i32
        %dma_wait3A_48 = tpu.memref_slice %arg8[%dma_wait3A, %dma_wait3A_47] : memref<80x128xf32, #tpu.memory_space<vmem>> -> memref<80x128xf32, #tpu.memory_space<vmem>>
        %dma_wait3A_49 = arith.constant 0 : i32
        %dma_wait3A_50 = tpu.memref_slice %arg12[%add3A_36, %dma_wait3A_49] : memref<10240x128xf32, #tpu.memory_space<vmem_shared>> -> memref<80x128xf32, #tpu.memory_space<vmem_shared>>
        %dma_wait3A_51 = arith.constant 0 : i32
        %dma_wait3A_52 = tpu.memref_slice %arg12[%add3A_36, %dma_wait3A_51] : memref<10240x128xf32, #tpu.memory_space<vmem_shared>> -> memref<80x128xf32, #tpu.memory_space<vmem_shared>>
        %dma_wait3A_53 = arith.constant 0 : i32
        %dma_wait3A_54 = arith.constant 0 : i32
        %dma_wait3A_55 = tpu.memref_slice %arg8[%dma_wait3A_53, %dma_wait3A_54] : memref<80x128xf32, #tpu.memory_space<vmem>> -> memref<80x128xf32, #tpu.memory_space<vmem>>
        tpu.wait_dma2 semaphore(%run_scoped3A : memref<!tpu.dma_semaphore, #tpu.memory_space<semaphore_mem>>) src(%dma_wait3A_55 : memref<80x128xf32, #tpu.memory_space<vmem>>) dst(%dma_wait3A_52 : memref<80x128xf32, #tpu.memory_space<vmem_shared>>)
        tpu.yield
      }) : () -> ()
      %scan3A_37 = arith.constant 0 : i32
      scf.yield %scan3A_37 : i32
    }
    %scan3A_14 = arith.constant 8 : i32
    %barrier3A = arith.constant 0 : index
    tpu.barrier barrier_id(%barrier3A)
    %scan3A_15 = arith.constant 0 : i32
    %scan3A_16 = arith.constant 0 : i32
    %scan3A_17 = arith.constant 4 : i32
    %scan3A_18 = arith.addi %scan3A_16, %scan3A_17 : i32
    %scan3A_19 = arith.constant 1 : i32
    %scan3A_20 = scf.for %scan3A_30 = %scan3A_16 to %scan3A_18 step %scan3A_19 iter_args(%scan3A_31 = %scan3A_15) -> (i32)  : i32 {
      %mul3A_32 = arith.constant 4 : i32
      %mul3A_33 = arith.muli %add3A, %mul3A_32 : i32
      %add3A_34 = arith.addi %mul3A_33, %scan3A_30 : i32
      "tpu.region"() ({
        %run_scoped3A = tpu.sem_alloc : memref<!tpu.dma_semaphore, #tpu.memory_space<semaphore_mem>>
        %dma_start3A_66 = arith.constant 0 : i32
        %dma_start3A_67 = arith.constant 0 : i32
        %dma_start3A_68 = tpu.memref_slice %arg3[%add3A_34, %dma_start3A_66, %dma_start3A_67] : memref<128x32x80xi32, #tpu.memory_space<hbm>> -> memref<1x32x80xi32, #tpu.memory_space<hbm>>
        %dma_start3A_69 = tpu.memref_squeeze %dma_start3A_68 : memref<1x32x80xi32, #tpu.memory_space<hbm>> -> memref<32x80xi32, #tpu.memory_space<hbm>>
        %dma_start3A_70 = arith.constant 0 : i32
        %dma_start3A_71 = arith.constant 0 : i32
        %dma_start3A_72 = tpu.memref_slice %arg3[%add3A_34, %dma_start3A_70, %dma_start3A_71] : memref<128x32x80xi32, #tpu.memory_space<hbm>> -> memref<1x32x80xi32, #tpu.memory_space<hbm>>
        %dma_start3A_73 = tpu.memref_squeeze %dma_start3A_72 : memref<1x32x80xi32, #tpu.memory_space<hbm>> -> memref<32x80xi32, #tpu.memory_space<hbm>>
        tpu.enqueue_dma source(%dma_start3A_73 : memref<32x80xi32, #tpu.memory_space<hbm>>) target(%arg6 : memref<32x80xi32, #tpu.memory_space<vmem>>) target_semaphore(%run_scoped3A : memref<!tpu.dma_semaphore, #tpu.memory_space<semaphore_mem>>)
        %dma_wait3A = arith.constant 0 : i32
        %dma_wait3A_74 = arith.constant 0 : i32
        %dma_wait3A_75 = tpu.memref_slice %arg3[%add3A_34, %dma_wait3A, %dma_wait3A_74] : memref<128x32x80xi32, #tpu.memory_space<hbm>> -> memref<1x32x80xi32, #tpu.memory_space<hbm>>
        %dma_wait3A_76 = tpu.memref_squeeze %dma_wait3A_75 : memref<1x32x80xi32, #tpu.memory_space<hbm>> -> memref<32x80xi32, #tpu.memory_space<hbm>>
        %dma_wait3A_77 = arith.constant 0 : i32
        %dma_wait3A_78 = arith.constant 0 : i32
        %dma_wait3A_79 = tpu.memref_slice %arg3[%add3A_34, %dma_wait3A_77, %dma_wait3A_78] : memref<128x32x80xi32, #tpu.memory_space<hbm>> -> memref<1x32x80xi32, #tpu.memory_space<hbm>>
        %dma_wait3A_80 = tpu.memref_squeeze %dma_wait3A_79 : memref<1x32x80xi32, #tpu.memory_space<hbm>> -> memref<32x80xi32, #tpu.memory_space<hbm>>
        tpu.wait_dma2 semaphore(%run_scoped3A : memref<!tpu.dma_semaphore, #tpu.memory_space<semaphore_mem>>) src(%dma_wait3A_80 : memref<32x80xi32, #tpu.memory_space<hbm>>) dst(%arg6 : memref<32x80xi32, #tpu.memory_space<vmem>>)
        tpu.yield
      }) : () -> ()
      %mul3A_35 = arith.constant 4 : i32
      %mul3A_36 = arith.muli %add3A, %mul3A_35 : i32
      %add3A_37 = arith.addi %mul3A_36, %scan3A_30 : i32
      "tpu.region"() ({
        %run_scoped3A = tpu.sem_alloc : memref<!tpu.dma_semaphore, #tpu.memory_space<semaphore_mem>>
        %dma_start3A_66 = arith.constant 0 : i32
        %dma_start3A_67 = arith.constant 0 : i32
        %dma_start3A_68 = tpu.memref_slice %arg4[%add3A_37, %dma_start3A_66, %dma_start3A_67] : memref<128x32x80xi32, #tpu.memory_space<hbm>> -> memref<1x32x80xi32, #tpu.memory_space<hbm>>
        %dma_start3A_69 = tpu.memref_squeeze %dma_start3A_68 : memref<1x32x80xi32, #tpu.memory_space<hbm>> -> memref<32x80xi32, #tpu.memory_space<hbm>>
        %dma_start3A_70 = arith.constant 0 : i32
        %dma_start3A_71 = arith.constant 0 : i32
        %dma_start3A_72 = tpu.memref_slice %arg4[%add3A_37, %dma_start3A_70, %dma_start3A_71] : memref<128x32x80xi32, #tpu.memory_space<hbm>> -> memref<1x32x80xi32, #tpu.memory_space<hbm>>
        %dma_start3A_73 = tpu.memref_squeeze %dma_start3A_72 : memref<1x32x80xi32, #tpu.memory_space<hbm>> -> memref<32x80xi32, #tpu.memory_space<hbm>>
        tpu.enqueue_dma source(%dma_start3A_73 : memref<32x80xi32, #tpu.memory_space<hbm>>) target(%arg7 : memref<32x80xi32, #tpu.memory_space<vmem>>) target_semaphore(%run_scoped3A : memref<!tpu.dma_semaphore, #tpu.memory_space<semaphore_mem>>)
        %dma_wait3A = arith.constant 0 : i32
        %dma_wait3A_74 = arith.constant 0 : i32
        %dma_wait3A_75 = tpu.memref_slice %arg4[%add3A_37, %dma_wait3A, %dma_wait3A_74] : memref<128x32x80xi32, #tpu.memory_space<hbm>> -> memref<1x32x80xi32, #tpu.memory_space<hbm>>
        %dma_wait3A_76 = tpu.memref_squeeze %dma_wait3A_75 : memref<1x32x80xi32, #tpu.memory_space<hbm>> -> memref<32x80xi32, #tpu.memory_space<hbm>>
        %dma_wait3A_77 = arith.constant 0 : i32
        %dma_wait3A_78 = arith.constant 0 : i32
        %dma_wait3A_79 = tpu.memref_slice %arg4[%add3A_37, %dma_wait3A_77, %dma_wait3A_78] : memref<128x32x80xi32, #tpu.memory_space<hbm>> -> memref<1x32x80xi32, #tpu.memory_space<hbm>>
        %dma_wait3A_80 = tpu.memref_squeeze %dma_wait3A_79 : memref<1x32x80xi32, #tpu.memory_space<hbm>> -> memref<32x80xi32, #tpu.memory_space<hbm>>
        tpu.wait_dma2 semaphore(%run_scoped3A : memref<!tpu.dma_semaphore, #tpu.memory_space<semaphore_mem>>) src(%dma_wait3A_80 : memref<32x80xi32, #tpu.memory_space<hbm>>) dst(%arg7 : memref<32x80xi32, #tpu.memory_space<vmem>>)
        tpu.yield
      }) : () -> ()
      %dma_start3A = arith.constant 0 : i32
      %dma_start3A_38 = arith.constant 0 : i32
      %dma_start3A_39 = tpu.memref_slice %arg6[%dma_start3A, %dma_start3A_38] : memref<32x80xi32, #tpu.memory_space<vmem>> -> memref<1x80xi32, #tpu.memory_space<vmem>>
      %dma_start3A_40 = tpu.memref_squeeze %dma_start3A_39 : memref<1x80xi32, #tpu.memory_space<vmem>> -> memref<80xi32, #tpu.memory_space<vmem>>
      %dma_start3A_41 = arith.constant 0 : i32
      %dma_start3A_42 = arith.constant 0 : i32
      %dma_start3A_43 = tpu.memref_slice %arg2[%dma_start3A_41, %dma_start3A_42] : memref<10240x128xf32, #tpu.memory_space<hbm>> -> memref<10240x128xf32, #tpu.memory_space<hbm>>
      tpu.enqueue_indirect_dma source(%dma_start3A_43 : memref<10240x128xf32, #tpu.memory_space<hbm>>) target(%arg8 : memref<80x128xf32, #tpu.memory_space<vmem>>) offsets(%dma_start3A_40 : memref<80xi32, #tpu.memory_space<vmem>>) semaphore(%arg13 : memref<!tpu.dma_semaphore, #tpu.memory_space<semaphore_mem>>)
      %dma_start3A_44 = arith.constant 1 : i32
      %dma_start3A_45 = arith.constant 0 : i32
      %dma_start3A_46 = tpu.memref_slice %arg6[%dma_start3A_44, %dma_start3A_45] : memref<32x80xi32, #tpu.memory_space<vmem>> -> memref<1x80xi32, #tpu.memory_space<vmem>>
      %dma_start3A_47 = tpu.memref_squeeze %dma_start3A_46 : memref<1x80xi32, #tpu.memory_space<vmem>> -> memref<80xi32, #tpu.memory_space<vmem>>
      %dma_start3A_48 = arith.constant 0 : i32
      %dma_start3A_49 = arith.constant 0 : i32
      %dma_start3A_50 = tpu.memref_slice %arg2[%dma_start3A_48, %dma_start3A_49] : memref<10240x128xf32, #tpu.memory_space<hbm>> -> memref<10240x128xf32, #tpu.memory_space<hbm>>
      tpu.enqueue_indirect_dma source(%dma_start3A_50 : memref<10240x128xf32, #tpu.memory_space<hbm>>) target(%arg9 : memref<80x128xf32, #tpu.memory_space<vmem>>) offsets(%dma_start3A_47 : memref<80xi32, #tpu.memory_space<vmem>>) semaphore(%arg14 : memref<!tpu.dma_semaphore, #tpu.memory_space<semaphore_mem>>)
      %dma_start3A_51 = arith.constant 2 : i32
      %dma_start3A_52 = arith.constant 0 : i32
      %dma_start3A_53 = tpu.memref_slice %arg6[%dma_start3A_51, %dma_start3A_52] : memref<32x80xi32, #tpu.memory_space<vmem>> -> memref<1x80xi32, #tpu.memory_space<vmem>>
      %dma_start3A_54 = tpu.memref_squeeze %dma_start3A_53 : memref<1x80xi32, #tpu.memory_space<vmem>> -> memref<80xi32, #tpu.memory_space<vmem>>
      %dma_start3A_55 = arith.constant 0 : i32
      %dma_start3A_56 = arith.constant 0 : i32
      %dma_start3A_57 = tpu.memref_slice %arg2[%dma_start3A_55, %dma_start3A_56] : memref<10240x128xf32, #tpu.memory_space<hbm>> -> memref<10240x128xf32, #tpu.memory_space<hbm>>
      tpu.enqueue_indirect_dma source(%dma_start3A_57 : memref<10240x128xf32, #tpu.memory_space<hbm>>) target(%arg10 : memref<80x128xf32, #tpu.memory_space<vmem>>) offsets(%dma_start3A_54 : memref<80xi32, #tpu.memory_space<vmem>>) semaphore(%arg15 : memref<!tpu.dma_semaphore, #tpu.memory_space<semaphore_mem>>)
      %scan3A_58 = arith.constant 0 : i32
      %scan3A_59 = arith.constant 0 : i32
      %scan3A_60 = arith.constant 8 : i32
      %scan3A_61 = arith.addi %scan3A_59, %scan3A_60 : i32
      %scan3A_62 = arith.constant 1 : i32
      %scan3A_63 = scf.for %scan3A_66 = %scan3A_59 to %scan3A_61 step %scan3A_62 iter_args(%scan3A_67 = %scan3A_58) -> (i32)  : i32 {
        %mul3A_68 = arith.constant 4 : i32
        %mul3A_69 = arith.muli %scan3A_66, %mul3A_68 : i32
        %add3A_70 = arith.constant 3 : i32
        %add3A_71 = arith.addi %mul3A_69, %add3A_70 : i32
        %dma_start3A_72 = arith.constant 0 : i32
        %dma_start3A_73 = tpu.memref_slice %arg6[%add3A_71, %dma_start3A_72] : memref<32x80xi32, #tpu.memory_space<vmem>> -> memref<1x80xi32, #tpu.memory_space<vmem>>
        %dma_start3A_74 = tpu.memref_squeeze %dma_start3A_73 : memref<1x80xi32, #tpu.memory_space<vmem>> -> memref<80xi32, #tpu.memory_space<vmem>>
        %dma_start3A_75 = arith.constant 0 : i32
        %dma_start3A_76 = arith.constant 0 : i32
        %dma_start3A_77 = tpu.memref_slice %arg2[%dma_start3A_75, %dma_start3A_76] : memref<10240x128xf32, #tpu.memory_space<hbm>> -> memref<10240x128xf32, #tpu.memory_space<hbm>>
        tpu.enqueue_indirect_dma source(%dma_start3A_77 : memref<10240x128xf32, #tpu.memory_space<hbm>>) target(%arg11 : memref<80x128xf32, #tpu.memory_space<vmem>>) offsets(%dma_start3A_74 : memref<80xi32, #tpu.memory_space<vmem>>) semaphore(%arg16 : memref<!tpu.dma_semaphore, #tpu.memory_space<semaphore_mem>>)
        %dma_wait3A = arith.constant 0 : i32
        %dma_wait3A_78 = tpu.memref_slice %arg6[%mul3A_69, %dma_wait3A] : memref<32x80xi32, #tpu.memory_space<vmem>> -> memref<1x80xi32, #tpu.memory_space<vmem>>
        %dma_wait3A_79 = tpu.memref_squeeze %dma_wait3A_78 : memref<1x80xi32, #tpu.memory_space<vmem>> -> memref<80xi32, #tpu.memory_space<vmem>>
        %dma_wait3A_80 = arith.constant 0 : i32
        %dma_wait3A_81 = arith.constant 0 : i32
        %dma_wait3A_82 = tpu.memref_slice %arg2[%dma_wait3A_80, %dma_wait3A_81] : memref<10240x128xf32, #tpu.memory_space<hbm>> -> memref<10240x128xf32, #tpu.memory_space<hbm>>
        tpu.wait_indirect_dma semaphore(%arg13 : memref<!tpu.dma_semaphore, #tpu.memory_space<semaphore_mem>>) src(%dma_wait3A_82 : memref<10240x128xf32, #tpu.memory_space<hbm>>) dst(%arg8 : memref<80x128xf32, #tpu.memory_space<vmem>>)
        "tpu.region"() ({
          %run_scoped3A = tpu.sem_alloc : memref<!tpu.dma_semaphore, #tpu.memory_space<semaphore_mem>>
          %dma_start3A_132 = arith.constant 0 : i32
          %dma_start3A_133 = tpu.memref_slice %arg7[%mul3A_69, %dma_start3A_132] : memref<32x80xi32, #tpu.memory_space<vmem>> -> memref<1x80xi32, #tpu.memory_space<vmem>>
          %dma_start3A_134 = tpu.memref_squeeze %dma_start3A_133 : memref<1x80xi32, #tpu.memory_space<vmem>> -> memref<80xi32, #tpu.memory_space<vmem>>
          %dma_start3A_135 = arith.constant 0 : i32
          %dma_start3A_136 = arith.constant 0 : i32
          %dma_start3A_137 = tpu.memref_slice %arg12[%dma_start3A_135, %dma_start3A_136] : memref<10240x128xf32, #tpu.memory_space<vmem_shared>> -> memref<10240x128xf32, #tpu.memory_space<vmem_shared>>
          tpu.enqueue_indirect_dma source(%arg8 : memref<80x128xf32, #tpu.memory_space<vmem>>) target(%dma_start3A_137 : memref<10240x128xf32, #tpu.memory_space<vmem_shared>>) offsets(%dma_start3A_134 : memref<80xi32, #tpu.memory_space<vmem>>) semaphore(%run_scoped3A : memref<!tpu.dma_semaphore, #tpu.memory_space<semaphore_mem>>) {add = true}
          %dma_wait3A_138 = arith.constant 0 : i32
          %dma_wait3A_139 = tpu.memref_slice %arg7[%mul3A_69, %dma_wait3A_138] : memref<32x80xi32, #tpu.memory_space<vmem>> -> memref<1x80xi32, #tpu.memory_space<vmem>>
          %dma_wait3A_140 = tpu.memref_squeeze %dma_wait3A_139 : memref<1x80xi32, #tpu.memory_space<vmem>> -> memref<80xi32, #tpu.memory_space<vmem>>
          %dma_wait3A_141 = arith.constant 0 : i32
          %dma_wait3A_142 = arith.constant 0 : i32
          %dma_wait3A_143 = tpu.memref_slice %arg12[%dma_wait3A_141, %dma_wait3A_142] : memref<10240x128xf32, #tpu.memory_space<vmem_shared>> -> memref<10240x128xf32, #tpu.memory_space<vmem_shared>>
          tpu.wait_indirect_dma semaphore(%run_scoped3A : memref<!tpu.dma_semaphore, #tpu.memory_space<semaphore_mem>>) src(%arg8 : memref<80x128xf32, #tpu.memory_space<vmem>>) dst(%dma_wait3A_143 : memref<10240x128xf32, #tpu.memory_space<vmem_shared>>)
          tpu.yield
        }) : () -> ()
        %add3A_83 = arith.constant 4 : i32
        %add3A_84 = arith.addi %mul3A_69, %add3A_83 : i32
        %lt3A = arith.constant 32 : i32
        %lt3A_85 = arith.cmpi slt, %add3A_84, %lt3A : i32
        %convert_element_type3A = arith.extui %lt3A_85 : i1 to i32
        %cond3A = arith.constant 0 : i32
        %cond3A_86 = arith.cmpi ne, %convert_element_type3A, %cond3A : i32
        scf.if %cond3A_86 {
          %add3A_132 = arith.constant 4 : i32
          %add3A_133 = arith.addi %mul3A_69, %add3A_132 : i32
          %dma_start3A_134 = arith.constant 0 : i32
          %dma_start3A_135 = tpu.memref_slice %arg6[%add3A_133, %dma_start3A_134] : memref<32x80xi32, #tpu.memory_space<vmem>> -> memref<1x80xi32, #tpu.memory_space<vmem>>
          %dma_start3A_136 = tpu.memref_squeeze %dma_start3A_135 : memref<1x80xi32, #tpu.memory_space<vmem>> -> memref<80xi32, #tpu.memory_space<vmem>>
          %dma_start3A_137 = arith.constant 0 : i32
          %dma_start3A_138 = arith.constant 0 : i32
          %dma_start3A_139 = tpu.memref_slice %arg2[%dma_start3A_137, %dma_start3A_138] : memref<10240x128xf32, #tpu.memory_space<hbm>> -> memref<10240x128xf32, #tpu.memory_space<hbm>>
          tpu.enqueue_indirect_dma source(%dma_start3A_139 : memref<10240x128xf32, #tpu.memory_space<hbm>>) target(%arg8 : memref<80x128xf32, #tpu.memory_space<vmem>>) offsets(%dma_start3A_136 : memref<80xi32, #tpu.memory_space<vmem>>) semaphore(%arg13 : memref<!tpu.dma_semaphore, #tpu.memory_space<semaphore_mem>>)
        } else {
        }
        %add3A_87 = arith.constant 1 : i32
        %add3A_88 = arith.addi %mul3A_69, %add3A_87 : i32
        %dma_wait3A_89 = arith.constant 0 : i32
        %dma_wait3A_90 = tpu.memref_slice %arg6[%add3A_88, %dma_wait3A_89] : memref<32x80xi32, #tpu.memory_space<vmem>> -> memref<1x80xi32, #tpu.memory_space<vmem>>
        %dma_wait3A_91 = tpu.memref_squeeze %dma_wait3A_90 : memref<1x80xi32, #tpu.memory_space<vmem>> -> memref<80xi32, #tpu.memory_space<vmem>>
        %dma_wait3A_92 = arith.constant 0 : i32
        %dma_wait3A_93 = arith.constant 0 : i32
        %dma_wait3A_94 = tpu.memref_slice %arg2[%dma_wait3A_92, %dma_wait3A_93] : memref<10240x128xf32, #tpu.memory_space<hbm>> -> memref<10240x128xf32, #tpu.memory_space<hbm>>
        tpu.wait_indirect_dma semaphore(%arg14 : memref<!tpu.dma_semaphore, #tpu.memory_space<semaphore_mem>>) src(%dma_wait3A_94 : memref<10240x128xf32, #tpu.memory_space<hbm>>) dst(%arg9 : memref<80x128xf32, #tpu.memory_space<vmem>>)
        %add3A_95 = arith.constant 1 : i32
        %add3A_96 = arith.addi %mul3A_69, %add3A_95 : i32
        "tpu.region"() ({
          %run_scoped3A = tpu.sem_alloc : memref<!tpu.dma_semaphore, #tpu.memory_space<semaphore_mem>>
          %dma_start3A_132 = arith.constant 0 : i32
          %dma_start3A_133 = tpu.memref_slice %arg7[%add3A_96, %dma_start3A_132] : memref<32x80xi32, #tpu.memory_space<vmem>> -> memref<1x80xi32, #tpu.memory_space<vmem>>
          %dma_start3A_134 = tpu.memref_squeeze %dma_start3A_133 : memref<1x80xi32, #tpu.memory_space<vmem>> -> memref<80xi32, #tpu.memory_space<vmem>>
          %dma_start3A_135 = arith.constant 0 : i32
          %dma_start3A_136 = arith.constant 0 : i32
          %dma_start3A_137 = tpu.memref_slice %arg12[%dma_start3A_135, %dma_start3A_136] : memref<10240x128xf32, #tpu.memory_space<vmem_shared>> -> memref<10240x128xf32, #tpu.memory_space<vmem_shared>>
          tpu.enqueue_indirect_dma source(%arg9 : memref<80x128xf32, #tpu.memory_space<vmem>>) target(%dma_start3A_137 : memref<10240x128xf32, #tpu.memory_space<vmem_shared>>) offsets(%dma_start3A_134 : memref<80xi32, #tpu.memory_space<vmem>>) semaphore(%run_scoped3A : memref<!tpu.dma_semaphore, #tpu.memory_space<semaphore_mem>>) {add = true}
          %dma_wait3A_138 = arith.constant 0 : i32
          %dma_wait3A_139 = tpu.memref_slice %arg7[%add3A_96, %dma_wait3A_138] : memref<32x80xi32, #tpu.memory_space<vmem>> -> memref<1x80xi32, #tpu.memory_space<vmem>>
          %dma_wait3A_140 = tpu.memref_squeeze %dma_wait3A_139 : memref<1x80xi32, #tpu.memory_space<vmem>> -> memref<80xi32, #tpu.memory_space<vmem>>
          %dma_wait3A_141 = arith.constant 0 : i32
          %dma_wait3A_142 = arith.constant 0 : i32
          %dma_wait3A_143 = tpu.memref_slice %arg12[%dma_wait3A_141, %dma_wait3A_142] : memref<10240x128xf32, #tpu.memory_space<vmem_shared>> -> memref<10240x128xf32, #tpu.memory_space<vmem_shared>>
          tpu.wait_indirect_dma semaphore(%run_scoped3A : memref<!tpu.dma_semaphore, #tpu.memory_space<semaphore_mem>>) src(%arg9 : memref<80x128xf32, #tpu.memory_space<vmem>>) dst(%dma_wait3A_143 : memref<10240x128xf32, #tpu.memory_space<vmem_shared>>)
          tpu.yield
        }) : () -> ()
        %add3A_97 = arith.constant 5 : i32
        %add3A_98 = arith.addi %mul3A_69, %add3A_97 : i32
        %lt3A_99 = arith.constant 32 : i32
        %lt3A_100 = arith.cmpi slt, %add3A_98, %lt3A_99 : i32
        %convert_element_type3A_101 = arith.extui %lt3A_100 : i1 to i32
        %cond3A_102 = arith.constant 0 : i32
        %cond3A_103 = arith.cmpi ne, %convert_element_type3A_101, %cond3A_102 : i32
        scf.if %cond3A_103 {
          %add3A_132 = arith.constant 5 : i32
          %add3A_133 = arith.addi %mul3A_69, %add3A_132 : i32
          %dma_start3A_134 = arith.constant 0 : i32
          %dma_start3A_135 = tpu.memref_slice %arg6[%add3A_133, %dma_start3A_134] : memref<32x80xi32, #tpu.memory_space<vmem>> -> memref<1x80xi32, #tpu.memory_space<vmem>>
          %dma_start3A_136 = tpu.memref_squeeze %dma_start3A_135 : memref<1x80xi32, #tpu.memory_space<vmem>> -> memref<80xi32, #tpu.memory_space<vmem>>
          %dma_start3A_137 = arith.constant 0 : i32
          %dma_start3A_138 = arith.constant 0 : i32
          %dma_start3A_139 = tpu.memref_slice %arg2[%dma_start3A_137, %dma_start3A_138] : memref<10240x128xf32, #tpu.memory_space<hbm>> -> memref<10240x128xf32, #tpu.memory_space<hbm>>
          tpu.enqueue_indirect_dma source(%dma_start3A_139 : memref<10240x128xf32, #tpu.memory_space<hbm>>) target(%arg9 : memref<80x128xf32, #tpu.memory_space<vmem>>) offsets(%dma_start3A_136 : memref<80xi32, #tpu.memory_space<vmem>>) semaphore(%arg14 : memref<!tpu.dma_semaphore, #tpu.memory_space<semaphore_mem>>)
        } else {
        }
        %add3A_104 = arith.constant 2 : i32
        %add3A_105 = arith.addi %mul3A_69, %add3A_104 : i32
        %dma_wait3A_106 = arith.constant 0 : i32
        %dma_wait3A_107 = tpu.memref_slice %arg6[%add3A_105, %dma_wait3A_106] : memref<32x80xi32, #tpu.memory_space<vmem>> -> memref<1x80xi32, #tpu.memory_space<vmem>>
        %dma_wait3A_108 = tpu.memref_squeeze %dma_wait3A_107 : memref<1x80xi32, #tpu.memory_space<vmem>> -> memref<80xi32, #tpu.memory_space<vmem>>
        %dma_wait3A_109 = arith.constant 0 : i32
        %dma_wait3A_110 = arith.constant 0 : i32
        %dma_wait3A_111 = tpu.memref_slice %arg2[%dma_wait3A_109, %dma_wait3A_110] : memref<10240x128xf32, #tpu.memory_space<hbm>> -> memref<10240x128xf32, #tpu.memory_space<hbm>>
        tpu.wait_indirect_dma semaphore(%arg15 : memref<!tpu.dma_semaphore, #tpu.memory_space<semaphore_mem>>) src(%dma_wait3A_111 : memref<10240x128xf32, #tpu.memory_space<hbm>>) dst(%arg10 : memref<80x128xf32, #tpu.memory_space<vmem>>)
        %add3A_112 = arith.constant 2 : i32
        %add3A_113 = arith.addi %mul3A_69, %add3A_112 : i32
        "tpu.region"() ({
          %run_scoped3A = tpu.sem_alloc : memref<!tpu.dma_semaphore, #tpu.memory_space<semaphore_mem>>
          %dma_start3A_132 = arith.constant 0 : i32
          %dma_start3A_133 = tpu.memref_slice %arg7[%add3A_113, %dma_start3A_132] : memref<32x80xi32, #tpu.memory_space<vmem>> -> memref<1x80xi32, #tpu.memory_space<vmem>>
          %dma_start3A_134 = tpu.memref_squeeze %dma_start3A_133 : memref<1x80xi32, #tpu.memory_space<vmem>> -> memref<80xi32, #tpu.memory_space<vmem>>
          %dma_start3A_135 = arith.constant 0 : i32
          %dma_start3A_136 = arith.constant 0 : i32
          %dma_start3A_137 = tpu.memref_slice %arg12[%dma_start3A_135, %dma_start3A_136] : memref<10240x128xf32, #tpu.memory_space<vmem_shared>> -> memref<10240x128xf32, #tpu.memory_space<vmem_shared>>
          tpu.enqueue_indirect_dma source(%arg10 : memref<80x128xf32, #tpu.memory_space<vmem>>) target(%dma_start3A_137 : memref<10240x128xf32, #tpu.memory_space<vmem_shared>>) offsets(%dma_start3A_134 : memref<80xi32, #tpu.memory_space<vmem>>) semaphore(%run_scoped3A : memref<!tpu.dma_semaphore, #tpu.memory_space<semaphore_mem>>) {add = true}
          %dma_wait3A_138 = arith.constant 0 : i32
          %dma_wait3A_139 = tpu.memref_slice %arg7[%add3A_113, %dma_wait3A_138] : memref<32x80xi32, #tpu.memory_space<vmem>> -> memref<1x80xi32, #tpu.memory_space<vmem>>
          %dma_wait3A_140 = tpu.memref_squeeze %dma_wait3A_139 : memref<1x80xi32, #tpu.memory_space<vmem>> -> memref<80xi32, #tpu.memory_space<vmem>>
          %dma_wait3A_141 = arith.constant 0 : i32
          %dma_wait3A_142 = arith.constant 0 : i32
          %dma_wait3A_143 = tpu.memref_slice %arg12[%dma_wait3A_141, %dma_wait3A_142] : memref<10240x128xf32, #tpu.memory_space<vmem_shared>> -> memref<10240x128xf32, #tpu.memory_space<vmem_shared>>
          tpu.wait_indirect_dma semaphore(%run_scoped3A : memref<!tpu.dma_semaphore, #tpu.memory_space<semaphore_mem>>) src(%arg10 : memref<80x128xf32, #tpu.memory_space<vmem>>) dst(%dma_wait3A_143 : memref<10240x128xf32, #tpu.memory_space<vmem_shared>>)
          tpu.yield
        }) : () -> ()
        %add3A_114 = arith.constant 6 : i32
        %add3A_115 = arith.addi %mul3A_69, %add3A_114 : i32
        %lt3A_116 = arith.constant 32 : i32
        %lt3A_117 = arith.cmpi slt, %add3A_115, %lt3A_116 : i32
        %convert_element_type3A_118 = arith.extui %lt3A_117 : i1 to i32
        %cond3A_119 = arith.constant 0 : i32
        %cond3A_120 = arith.cmpi ne, %convert_element_type3A_118, %cond3A_119 : i32
        scf.if %cond3A_120 {
          %add3A_132 = arith.constant 6 : i32
          %add3A_133 = arith.addi %mul3A_69, %add3A_132 : i32
          %dma_start3A_134 = arith.constant 0 : i32
          %dma_start3A_135 = tpu.memref_slice %arg6[%add3A_133, %dma_start3A_134] : memref<32x80xi32, #tpu.memory_space<vmem>> -> memref<1x80xi32, #tpu.memory_space<vmem>>
          %dma_start3A_136 = tpu.memref_squeeze %dma_start3A_135 : memref<1x80xi32, #tpu.memory_space<vmem>> -> memref<80xi32, #tpu.memory_space<vmem>>
          %dma_start3A_137 = arith.constant 0 : i32
          %dma_start3A_138 = arith.constant 0 : i32
          %dma_start3A_139 = tpu.memref_slice %arg2[%dma_start3A_137, %dma_start3A_138] : memref<10240x128xf32, #tpu.memory_space<hbm>> -> memref<10240x128xf32, #tpu.memory_space<hbm>>
          tpu.enqueue_indirect_dma source(%dma_start3A_139 : memref<10240x128xf32, #tpu.memory_space<hbm>>) target(%arg10 : memref<80x128xf32, #tpu.memory_space<vmem>>) offsets(%dma_start3A_136 : memref<80xi32, #tpu.memory_space<vmem>>) semaphore(%arg15 : memref<!tpu.dma_semaphore, #tpu.memory_space<semaphore_mem>>)
        } else {
        }
        %add3A_121 = arith.constant 3 : i32
        %add3A_122 = arith.addi %mul3A_69, %add3A_121 : i32
        %dma_wait3A_123 = arith.constant 0 : i32
        %dma_wait3A_124 = tpu.memref_slice %arg6[%add3A_122, %dma_wait3A_123] : memref<32x80xi32, #tpu.memory_space<vmem>> -> memref<1x80xi32, #tpu.memory_space<vmem>>
        %dma_wait3A_125 = tpu.memref_squeeze %dma_wait3A_124 : memref<1x80xi32, #tpu.memory_space<vmem>> -> memref<80xi32, #tpu.memory_space<vmem>>
        %dma_wait3A_126 = arith.constant 0 : i32
        %dma_wait3A_127 = arith.constant 0 : i32
        %dma_wait3A_128 = tpu.memref_slice %arg2[%dma_wait3A_126, %dma_wait3A_127] : memref<10240x128xf32, #tpu.memory_space<hbm>> -> memref<10240x128xf32, #tpu.memory_space<hbm>>
        tpu.wait_indirect_dma semaphore(%arg16 : memref<!tpu.dma_semaphore, #tpu.memory_space<semaphore_mem>>) src(%dma_wait3A_128 : memref<10240x128xf32, #tpu.memory_space<hbm>>) dst(%arg11 : memref<80x128xf32, #tpu.memory_space<vmem>>)
        %add3A_129 = arith.constant 3 : i32
        %add3A_130 = arith.addi %mul3A_69, %add3A_129 : i32
        "tpu.region"() ({
          %run_scoped3A = tpu.sem_alloc : memref<!tpu.dma_semaphore, #tpu.memory_space<semaphore_mem>>
          %dma_start3A_132 = arith.constant 0 : i32
          %dma_start3A_133 = tpu.memref_slice %arg7[%add3A_130, %dma_start3A_132] : memref<32x80xi32, #tpu.memory_space<vmem>> -> memref<1x80xi32, #tpu.memory_space<vmem>>
          %dma_start3A_134 = tpu.memref_squeeze %dma_start3A_133 : memref<1x80xi32, #tpu.memory_space<vmem>> -> memref<80xi32, #tpu.memory_space<vmem>>
          %dma_start3A_135 = arith.constant 0 : i32
          %dma_start3A_136 = arith.constant 0 : i32
          %dma_start3A_137 = tpu.memref_slice %arg12[%dma_start3A_135, %dma_start3A_136] : memref<10240x128xf32, #tpu.memory_space<vmem_shared>> -> memref<10240x128xf32, #tpu.memory_space<vmem_shared>>
          tpu.enqueue_indirect_dma source(%arg11 : memref<80x128xf32, #tpu.memory_space<vmem>>) target(%dma_start3A_137 : memref<10240x128xf32, #tpu.memory_space<vmem_shared>>) offsets(%dma_start3A_134 : memref<80xi32, #tpu.memory_space<vmem>>) semaphore(%run_scoped3A : memref<!tpu.dma_semaphore, #tpu.memory_space<semaphore_mem>>) {add = true}
          %dma_wait3A_138 = arith.constant 0 : i32
          %dma_wait3A_139 = tpu.memref_slice %arg7[%add3A_130, %dma_wait3A_138] : memref<32x80xi32, #tpu.memory_space<vmem>> -> memref<1x80xi32, #tpu.memory_space<vmem>>
          %dma_wait3A_140 = tpu.memref_squeeze %dma_wait3A_139 : memref<1x80xi32, #tpu.memory_space<vmem>> -> memref<80xi32, #tpu.memory_space<vmem>>
          %dma_wait3A_141 = arith.constant 0 : i32
          %dma_wait3A_142 = arith.constant 0 : i32
          %dma_wait3A_143 = tpu.memref_slice %arg12[%dma_wait3A_141, %dma_wait3A_142] : memref<10240x128xf32, #tpu.memory_space<vmem_shared>> -> memref<10240x128xf32, #tpu.memory_space<vmem_shared>>
          tpu.wait_indirect_dma semaphore(%run_scoped3A : memref<!tpu.dma_semaphore, #tpu.memory_space<semaphore_mem>>) src(%arg11 : memref<80x128xf32, #tpu.memory_space<vmem>>) dst(%dma_wait3A_143 : memref<10240x128xf32, #tpu.memory_space<vmem_shared>>)
          tpu.yield
        }) : () -> ()
        %scan3A_131 = arith.constant 0 : i32
        scf.yield %scan3A_131 : i32
      }
      %scan3A_64 = arith.constant 8 : i32
      %scan3A_65 = arith.constant 0 : i32
      scf.yield %scan3A_65 : i32
    }
    %scan3A_21 = arith.constant 4 : i32
    %barrier3A_22 = arith.constant 0 : index
    tpu.barrier barrier_id(%barrier3A_22)
    %scan3A_23 = arith.constant 0 : i32
    %scan3A_24 = arith.constant 0 : i32
    %scan3A_25 = arith.constant 8 : i32
    %scan3A_26 = arith.addi %scan3A_24, %scan3A_25 : i32
    %scan3A_27 = arith.constant 1 : i32
    %scan3A_28 = scf.for %scan3A_30 = %scan3A_24 to %scan3A_26 step %scan3A_27 iter_args(%scan3A_31 = %scan3A_23) -> (i32)  : i32 {
      %mul3A_32 = arith.constant 640 : i32
      %mul3A_33 = arith.muli %arg1, %mul3A_32 : i32
      %mul3A_34 = arith.constant 80 : i32
      %mul3A_35 = arith.muli %scan3A_30, %mul3A_34 : i32
      %add3A_36 = arith.addi %mul3A_33, %mul3A_35 : i32
      %mul3A_37 = arith.constant 10240 : i32
      %mul3A_38 = arith.muli %arg0, %mul3A_37 : i32
      %add3A_39 = arith.addi %mul3A_38, %add3A_36 : i32
      "tpu.region"() ({
        %run_scoped3A = tpu.sem_alloc : memref<!tpu.dma_semaphore, #tpu.memory_space<semaphore_mem>>
        %dma_start3A = arith.constant 0 : i32
        %dma_start3A_41 = tpu.memref_slice %arg5[%add3A_39, %dma_start3A] : memref<20480x128xf32, #tpu.memory_space<hbm>> -> memref<80x128xf32, #tpu.memory_space<hbm>>
        %dma_start3A_42 = arith.constant 0 : i32
        %dma_start3A_43 = tpu.memref_slice %arg12[%add3A_36, %dma_start3A_42] : memref<10240x128xf32, #tpu.memory_space<vmem_shared>> -> memref<80x128xf32, #tpu.memory_space<vmem_shared>>
        tpu.enqueue_dma source(%dma_start3A_43 : memref<80x128xf32, #tpu.memory_space<vmem_shared>>) target(%dma_start3A_41 : memref<80x128xf32, #tpu.memory_space<hbm>>) target_semaphore(%run_scoped3A : memref<!tpu.dma_semaphore, #tpu.memory_space<semaphore_mem>>)
        %dma_wait3A = arith.constant 0 : i32
        %dma_wait3A_44 = tpu.memref_slice %arg5[%add3A_39, %dma_wait3A] : memref<20480x128xf32, #tpu.memory_space<hbm>> -> memref<80x128xf32, #tpu.memory_space<hbm>>
        %dma_wait3A_45 = arith.constant 0 : i32
        %dma_wait3A_46 = tpu.memref_slice %arg12[%add3A_36, %dma_wait3A_45] : memref<10240x128xf32, #tpu.memory_space<vmem_shared>> -> memref<80x128xf32, #tpu.memory_space<vmem_shared>>
        tpu.wait_dma2 semaphore(%run_scoped3A : memref<!tpu.dma_semaphore, #tpu.memory_space<semaphore_mem>>) src(%dma_wait3A_46 : memref<80x128xf32, #tpu.memory_space<vmem_shared>>) dst(%dma_wait3A_44 : memref<80x128xf32, #tpu.memory_space<hbm>>)
        tpu.yield
      }) : () -> ()
      %scan3A_40 = arith.constant 0 : i32
      scf.yield %scan3A_40 : i32
    }
    %scan3A_29 = arith.constant 8 : i32
    return
  }
}

#map = affine_map<(d0, d1) -> (0, 0)>
#map1 = affine_map<(d0, d1) -> (0, 0, 0)>
module attributes {stable_mosaic.version = 14 : i64} {
  func.func @_sc_edge_agg(%arg0: i32, %arg1: i32, %arg2: memref<10240x128xf32, #tpu.memory_space<hbm>>, %arg3: memref<128x32x80xi32, #tpu.memory_space<hbm>>, %arg4: memref<128x32x80xi32, #tpu.memory_space<hbm>>, %arg5: memref<20480x128xf32, #tpu.memory_space<hbm>>, %arg6: memref<32x80xi32, #tpu.memory_space<vmem>>, %arg7: memref<32x80xi32, #tpu.memory_space<vmem>>, %arg8: memref<80x128xf32, #tpu.memory_space<vmem>>, %arg9: memref<80x128xf32, #tpu.memory_space<vmem>>, %arg10: memref<80x128xf32, #tpu.memory_space<vmem>>, %arg11: memref<80x128xf32, #tpu.memory_space<vmem>>, %arg12: memref<10240x128xf32, #tpu.memory_space<vmem_shared>>, %arg13: memref<!tpu.dma_semaphore, #tpu.memory_space<semaphore_mem>>, %arg14: memref<!tpu.dma_semaphore, #tpu.memory_space<semaphore_mem>>, %arg15: memref<!tpu.dma_semaphore, #tpu.memory_space<semaphore_mem>>, %arg16: memref<!tpu.dma_semaphore, #tpu.memory_space<semaphore_mem>>) attributes {dimension_semantics = [#tpu.dimension_semantics<core_parallel>, #tpu.dimension_semantics<subcore_parallel>], iteration_bounds = array<i64: 2, 16>, scalar_prefetch = 0 : i64, scratch_operands = 11 : i64, tpu.core_type = #tpu.core_type<sc_vector_subcore>, window_params = [{transform_indices = #map}, {transform_indices = #map1}, {transform_indices = #map1}, {transform_indices = #map}]} {
    %mul3A = arith.constant 16 : i32
    %mul3A_0 = arith.muli %arg0, %mul3A : i32
    %add3A = arith.addi %mul3A_0, %arg1 : i32
    %broadcast_in_dim3A = arith.constant 0.000000e+00 : f32
    %broadcast_in_dim3A_1 = vector.broadcast %broadcast_in_dim3A : f32 to vector<16xf32>
    %scan3A = arith.constant 0 : i32
    %scan3A_2 = arith.constant 0 : i32
    %scan3A_3 = arith.constant 640 : i32
    %scan3A_4 = arith.addi %scan3A_2, %scan3A_3 : i32
    %scan3A_5 = arith.constant 1 : i32
    %scan3A_6 = scf.for %scan3A_30 = %scan3A_2 to %scan3A_4 step %scan3A_5 iter_args(%scan3A_31 = %scan3A) -> (i32)  : i32 {
      %jit3A = arith.constant 8 : i32
      %div3A = arith.divsi %scan3A_30, %jit3A : i32
      %sign3A = arith.constant 0 : i32
      %sign3A_32 = arith.cmpi sgt, %scan3A_30, %sign3A : i32
      %sign3A_33 = arith.extui %sign3A_32 : i1 to i32
      %sign3A_34 = arith.constant 0 : i32
      %sign3A_35 = arith.cmpi slt, %scan3A_30, %sign3A_34 : i32
      %sign3A_36 = arith.extui %sign3A_35 : i1 to i32
      %sign3A_37 = arith.subi %sign3A_33, %sign3A_36 : i32
      %sign3A_38 = arith.constant 0 : i32
      %sign3A_39 = arith.cmpi sgt, %jit3A, %sign3A_38 : i32
      %sign3A_40 = arith.extui %sign3A_39 : i1 to i32
      %sign3A_41 = arith.constant 0 : i32
      %sign3A_42 = arith.cmpi slt, %jit3A, %sign3A_41 : i32
      %sign3A_43 = arith.extui %sign3A_42 : i1 to i32
      %sign3A_44 = arith.subi %sign3A_40, %sign3A_43 : i32
      %ne3A = arith.cmpi ne, %sign3A_37, %sign3A_44 : i32
      %rem3A = arith.remsi %scan3A_30, %jit3A : i32
      %ne3A_45 = arith.constant 0 : i32
      %ne3A_46 = arith.cmpi ne, %rem3A, %ne3A_45 : i32
      %and3A = arith.andi %ne3A, %ne3A_46 : i1
      %sub3A = arith.constant 1 : i32
      %sub3A_47 = arith.subi %div3A, %sub3A : i32
      %select_n3A = arith.select %and3A, %sub3A_47, %div3A : i32
      %jit3A_48 = arith.constant 8 : i32
      %eq3A = arith.constant 0 : i32
      %eq3A_49 = arith.cmpi eq, %jit3A_48, %eq3A : i32
      %jit3A_50 = arith.constant 1 : i32
      %select_n3A_51 = arith.select %eq3A_49, %jit3A_50, %jit3A_48 : i32
      %rem3A_52 = arith.remsi %scan3A_30, %select_n3A_51 : i32
      %ne3A_53 = arith.constant 0 : i32
      %ne3A_54 = arith.cmpi ne, %rem3A_52, %ne3A_53 : i32
      %lt3A = arith.constant 0 : i32
      %lt3A_55 = arith.cmpi slt, %rem3A_52, %lt3A : i32
      %lt3A_56 = arith.constant 0 : i32
      %lt3A_57 = arith.cmpi slt, %select_n3A_51, %lt3A_56 : i32
      %ne3A_58 = arith.xori %lt3A_55, %lt3A_57 : i1
      %and3A_59 = arith.andi %ne3A_58, %ne3A_54 : i1
      %add3A_60 = arith.addi %rem3A_52, %select_n3A_51 : i32
      %select_n3A_61 = arith.select %and3A_59, %add3A_60, %rem3A_52 : i32
      %mul3A_62 = arith.constant 16 : i32
      %mul3A_63 = arith.muli %select_n3A_61, %mul3A_62 : i32
      %swap3A = arith.index_cast %select_n3A : i32 to index
      %swap3A_64 = arith.index_cast %mul3A_63 : i32 to index
      %swap3A_65 = tpu.vector_load %arg8[%swap3A, %swap3A_64] {strides = array<i32>} : memref<80x128xf32, #tpu.memory_space<vmem>>, vector<1x16xf32>,
      %swap3A_66 = vector.shape_cast %swap3A_65 : vector<1x16xf32> to vector<16xf32>
      %swap3A_67 = vector.shape_cast %broadcast_in_dim3A_1 : vector<16xf32> to vector<1x16xf32>
      tpu.vector_store %arg8[%swap3A, %swap3A_64], %swap3A_67 {strides = array<i32>} : memref<80x128xf32, #tpu.memory_space<vmem>>, vector<1x16xf32>,
      %scan3A_68 = arith.constant 0 : i32
      scf.yield %scan3A_68 : i32
    }
    %scan3A_7 = arith.constant 640 : i32
    %scan3A_8 = arith.constant 0 : i32
    %scan3A_9 = arith.constant 0 : i32
    %scan3A_10 = arith.constant 8 : i32
    %scan3A_11 = arith.addi %scan3A_9, %scan3A_10 : i32
    %scan3A_12 = arith.constant 1 : i32
    %scan3A_13 = scf.for %scan3A_30 = %scan3A_9 to %scan3A_11 step %scan3A_12 iter_args(%scan3A_31 = %scan3A_8) -> (i32)  : i32 {
      %mul3A_32 = arith.constant 640 : i32
      %mul3A_33 = arith.muli %arg1, %mul3A_32 : i32
      %mul3A_34 = arith.constant 80 : i32
      %mul3A_35 = arith.muli %scan3A_30, %mul3A_34 : i32
      %add3A_36 = arith.addi %mul3A_33, %mul3A_35 : i32
      "tpu.region"() ({
        %run_scoped3A = tpu.sem_alloc : memref<!tpu.dma_semaphore, #tpu.memory_space<semaphore_mem>>
        %dma_start3A = arith.constant 0 : i32
        %dma_start3A_38 = arith.constant 0 : i32
        %dma_start3A_39 = tpu.memref_slice %arg8[%dma_start3A, %dma_start3A_38] : memref<80x128xf32, #tpu.memory_space<vmem>> -> memref<80x128xf32, #tpu.memory_space<vmem>>
        %dma_start3A_40 = arith.constant 0 : i32
        %dma_start3A_41 = tpu.memref_slice %arg12[%add3A_36, %dma_start3A_40] : memref<10240x128xf32, #tpu.memory_space<vmem_shared>> -> memref<80x128xf32, #tpu.memory_space<vmem_shared>>
        %dma_start3A_42 = arith.constant 0 : i32
        %dma_start3A_43 = tpu.memref_slice %arg12[%add3A_36, %dma_start3A_42] : memref<10240x128xf32, #tpu.memory_space<vmem_shared>> -> memref<80x128xf32, #tpu.memory_space<vmem_shared>>
        %dma_start3A_44 = arith.constant 0 : i32
        %dma_start3A_45 = arith.constant 0 : i32
        %dma_start3A_46 = tpu.memref_slice %arg8[%dma_start3A_44, %dma_start3A_45] : memref<80x128xf32, #tpu.memory_space<vmem>> -> memref<80x128xf32, #tpu.memory_space<vmem>>
        tpu.enqueue_dma source(%dma_start3A_46 : memref<80x128xf32, #tpu.memory_space<vmem>>) target(%dma_start3A_43 : memref<80x128xf32, #tpu.memory_space<vmem_shared>>) target_semaphore(%run_scoped3A : memref<!tpu.dma_semaphore, #tpu.memory_space<semaphore_mem>>)
        %dma_wait3A = arith.constant 0 : i32
        %dma_wait3A_47 = arith.constant 0 : i32
        %dma_wait3A_48 = tpu.memref_slice %arg8[%dma_wait3A, %dma_wait3A_47] : memref<80x128xf32, #tpu.memory_space<vmem>> -> memref<80x128xf32, #tpu.memory_space<vmem>>
        %dma_wait3A_49 = arith.constant 0 : i32
        %dma_wait3A_50 = tpu.memref_slice %arg12[%add3A_36, %dma_wait3A_49] : memref<10240x128xf32, #tpu.memory_space<vmem_shared>> -> memref<80x128xf32, #tpu.memory_space<vmem_shared>>
        %dma_wait3A_51 = arith.constant 0 : i32
        %dma_wait3A_52 = tpu.memref_slice %arg12[%add3A_36, %dma_wait3A_51] : memref<10240x128xf32, #tpu.memory_space<vmem_shared>> -> memref<80x128xf32, #tpu.memory_space<vmem_shared>>
        %dma_wait3A_53 = arith.constant 0 : i32
        %dma_wait3A_54 = arith.constant 0 : i32
        %dma_wait3A_55 = tpu.memref_slice %arg8[%dma_wait3A_53, %dma_wait3A_54] : memref<80x128xf32, #tpu.memory_space<vmem>> -> memref<80x128xf32, #tpu.memory_space<vmem>>
        tpu.wait_dma2 semaphore(%run_scoped3A : memref<!tpu.dma_semaphore, #tpu.memory_space<semaphore_mem>>) src(%dma_wait3A_55 : memref<80x128xf32, #tpu.memory_space<vmem>>) dst(%dma_wait3A_52 : memref<80x128xf32, #tpu.memory_space<vmem_shared>>)
        tpu.yield
      }) : () -> ()
      %scan3A_37 = arith.constant 0 : i32
      scf.yield %scan3A_37 : i32
    }
    %scan3A_14 = arith.constant 8 : i32
    %barrier3A = arith.constant 0 : index
    tpu.barrier barrier_id(%barrier3A)
    %scan3A_15 = arith.constant 0 : i32
    %scan3A_16 = arith.constant 0 : i32
    %scan3A_17 = arith.constant 4 : i32
    %scan3A_18 = arith.addi %scan3A_16, %scan3A_17 : i32
    %scan3A_19 = arith.constant 1 : i32
    %scan3A_20 = scf.for %scan3A_30 = %scan3A_16 to %scan3A_18 step %scan3A_19 iter_args(%scan3A_31 = %scan3A_15) -> (i32)  : i32 {
      %mul3A_32 = arith.constant 4 : i32
      %mul3A_33 = arith.muli %add3A, %mul3A_32 : i32
      %add3A_34 = arith.addi %mul3A_33, %scan3A_30 : i32
      "tpu.region"() ({
        %run_scoped3A = tpu.sem_alloc : memref<!tpu.dma_semaphore, #tpu.memory_space<semaphore_mem>>
        %dma_start3A_66 = arith.constant 0 : i32
        %dma_start3A_67 = arith.constant 0 : i32
        %dma_start3A_68 = tpu.memref_slice %arg3[%add3A_34, %dma_start3A_66, %dma_start3A_67] : memref<128x32x80xi32, #tpu.memory_space<hbm>> -> memref<1x32x80xi32, #tpu.memory_space<hbm>>
        %dma_start3A_69 = tpu.memref_squeeze %dma_start3A_68 : memref<1x32x80xi32, #tpu.memory_space<hbm>> -> memref<32x80xi32, #tpu.memory_space<hbm>>
        %dma_start3A_70 = arith.constant 0 : i32
        %dma_start3A_71 = arith.constant 0 : i32
        %dma_start3A_72 = tpu.memref_slice %arg3[%add3A_34, %dma_start3A_70, %dma_start3A_71] : memref<128x32x80xi32, #tpu.memory_space<hbm>> -> memref<1x32x80xi32, #tpu.memory_space<hbm>>
        %dma_start3A_73 = tpu.memref_squeeze %dma_start3A_72 : memref<1x32x80xi32, #tpu.memory_space<hbm>> -> memref<32x80xi32, #tpu.memory_space<hbm>>
        tpu.enqueue_dma source(%dma_start3A_73 : memref<32x80xi32, #tpu.memory_space<hbm>>) target(%arg6 : memref<32x80xi32, #tpu.memory_space<vmem>>) target_semaphore(%run_scoped3A : memref<!tpu.dma_semaphore, #tpu.memory_space<semaphore_mem>>)
        %dma_wait3A = arith.constant 0 : i32
        %dma_wait3A_74 = arith.constant 0 : i32
        %dma_wait3A_75 = tpu.memref_slice %arg3[%add3A_34, %dma_wait3A, %dma_wait3A_74] : memref<128x32x80xi32, #tpu.memory_space<hbm>> -> memref<1x32x80xi32, #tpu.memory_space<hbm>>
        %dma_wait3A_76 = tpu.memref_squeeze %dma_wait3A_75 : memref<1x32x80xi32, #tpu.memory_space<hbm>> -> memref<32x80xi32, #tpu.memory_space<hbm>>
        %dma_wait3A_77 = arith.constant 0 : i32
        %dma_wait3A_78 = arith.constant 0 : i32
        %dma_wait3A_79 = tpu.memref_slice %arg3[%add3A_34, %dma_wait3A_77, %dma_wait3A_78] : memref<128x32x80xi32, #tpu.memory_space<hbm>> -> memref<1x32x80xi32, #tpu.memory_space<hbm>>
        %dma_wait3A_80 = tpu.memref_squeeze %dma_wait3A_79 : memref<1x32x80xi32, #tpu.memory_space<hbm>> -> memref<32x80xi32, #tpu.memory_space<hbm>>
        tpu.wait_dma2 semaphore(%run_scoped3A : memref<!tpu.dma_semaphore, #tpu.memory_space<semaphore_mem>>) src(%dma_wait3A_80 : memref<32x80xi32, #tpu.memory_space<hbm>>) dst(%arg6 : memref<32x80xi32, #tpu.memory_space<vmem>>)
        tpu.yield
      }) : () -> ()
      %mul3A_35 = arith.constant 4 : i32
      %mul3A_36 = arith.muli %add3A, %mul3A_35 : i32
      %add3A_37 = arith.addi %mul3A_36, %scan3A_30 : i32
      "tpu.region"() ({
        %run_scoped3A = tpu.sem_alloc : memref<!tpu.dma_semaphore, #tpu.memory_space<semaphore_mem>>
        %dma_start3A_66 = arith.constant 0 : i32
        %dma_start3A_67 = arith.constant 0 : i32
        %dma_start3A_68 = tpu.memref_slice %arg4[%add3A_37, %dma_start3A_66, %dma_start3A_67] : memref<128x32x80xi32, #tpu.memory_space<hbm>> -> memref<1x32x80xi32, #tpu.memory_space<hbm>>
        %dma_start3A_69 = tpu.memref_squeeze %dma_start3A_68 : memref<1x32x80xi32, #tpu.memory_space<hbm>> -> memref<32x80xi32, #tpu.memory_space<hbm>>
        %dma_start3A_70 = arith.constant 0 : i32
        %dma_start3A_71 = arith.constant 0 : i32
        %dma_start3A_72 = tpu.memref_slice %arg4[%add3A_37, %dma_start3A_70, %dma_start3A_71] : memref<128x32x80xi32, #tpu.memory_space<hbm>> -> memref<1x32x80xi32, #tpu.memory_space<hbm>>
        %dma_start3A_73 = tpu.memref_squeeze %dma_start3A_72 : memref<1x32x80xi32, #tpu.memory_space<hbm>> -> memref<32x80xi32, #tpu.memory_space<hbm>>
        tpu.enqueue_dma source(%dma_start3A_73 : memref<32x80xi32, #tpu.memory_space<hbm>>) target(%arg7 : memref<32x80xi32, #tpu.memory_space<vmem>>) target_semaphore(%run_scoped3A : memref<!tpu.dma_semaphore, #tpu.memory_space<semaphore_mem>>)
        %dma_wait3A = arith.constant 0 : i32
        %dma_wait3A_74 = arith.constant 0 : i32
        %dma_wait3A_75 = tpu.memref_slice %arg4[%add3A_37, %dma_wait3A, %dma_wait3A_74] : memref<128x32x80xi32, #tpu.memory_space<hbm>> -> memref<1x32x80xi32, #tpu.memory_space<hbm>>
        %dma_wait3A_76 = tpu.memref_squeeze %dma_wait3A_75 : memref<1x32x80xi32, #tpu.memory_space<hbm>> -> memref<32x80xi32, #tpu.memory_space<hbm>>
        %dma_wait3A_77 = arith.constant 0 : i32
        %dma_wait3A_78 = arith.constant 0 : i32
        %dma_wait3A_79 = tpu.memref_slice %arg4[%add3A_37, %dma_wait3A_77, %dma_wait3A_78] : memref<128x32x80xi32, #tpu.memory_space<hbm>> -> memref<1x32x80xi32, #tpu.memory_space<hbm>>
        %dma_wait3A_80 = tpu.memref_squeeze %dma_wait3A_79 : memref<1x32x80xi32, #tpu.memory_space<hbm>> -> memref<32x80xi32, #tpu.memory_space<hbm>>
        tpu.wait_dma2 semaphore(%run_scoped3A : memref<!tpu.dma_semaphore, #tpu.memory_space<semaphore_mem>>) src(%dma_wait3A_80 : memref<32x80xi32, #tpu.memory_space<hbm>>) dst(%arg7 : memref<32x80xi32, #tpu.memory_space<vmem>>)
        tpu.yield
      }) : () -> ()
      %dma_start3A = arith.constant 0 : i32
      %dma_start3A_38 = arith.constant 0 : i32
      %dma_start3A_39 = tpu.memref_slice %arg6[%dma_start3A, %dma_start3A_38] : memref<32x80xi32, #tpu.memory_space<vmem>> -> memref<1x80xi32, #tpu.memory_space<vmem>>
      %dma_start3A_40 = tpu.memref_squeeze %dma_start3A_39 : memref<1x80xi32, #tpu.memory_space<vmem>> -> memref<80xi32, #tpu.memory_space<vmem>>
      %dma_start3A_41 = arith.constant 0 : i32
      %dma_start3A_42 = arith.constant 0 : i32
      %dma_start3A_43 = tpu.memref_slice %arg2[%dma_start3A_41, %dma_start3A_42] : memref<10240x128xf32, #tpu.memory_space<hbm>> -> memref<10240x128xf32, #tpu.memory_space<hbm>>
      tpu.enqueue_indirect_dma source(%dma_start3A_43 : memref<10240x128xf32, #tpu.memory_space<hbm>>) target(%arg8 : memref<80x128xf32, #tpu.memory_space<vmem>>) offsets(%dma_start3A_40 : memref<80xi32, #tpu.memory_space<vmem>>) semaphore(%arg13 : memref<!tpu.dma_semaphore, #tpu.memory_space<semaphore_mem>>)
      %dma_start3A_44 = arith.constant 1 : i32
      %dma_start3A_45 = arith.constant 0 : i32
      %dma_start3A_46 = tpu.memref_slice %arg6[%dma_start3A_44, %dma_start3A_45] : memref<32x80xi32, #tpu.memory_space<vmem>> -> memref<1x80xi32, #tpu.memory_space<vmem>>
      %dma_start3A_47 = tpu.memref_squeeze %dma_start3A_46 : memref<1x80xi32, #tpu.memory_space<vmem>> -> memref<80xi32, #tpu.memory_space<vmem>>
      %dma_start3A_48 = arith.constant 0 : i32
      %dma_start3A_49 = arith.constant 0 : i32
      %dma_start3A_50 = tpu.memref_slice %arg2[%dma_start3A_48, %dma_start3A_49] : memref<10240x128xf32, #tpu.memory_space<hbm>> -> memref<10240x128xf32, #tpu.memory_space<hbm>>
      tpu.enqueue_indirect_dma source(%dma_start3A_50 : memref<10240x128xf32, #tpu.memory_space<hbm>>) target(%arg9 : memref<80x128xf32, #tpu.memory_space<vmem>>) offsets(%dma_start3A_47 : memref<80xi32, #tpu.memory_space<vmem>>) semaphore(%arg14 : memref<!tpu.dma_semaphore, #tpu.memory_space<semaphore_mem>>)
      %dma_start3A_51 = arith.constant 2 : i32
      %dma_start3A_52 = arith.constant 0 : i32
      %dma_start3A_53 = tpu.memref_slice %arg6[%dma_start3A_51, %dma_start3A_52] : memref<32x80xi32, #tpu.memory_space<vmem>> -> memref<1x80xi32, #tpu.memory_space<vmem>>
      %dma_start3A_54 = tpu.memref_squeeze %dma_start3A_53 : memref<1x80xi32, #tpu.memory_space<vmem>> -> memref<80xi32, #tpu.memory_space<vmem>>
      %dma_start3A_55 = arith.constant 0 : i32
      %dma_start3A_56 = arith.constant 0 : i32
      %dma_start3A_57 = tpu.memref_slice %arg2[%dma_start3A_55, %dma_start3A_56] : memref<10240x128xf32, #tpu.memory_space<hbm>> -> memref<10240x128xf32, #tpu.memory_space<hbm>>
      tpu.enqueue_indirect_dma source(%dma_start3A_57 : memref<10240x128xf32, #tpu.memory_space<hbm>>) target(%arg10 : memref<80x128xf32, #tpu.memory_space<vmem>>) offsets(%dma_start3A_54 : memref<80xi32, #tpu.memory_space<vmem>>) semaphore(%arg15 : memref<!tpu.dma_semaphore, #tpu.memory_space<semaphore_mem>>)
      %scan3A_58 = arith.constant 0 : i32
      %scan3A_59 = arith.constant 0 : i32
      %scan3A_60 = arith.constant 8 : i32
      %scan3A_61 = arith.addi %scan3A_59, %scan3A_60 : i32
      %scan3A_62 = arith.constant 1 : i32
      %scan3A_63 = scf.for %scan3A_66 = %scan3A_59 to %scan3A_61 step %scan3A_62 iter_args(%scan3A_67 = %scan3A_58) -> (i32)  : i32 {
        %mul3A_68 = arith.constant 4 : i32
        %mul3A_69 = arith.muli %scan3A_66, %mul3A_68 : i32
        %add3A_70 = arith.constant 3 : i32
        %add3A_71 = arith.addi %mul3A_69, %add3A_70 : i32
        %dma_start3A_72 = arith.constant 0 : i32
        %dma_start3A_73 = tpu.memref_slice %arg6[%add3A_71, %dma_start3A_72] : memref<32x80xi32, #tpu.memory_space<vmem>> -> memref<1x80xi32, #tpu.memory_space<vmem>>
        %dma_start3A_74 = tpu.memref_squeeze %dma_start3A_73 : memref<1x80xi32, #tpu.memory_space<vmem>> -> memref<80xi32, #tpu.memory_space<vmem>>
        %dma_start3A_75 = arith.constant 0 : i32
        %dma_start3A_76 = arith.constant 0 : i32
        %dma_start3A_77 = tpu.memref_slice %arg2[%dma_start3A_75, %dma_start3A_76] : memref<10240x128xf32, #tpu.memory_space<hbm>> -> memref<10240x128xf32, #tpu.memory_space<hbm>>
        tpu.enqueue_indirect_dma source(%dma_start3A_77 : memref<10240x128xf32, #tpu.memory_space<hbm>>) target(%arg11 : memref<80x128xf32, #tpu.memory_space<vmem>>) offsets(%dma_start3A_74 : memref<80xi32, #tpu.memory_space<vmem>>) semaphore(%arg16 : memref<!tpu.dma_semaphore, #tpu.memory_space<semaphore_mem>>)
        %dma_wait3A = arith.constant 0 : i32
        %dma_wait3A_78 = tpu.memref_slice %arg6[%mul3A_69, %dma_wait3A] : memref<32x80xi32, #tpu.memory_space<vmem>> -> memref<1x80xi32, #tpu.memory_space<vmem>>
        %dma_wait3A_79 = tpu.memref_squeeze %dma_wait3A_78 : memref<1x80xi32, #tpu.memory_space<vmem>> -> memref<80xi32, #tpu.memory_space<vmem>>
        %dma_wait3A_80 = arith.constant 0 : i32
        %dma_wait3A_81 = arith.constant 0 : i32
        %dma_wait3A_82 = tpu.memref_slice %arg2[%dma_wait3A_80, %dma_wait3A_81] : memref<10240x128xf32, #tpu.memory_space<hbm>> -> memref<10240x128xf32, #tpu.memory_space<hbm>>
        tpu.wait_indirect_dma semaphore(%arg13 : memref<!tpu.dma_semaphore, #tpu.memory_space<semaphore_mem>>) src(%dma_wait3A_82 : memref<10240x128xf32, #tpu.memory_space<hbm>>) dst(%arg8 : memref<80x128xf32, #tpu.memory_space<vmem>>)
        "tpu.region"() ({
          %run_scoped3A = tpu.sem_alloc : memref<!tpu.dma_semaphore, #tpu.memory_space<semaphore_mem>>
          %dma_start3A_132 = arith.constant 0 : i32
          %dma_start3A_133 = tpu.memref_slice %arg7[%mul3A_69, %dma_start3A_132] : memref<32x80xi32, #tpu.memory_space<vmem>> -> memref<1x80xi32, #tpu.memory_space<vmem>>
          %dma_start3A_134 = tpu.memref_squeeze %dma_start3A_133 : memref<1x80xi32, #tpu.memory_space<vmem>> -> memref<80xi32, #tpu.memory_space<vmem>>
          %dma_start3A_135 = arith.constant 0 : i32
          %dma_start3A_136 = arith.constant 0 : i32
          %dma_start3A_137 = tpu.memref_slice %arg12[%dma_start3A_135, %dma_start3A_136] : memref<10240x128xf32, #tpu.memory_space<vmem_shared>> -> memref<10240x128xf32, #tpu.memory_space<vmem_shared>>
          tpu.enqueue_indirect_dma source(%arg8 : memref<80x128xf32, #tpu.memory_space<vmem>>) target(%dma_start3A_137 : memref<10240x128xf32, #tpu.memory_space<vmem_shared>>) offsets(%dma_start3A_134 : memref<80xi32, #tpu.memory_space<vmem>>) semaphore(%run_scoped3A : memref<!tpu.dma_semaphore, #tpu.memory_space<semaphore_mem>>) {add = true}
          %dma_wait3A_138 = arith.constant 0 : i32
          %dma_wait3A_139 = tpu.memref_slice %arg7[%mul3A_69, %dma_wait3A_138] : memref<32x80xi32, #tpu.memory_space<vmem>> -> memref<1x80xi32, #tpu.memory_space<vmem>>
          %dma_wait3A_140 = tpu.memref_squeeze %dma_wait3A_139 : memref<1x80xi32, #tpu.memory_space<vmem>> -> memref<80xi32, #tpu.memory_space<vmem>>
          %dma_wait3A_141 = arith.constant 0 : i32
          %dma_wait3A_142 = arith.constant 0 : i32
          %dma_wait3A_143 = tpu.memref_slice %arg12[%dma_wait3A_141, %dma_wait3A_142] : memref<10240x128xf32, #tpu.memory_space<vmem_shared>> -> memref<10240x128xf32, #tpu.memory_space<vmem_shared>>
          tpu.wait_indirect_dma semaphore(%run_scoped3A : memref<!tpu.dma_semaphore, #tpu.memory_space<semaphore_mem>>) src(%arg8 : memref<80x128xf32, #tpu.memory_space<vmem>>) dst(%dma_wait3A_143 : memref<10240x128xf32, #tpu.memory_space<vmem_shared>>)
          tpu.yield
        }) : () -> ()
        %add3A_83 = arith.constant 4 : i32
        %add3A_84 = arith.addi %mul3A_69, %add3A_83 : i32
        %lt3A = arith.constant 32 : i32
        %lt3A_85 = arith.cmpi slt, %add3A_84, %lt3A : i32
        %convert_element_type3A = arith.extui %lt3A_85 : i1 to i32
        %cond3A = arith.constant 0 : i32
        %cond3A_86 = arith.cmpi ne, %convert_element_type3A, %cond3A : i32
        scf.if %cond3A_86 {
          %add3A_132 = arith.constant 4 : i32
          %add3A_133 = arith.addi %mul3A_69, %add3A_132 : i32
          %dma_start3A_134 = arith.constant 0 : i32
          %dma_start3A_135 = tpu.memref_slice %arg6[%add3A_133, %dma_start3A_134] : memref<32x80xi32, #tpu.memory_space<vmem>> -> memref<1x80xi32, #tpu.memory_space<vmem>>
          %dma_start3A_136 = tpu.memref_squeeze %dma_start3A_135 : memref<1x80xi32, #tpu.memory_space<vmem>> -> memref<80xi32, #tpu.memory_space<vmem>>
          %dma_start3A_137 = arith.constant 0 : i32
          %dma_start3A_138 = arith.constant 0 : i32
          %dma_start3A_139 = tpu.memref_slice %arg2[%dma_start3A_137, %dma_start3A_138] : memref<10240x128xf32, #tpu.memory_space<hbm>> -> memref<10240x128xf32, #tpu.memory_space<hbm>>
          tpu.enqueue_indirect_dma source(%dma_start3A_139 : memref<10240x128xf32, #tpu.memory_space<hbm>>) target(%arg8 : memref<80x128xf32, #tpu.memory_space<vmem>>) offsets(%dma_start3A_136 : memref<80xi32, #tpu.memory_space<vmem>>) semaphore(%arg13 : memref<!tpu.dma_semaphore, #tpu.memory_space<semaphore_mem>>)
        } else {
        }
        %add3A_87 = arith.constant 1 : i32
        %add3A_88 = arith.addi %mul3A_69, %add3A_87 : i32
        %dma_wait3A_89 = arith.constant 0 : i32
        %dma_wait3A_90 = tpu.memref_slice %arg6[%add3A_88, %dma_wait3A_89] : memref<32x80xi32, #tpu.memory_space<vmem>> -> memref<1x80xi32, #tpu.memory_space<vmem>>
        %dma_wait3A_91 = tpu.memref_squeeze %dma_wait3A_90 : memref<1x80xi32, #tpu.memory_space<vmem>> -> memref<80xi32, #tpu.memory_space<vmem>>
        %dma_wait3A_92 = arith.constant 0 : i32
        %dma_wait3A_93 = arith.constant 0 : i32
        %dma_wait3A_94 = tpu.memref_slice %arg2[%dma_wait3A_92, %dma_wait3A_93] : memref<10240x128xf32, #tpu.memory_space<hbm>> -> memref<10240x128xf32, #tpu.memory_space<hbm>>
        tpu.wait_indirect_dma semaphore(%arg14 : memref<!tpu.dma_semaphore, #tpu.memory_space<semaphore_mem>>) src(%dma_wait3A_94 : memref<10240x128xf32, #tpu.memory_space<hbm>>) dst(%arg9 : memref<80x128xf32, #tpu.memory_space<vmem>>)
        %add3A_95 = arith.constant 1 : i32
        %add3A_96 = arith.addi %mul3A_69, %add3A_95 : i32
        "tpu.region"() ({
          %run_scoped3A = tpu.sem_alloc : memref<!tpu.dma_semaphore, #tpu.memory_space<semaphore_mem>>
          %dma_start3A_132 = arith.constant 0 : i32
          %dma_start3A_133 = tpu.memref_slice %arg7[%add3A_96, %dma_start3A_132] : memref<32x80xi32, #tpu.memory_space<vmem>> -> memref<1x80xi32, #tpu.memory_space<vmem>>
          %dma_start3A_134 = tpu.memref_squeeze %dma_start3A_133 : memref<1x80xi32, #tpu.memory_space<vmem>> -> memref<80xi32, #tpu.memory_space<vmem>>
          %dma_start3A_135 = arith.constant 0 : i32
          %dma_start3A_136 = arith.constant 0 : i32
          %dma_start3A_137 = tpu.memref_slice %arg12[%dma_start3A_135, %dma_start3A_136] : memref<10240x128xf32, #tpu.memory_space<vmem_shared>> -> memref<10240x128xf32, #tpu.memory_space<vmem_shared>>
          tpu.enqueue_indirect_dma source(%arg9 : memref<80x128xf32, #tpu.memory_space<vmem>>) target(%dma_start3A_137 : memref<10240x128xf32, #tpu.memory_space<vmem_shared>>) offsets(%dma_start3A_134 : memref<80xi32, #tpu.memory_space<vmem>>) semaphore(%run_scoped3A : memref<!tpu.dma_semaphore, #tpu.memory_space<semaphore_mem>>) {add = true}
          %dma_wait3A_138 = arith.constant 0 : i32
          %dma_wait3A_139 = tpu.memref_slice %arg7[%add3A_96, %dma_wait3A_138] : memref<32x80xi32, #tpu.memory_space<vmem>> -> memref<1x80xi32, #tpu.memory_space<vmem>>
          %dma_wait3A_140 = tpu.memref_squeeze %dma_wait3A_139 : memref<1x80xi32, #tpu.memory_space<vmem>> -> memref<80xi32, #tpu.memory_space<vmem>>
          %dma_wait3A_141 = arith.constant 0 : i32
          %dma_wait3A_142 = arith.constant 0 : i32
          %dma_wait3A_143 = tpu.memref_slice %arg12[%dma_wait3A_141, %dma_wait3A_142] : memref<10240x128xf32, #tpu.memory_space<vmem_shared>> -> memref<10240x128xf32, #tpu.memory_space<vmem_shared>>
          tpu.wait_indirect_dma semaphore(%run_scoped3A : memref<!tpu.dma_semaphore, #tpu.memory_space<semaphore_mem>>) src(%arg9 : memref<80x128xf32, #tpu.memory_space<vmem>>) dst(%dma_wait3A_143 : memref<10240x128xf32, #tpu.memory_space<vmem_shared>>)
          tpu.yield
        }) : () -> ()
        %add3A_97 = arith.constant 5 : i32
        %add3A_98 = arith.addi %mul3A_69, %add3A_97 : i32
        %lt3A_99 = arith.constant 32 : i32
        %lt3A_100 = arith.cmpi slt, %add3A_98, %lt3A_99 : i32
        %convert_element_type3A_101 = arith.extui %lt3A_100 : i1 to i32
        %cond3A_102 = arith.constant 0 : i32
        %cond3A_103 = arith.cmpi ne, %convert_element_type3A_101, %cond3A_102 : i32
        scf.if %cond3A_103 {
          %add3A_132 = arith.constant 5 : i32
          %add3A_133 = arith.addi %mul3A_69, %add3A_132 : i32
          %dma_start3A_134 = arith.constant 0 : i32
          %dma_start3A_135 = tpu.memref_slice %arg6[%add3A_133, %dma_start3A_134] : memref<32x80xi32, #tpu.memory_space<vmem>> -> memref<1x80xi32, #tpu.memory_space<vmem>>
          %dma_start3A_136 = tpu.memref_squeeze %dma_start3A_135 : memref<1x80xi32, #tpu.memory_space<vmem>> -> memref<80xi32, #tpu.memory_space<vmem>>
          %dma_start3A_137 = arith.constant 0 : i32
          %dma_start3A_138 = arith.constant 0 : i32
          %dma_start3A_139 = tpu.memref_slice %arg2[%dma_start3A_137, %dma_start3A_138] : memref<10240x128xf32, #tpu.memory_space<hbm>> -> memref<10240x128xf32, #tpu.memory_space<hbm>>
          tpu.enqueue_indirect_dma source(%dma_start3A_139 : memref<10240x128xf32, #tpu.memory_space<hbm>>) target(%arg9 : memref<80x128xf32, #tpu.memory_space<vmem>>) offsets(%dma_start3A_136 : memref<80xi32, #tpu.memory_space<vmem>>) semaphore(%arg14 : memref<!tpu.dma_semaphore, #tpu.memory_space<semaphore_mem>>)
        } else {
        }
        %add3A_104 = arith.constant 2 : i32
        %add3A_105 = arith.addi %mul3A_69, %add3A_104 : i32
        %dma_wait3A_106 = arith.constant 0 : i32
        %dma_wait3A_107 = tpu.memref_slice %arg6[%add3A_105, %dma_wait3A_106] : memref<32x80xi32, #tpu.memory_space<vmem>> -> memref<1x80xi32, #tpu.memory_space<vmem>>
        %dma_wait3A_108 = tpu.memref_squeeze %dma_wait3A_107 : memref<1x80xi32, #tpu.memory_space<vmem>> -> memref<80xi32, #tpu.memory_space<vmem>>
        %dma_wait3A_109 = arith.constant 0 : i32
        %dma_wait3A_110 = arith.constant 0 : i32
        %dma_wait3A_111 = tpu.memref_slice %arg2[%dma_wait3A_109, %dma_wait3A_110] : memref<10240x128xf32, #tpu.memory_space<hbm>> -> memref<10240x128xf32, #tpu.memory_space<hbm>>
        tpu.wait_indirect_dma semaphore(%arg15 : memref<!tpu.dma_semaphore, #tpu.memory_space<semaphore_mem>>) src(%dma_wait3A_111 : memref<10240x128xf32, #tpu.memory_space<hbm>>) dst(%arg10 : memref<80x128xf32, #tpu.memory_space<vmem>>)
        %add3A_112 = arith.constant 2 : i32
        %add3A_113 = arith.addi %mul3A_69, %add3A_112 : i32
        "tpu.region"() ({
          %run_scoped3A = tpu.sem_alloc : memref<!tpu.dma_semaphore, #tpu.memory_space<semaphore_mem>>
          %dma_start3A_132 = arith.constant 0 : i32
          %dma_start3A_133 = tpu.memref_slice %arg7[%add3A_113, %dma_start3A_132] : memref<32x80xi32, #tpu.memory_space<vmem>> -> memref<1x80xi32, #tpu.memory_space<vmem>>
          %dma_start3A_134 = tpu.memref_squeeze %dma_start3A_133 : memref<1x80xi32, #tpu.memory_space<vmem>> -> memref<80xi32, #tpu.memory_space<vmem>>
          %dma_start3A_135 = arith.constant 0 : i32
          %dma_start3A_136 = arith.constant 0 : i32
          %dma_start3A_137 = tpu.memref_slice %arg12[%dma_start3A_135, %dma_start3A_136] : memref<10240x128xf32, #tpu.memory_space<vmem_shared>> -> memref<10240x128xf32, #tpu.memory_space<vmem_shared>>
          tpu.enqueue_indirect_dma source(%arg10 : memref<80x128xf32, #tpu.memory_space<vmem>>) target(%dma_start3A_137 : memref<10240x128xf32, #tpu.memory_space<vmem_shared>>) offsets(%dma_start3A_134 : memref<80xi32, #tpu.memory_space<vmem>>) semaphore(%run_scoped3A : memref<!tpu.dma_semaphore, #tpu.memory_space<semaphore_mem>>) {add = true}
          %dma_wait3A_138 = arith.constant 0 : i32
          %dma_wait3A_139 = tpu.memref_slice %arg7[%add3A_113, %dma_wait3A_138] : memref<32x80xi32, #tpu.memory_space<vmem>> -> memref<1x80xi32, #tpu.memory_space<vmem>>
          %dma_wait3A_140 = tpu.memref_squeeze %dma_wait3A_139 : memref<1x80xi32, #tpu.memory_space<vmem>> -> memref<80xi32, #tpu.memory_space<vmem>>
          %dma_wait3A_141 = arith.constant 0 : i32
          %dma_wait3A_142 = arith.constant 0 : i32
          %dma_wait3A_143 = tpu.memref_slice %arg12[%dma_wait3A_141, %dma_wait3A_142] : memref<10240x128xf32, #tpu.memory_space<vmem_shared>> -> memref<10240x128xf32, #tpu.memory_space<vmem_shared>>
          tpu.wait_indirect_dma semaphore(%run_scoped3A : memref<!tpu.dma_semaphore, #tpu.memory_space<semaphore_mem>>) src(%arg10 : memref<80x128xf32, #tpu.memory_space<vmem>>) dst(%dma_wait3A_143 : memref<10240x128xf32, #tpu.memory_space<vmem_shared>>)
          tpu.yield
        }) : () -> ()
        %add3A_114 = arith.constant 6 : i32
        %add3A_115 = arith.addi %mul3A_69, %add3A_114 : i32
        %lt3A_116 = arith.constant 32 : i32
        %lt3A_117 = arith.cmpi slt, %add3A_115, %lt3A_116 : i32
        %convert_element_type3A_118 = arith.extui %lt3A_117 : i1 to i32
        %cond3A_119 = arith.constant 0 : i32
        %cond3A_120 = arith.cmpi ne, %convert_element_type3A_118, %cond3A_119 : i32
        scf.if %cond3A_120 {
          %add3A_132 = arith.constant 6 : i32
          %add3A_133 = arith.addi %mul3A_69, %add3A_132 : i32
          %dma_start3A_134 = arith.constant 0 : i32
          %dma_start3A_135 = tpu.memref_slice %arg6[%add3A_133, %dma_start3A_134] : memref<32x80xi32, #tpu.memory_space<vmem>> -> memref<1x80xi32, #tpu.memory_space<vmem>>
          %dma_start3A_136 = tpu.memref_squeeze %dma_start3A_135 : memref<1x80xi32, #tpu.memory_space<vmem>> -> memref<80xi32, #tpu.memory_space<vmem>>
          %dma_start3A_137 = arith.constant 0 : i32
          %dma_start3A_138 = arith.constant 0 : i32
          %dma_start3A_139 = tpu.memref_slice %arg2[%dma_start3A_137, %dma_start3A_138] : memref<10240x128xf32, #tpu.memory_space<hbm>> -> memref<10240x128xf32, #tpu.memory_space<hbm>>
          tpu.enqueue_indirect_dma source(%dma_start3A_139 : memref<10240x128xf32, #tpu.memory_space<hbm>>) target(%arg10 : memref<80x128xf32, #tpu.memory_space<vmem>>) offsets(%dma_start3A_136 : memref<80xi32, #tpu.memory_space<vmem>>) semaphore(%arg15 : memref<!tpu.dma_semaphore, #tpu.memory_space<semaphore_mem>>)
        } else {
        }
        %add3A_121 = arith.constant 3 : i32
        %add3A_122 = arith.addi %mul3A_69, %add3A_121 : i32
        %dma_wait3A_123 = arith.constant 0 : i32
        %dma_wait3A_124 = tpu.memref_slice %arg6[%add3A_122, %dma_wait3A_123] : memref<32x80xi32, #tpu.memory_space<vmem>> -> memref<1x80xi32, #tpu.memory_space<vmem>>
        %dma_wait3A_125 = tpu.memref_squeeze %dma_wait3A_124 : memref<1x80xi32, #tpu.memory_space<vmem>> -> memref<80xi32, #tpu.memory_space<vmem>>
        %dma_wait3A_126 = arith.constant 0 : i32
        %dma_wait3A_127 = arith.constant 0 : i32
        %dma_wait3A_128 = tpu.memref_slice %arg2[%dma_wait3A_126, %dma_wait3A_127] : memref<10240x128xf32, #tpu.memory_space<hbm>> -> memref<10240x128xf32, #tpu.memory_space<hbm>>
        tpu.wait_indirect_dma semaphore(%arg16 : memref<!tpu.dma_semaphore, #tpu.memory_space<semaphore_mem>>) src(%dma_wait3A_128 : memref<10240x128xf32, #tpu.memory_space<hbm>>) dst(%arg11 : memref<80x128xf32, #tpu.memory_space<vmem>>)
        %add3A_129 = arith.constant 3 : i32
        %add3A_130 = arith.addi %mul3A_69, %add3A_129 : i32
        "tpu.region"() ({
          %run_scoped3A = tpu.sem_alloc : memref<!tpu.dma_semaphore, #tpu.memory_space<semaphore_mem>>
          %dma_start3A_132 = arith.constant 0 : i32
          %dma_start3A_133 = tpu.memref_slice %arg7[%add3A_130, %dma_start3A_132] : memref<32x80xi32, #tpu.memory_space<vmem>> -> memref<1x80xi32, #tpu.memory_space<vmem>>
          %dma_start3A_134 = tpu.memref_squeeze %dma_start3A_133 : memref<1x80xi32, #tpu.memory_space<vmem>> -> memref<80xi32, #tpu.memory_space<vmem>>
          %dma_start3A_135 = arith.constant 0 : i32
          %dma_start3A_136 = arith.constant 0 : i32
          %dma_start3A_137 = tpu.memref_slice %arg12[%dma_start3A_135, %dma_start3A_136] : memref<10240x128xf32, #tpu.memory_space<vmem_shared>> -> memref<10240x128xf32, #tpu.memory_space<vmem_shared>>
          tpu.enqueue_indirect_dma source(%arg11 : memref<80x128xf32, #tpu.memory_space<vmem>>) target(%dma_start3A_137 : memref<10240x128xf32, #tpu.memory_space<vmem_shared>>) offsets(%dma_start3A_134 : memref<80xi32, #tpu.memory_space<vmem>>) semaphore(%run_scoped3A : memref<!tpu.dma_semaphore, #tpu.memory_space<semaphore_mem>>) {add = true}
          %dma_wait3A_138 = arith.constant 0 : i32
          %dma_wait3A_139 = tpu.memref_slice %arg7[%add3A_130, %dma_wait3A_138] : memref<32x80xi32, #tpu.memory_space<vmem>> -> memref<1x80xi32, #tpu.memory_space<vmem>>
          %dma_wait3A_140 = tpu.memref_squeeze %dma_wait3A_139 : memref<1x80xi32, #tpu.memory_space<vmem>> -> memref<80xi32, #tpu.memory_space<vmem>>
          %dma_wait3A_141 = arith.constant 0 : i32
          %dma_wait3A_142 = arith.constant 0 : i32
          %dma_wait3A_143 = tpu.memref_slice %arg12[%dma_wait3A_141, %dma_wait3A_142] : memref<10240x128xf32, #tpu.memory_space<vmem_shared>> -> memref<10240x128xf32, #tpu.memory_space<vmem_shared>>
          tpu.wait_indirect_dma semaphore(%run_scoped3A : memref<!tpu.dma_semaphore, #tpu.memory_space<semaphore_mem>>) src(%arg11 : memref<80x128xf32, #tpu.memory_space<vmem>>) dst(%dma_wait3A_143 : memref<10240x128xf32, #tpu.memory_space<vmem_shared>>)
          tpu.yield
        }) : () -> ()
        %scan3A_131 = arith.constant 0 : i32
        scf.yield %scan3A_131 : i32
      }
      %scan3A_64 = arith.constant 8 : i32
      %scan3A_65 = arith.constant 0 : i32
      scf.yield %scan3A_65 : i32
    }
    %scan3A_21 = arith.constant 4 : i32
    %barrier3A_22 = arith.constant 0 : index
    tpu.barrier barrier_id(%barrier3A_22)
    %scan3A_23 = arith.constant 0 : i32
    %scan3A_24 = arith.constant 0 : i32
    %scan3A_25 = arith.constant 8 : i32
    %scan3A_26 = arith.addi %scan3A_24, %scan3A_25 : i32
    %scan3A_27 = arith.constant 1 : i32
    %scan3A_28 = scf.for %scan3A_30 = %scan3A_24 to %scan3A_26 step %scan3A_27 iter_args(%scan3A_31 = %scan3A_23) -> (i32)  : i32 {
      %mul3A_32 = arith.constant 640 : i32
      %mul3A_33 = arith.muli %arg1, %mul3A_32 : i32
      %mul3A_34 = arith.constant 80 : i32
      %mul3A_35 = arith.muli %scan3A_30, %mul3A_34 : i32
      %add3A_36 = arith.addi %mul3A_33, %mul3A_35 : i32
      %mul3A_37 = arith.constant 10240 : i32
      %mul3A_38 = arith.muli %arg0, %mul3A_37 : i32
      %add3A_39 = arith.addi %mul3A_38, %add3A_36 : i32
      "tpu.region"() ({
        %run_scoped3A = tpu.sem_alloc : memref<!tpu.dma_semaphore, #tpu.memory_space<semaphore_mem>>
        %dma_start3A = arith.constant 0 : i32
        %dma_start3A_41 = tpu.memref_slice %arg5[%add3A_39, %dma_start3A] : memref<20480x128xf32, #tpu.memory_space<hbm>> -> memref<80x128xf32, #tpu.memory_space<hbm>>
        %dma_start3A_42 = arith.constant 0 : i32
        %dma_start3A_43 = tpu.memref_slice %arg12[%add3A_36, %dma_start3A_42] : memref<10240x128xf32, #tpu.memory_space<vmem_shared>> -> memref<80x128xf32, #tpu.memory_space<vmem_shared>>
        tpu.enqueue_dma source(%dma_start3A_43 : memref<80x128xf32, #tpu.memory_space<vmem_shared>>) target(%dma_start3A_41 : memref<80x128xf32, #tpu.memory_space<hbm>>) target_semaphore(%run_scoped3A : memref<!tpu.dma_semaphore, #tpu.memory_space<semaphore_mem>>)
        %dma_wait3A = arith.constant 0 : i32
        %dma_wait3A_44 = tpu.memref_slice %arg5[%add3A_39, %dma_wait3A] : memref<20480x128xf32, #tpu.memory_space<hbm>> -> memref<80x128xf32, #tpu.memory_space<hbm>>
        %dma_wait3A_45 = arith.constant 0 : i32
        %dma_wait3A_46 = tpu.memref_slice %arg12[%add3A_36, %dma_wait3A_45] : memref<10240x128xf32, #tpu.memory_space<vmem_shared>> -> memref<80x128xf32, #tpu.memory_space<vmem_shared>>
        tpu.wait_dma2 semaphore(%run_scoped3A : memref<!tpu.dma_semaphore, #tpu.memory_space<semaphore_mem>>) src(%dma_wait3A_46 : memref<80x128xf32, #tpu.memory_space<vmem_shared>>) dst(%dma_wait3A_44 : memref<80x128xf32, #tpu.memory_space<hbm>>)
        tpu.yield
      }) : () -> ()
      %scan3A_40 = arith.constant 0 : i32
      scf.yield %scan3A_40 : i32
    }
    %scan3A_29 = arith.constant 8 : i32
    return
  }
}

#map = affine_map<(d0, d1) -> (0, 0)>
#map1 = affine_map<(d0, d1) -> (0, 0, 0)>
module attributes {stable_mosaic.version = 14 : i64} {
  func.func @_sc_edge_agg(%arg0: i32, %arg1: i32, %arg2: memref<10240x128xf32, #tpu.memory_space<hbm>>, %arg3: memref<128x32x80xi32, #tpu.memory_space<hbm>>, %arg4: memref<128x32x80xi32, #tpu.memory_space<hbm>>, %arg5: memref<20480x128xf32, #tpu.memory_space<hbm>>, %arg6: memref<32x80xi32, #tpu.memory_space<vmem>>, %arg7: memref<32x80xi32, #tpu.memory_space<vmem>>, %arg8: memref<80x128xf32, #tpu.memory_space<vmem>>, %arg9: memref<80x128xf32, #tpu.memory_space<vmem>>, %arg10: memref<80x128xf32, #tpu.memory_space<vmem>>, %arg11: memref<80x128xf32, #tpu.memory_space<vmem>>, %arg12: memref<10240x128xf32, #tpu.memory_space<vmem_shared>>, %arg13: memref<!tpu.dma_semaphore, #tpu.memory_space<semaphore_mem>>, %arg14: memref<!tpu.dma_semaphore, #tpu.memory_space<semaphore_mem>>, %arg15: memref<!tpu.dma_semaphore, #tpu.memory_space<semaphore_mem>>, %arg16: memref<!tpu.dma_semaphore, #tpu.memory_space<semaphore_mem>>) attributes {dimension_semantics = [#tpu.dimension_semantics<core_parallel>, #tpu.dimension_semantics<subcore_parallel>], iteration_bounds = array<i64: 2, 16>, scalar_prefetch = 0 : i64, scratch_operands = 11 : i64, tpu.core_type = #tpu.core_type<sc_vector_subcore>, window_params = [{transform_indices = #map}, {transform_indices = #map1}, {transform_indices = #map1}, {transform_indices = #map}]} {
    %mul3A = arith.constant 16 : i32
    %mul3A_0 = arith.muli %arg0, %mul3A : i32
    %add3A = arith.addi %mul3A_0, %arg1 : i32
    %broadcast_in_dim3A = arith.constant 0.000000e+00 : f32
    %broadcast_in_dim3A_1 = vector.broadcast %broadcast_in_dim3A : f32 to vector<16xf32>
    %scan3A = arith.constant 0 : i32
    %scan3A_2 = arith.constant 0 : i32
    %scan3A_3 = arith.constant 640 : i32
    %scan3A_4 = arith.addi %scan3A_2, %scan3A_3 : i32
    %scan3A_5 = arith.constant 1 : i32
    %scan3A_6 = scf.for %scan3A_30 = %scan3A_2 to %scan3A_4 step %scan3A_5 iter_args(%scan3A_31 = %scan3A) -> (i32)  : i32 {
      %jit3A = arith.constant 8 : i32
      %div3A = arith.divsi %scan3A_30, %jit3A : i32
      %sign3A = arith.constant 0 : i32
      %sign3A_32 = arith.cmpi sgt, %scan3A_30, %sign3A : i32
      %sign3A_33 = arith.extui %sign3A_32 : i1 to i32
      %sign3A_34 = arith.constant 0 : i32
      %sign3A_35 = arith.cmpi slt, %scan3A_30, %sign3A_34 : i32
      %sign3A_36 = arith.extui %sign3A_35 : i1 to i32
      %sign3A_37 = arith.subi %sign3A_33, %sign3A_36 : i32
      %sign3A_38 = arith.constant 0 : i32
      %sign3A_39 = arith.cmpi sgt, %jit3A, %sign3A_38 : i32
      %sign3A_40 = arith.extui %sign3A_39 : i1 to i32
      %sign3A_41 = arith.constant 0 : i32
      %sign3A_42 = arith.cmpi slt, %jit3A, %sign3A_41 : i32
      %sign3A_43 = arith.extui %sign3A_42 : i1 to i32
      %sign3A_44 = arith.subi %sign3A_40, %sign3A_43 : i32
      %ne3A = arith.cmpi ne, %sign3A_37, %sign3A_44 : i32
      %rem3A = arith.remsi %scan3A_30, %jit3A : i32
      %ne3A_45 = arith.constant 0 : i32
      %ne3A_46 = arith.cmpi ne, %rem3A, %ne3A_45 : i32
      %and3A = arith.andi %ne3A, %ne3A_46 : i1
      %sub3A = arith.constant 1 : i32
      %sub3A_47 = arith.subi %div3A, %sub3A : i32
      %select_n3A = arith.select %and3A, %sub3A_47, %div3A : i32
      %jit3A_48 = arith.constant 8 : i32
      %eq3A = arith.constant 0 : i32
      %eq3A_49 = arith.cmpi eq, %jit3A_48, %eq3A : i32
      %jit3A_50 = arith.constant 1 : i32
      %select_n3A_51 = arith.select %eq3A_49, %jit3A_50, %jit3A_48 : i32
      %rem3A_52 = arith.remsi %scan3A_30, %select_n3A_51 : i32
      %ne3A_53 = arith.constant 0 : i32
      %ne3A_54 = arith.cmpi ne, %rem3A_52, %ne3A_53 : i32
      %lt3A = arith.constant 0 : i32
      %lt3A_55 = arith.cmpi slt, %rem3A_52, %lt3A : i32
      %lt3A_56 = arith.constant 0 : i32
      %lt3A_57 = arith.cmpi slt, %select_n3A_51, %lt3A_56 : i32
      %ne3A_58 = arith.xori %lt3A_55, %lt3A_57 : i1
      %and3A_59 = arith.andi %ne3A_58, %ne3A_54 : i1
      %add3A_60 = arith.addi %rem3A_52, %select_n3A_51 : i32
      %select_n3A_61 = arith.select %and3A_59, %add3A_60, %rem3A_52 : i32
      %mul3A_62 = arith.constant 16 : i32
      %mul3A_63 = arith.muli %select_n3A_61, %mul3A_62 : i32
      %swap3A = arith.index_cast %select_n3A : i32 to index
      %swap3A_64 = arith.index_cast %mul3A_63 : i32 to index
      %swap3A_65 = tpu.vector_load %arg8[%swap3A, %swap3A_64] {strides = array<i32>} : memref<80x128xf32, #tpu.memory_space<vmem>>, vector<1x16xf32>,
      %swap3A_66 = vector.shape_cast %swap3A_65 : vector<1x16xf32> to vector<16xf32>
      %swap3A_67 = vector.shape_cast %broadcast_in_dim3A_1 : vector<16xf32> to vector<1x16xf32>
      tpu.vector_store %arg8[%swap3A, %swap3A_64], %swap3A_67 {strides = array<i32>} : memref<80x128xf32, #tpu.memory_space<vmem>>, vector<1x16xf32>,
      %scan3A_68 = arith.constant 0 : i32
      scf.yield %scan3A_68 : i32
    }
    %scan3A_7 = arith.constant 640 : i32
    %scan3A_8 = arith.constant 0 : i32
    %scan3A_9 = arith.constant 0 : i32
    %scan3A_10 = arith.constant 8 : i32
    %scan3A_11 = arith.addi %scan3A_9, %scan3A_10 : i32
    %scan3A_12 = arith.constant 1 : i32
    %scan3A_13 = scf.for %scan3A_30 = %scan3A_9 to %scan3A_11 step %scan3A_12 iter_args(%scan3A_31 = %scan3A_8) -> (i32)  : i32 {
      %mul3A_32 = arith.constant 640 : i32
      %mul3A_33 = arith.muli %arg1, %mul3A_32 : i32
      %mul3A_34 = arith.constant 80 : i32
      %mul3A_35 = arith.muli %scan3A_30, %mul3A_34 : i32
      %add3A_36 = arith.addi %mul3A_33, %mul3A_35 : i32
      "tpu.region"() ({
        %run_scoped3A = tpu.sem_alloc : memref<!tpu.dma_semaphore, #tpu.memory_space<semaphore_mem>>
        %dma_start3A = arith.constant 0 : i32
        %dma_start3A_38 = arith.constant 0 : i32
        %dma_start3A_39 = tpu.memref_slice %arg8[%dma_start3A, %dma_start3A_38] : memref<80x128xf32, #tpu.memory_space<vmem>> -> memref<80x128xf32, #tpu.memory_space<vmem>>
        %dma_start3A_40 = arith.constant 0 : i32
        %dma_start3A_41 = tpu.memref_slice %arg12[%add3A_36, %dma_start3A_40] : memref<10240x128xf32, #tpu.memory_space<vmem_shared>> -> memref<80x128xf32, #tpu.memory_space<vmem_shared>>
        %dma_start3A_42 = arith.constant 0 : i32
        %dma_start3A_43 = tpu.memref_slice %arg12[%add3A_36, %dma_start3A_42] : memref<10240x128xf32, #tpu.memory_space<vmem_shared>> -> memref<80x128xf32, #tpu.memory_space<vmem_shared>>
        %dma_start3A_44 = arith.constant 0 : i32
        %dma_start3A_45 = arith.constant 0 : i32
        %dma_start3A_46 = tpu.memref_slice %arg8[%dma_start3A_44, %dma_start3A_45] : memref<80x128xf32, #tpu.memory_space<vmem>> -> memref<80x128xf32, #tpu.memory_space<vmem>>
        tpu.enqueue_dma source(%dma_start3A_46 : memref<80x128xf32, #tpu.memory_space<vmem>>) target(%dma_start3A_43 : memref<80x128xf32, #tpu.memory_space<vmem_shared>>) target_semaphore(%run_scoped3A : memref<!tpu.dma_semaphore, #tpu.memory_space<semaphore_mem>>)
        %dma_wait3A = arith.constant 0 : i32
        %dma_wait3A_47 = arith.constant 0 : i32
        %dma_wait3A_48 = tpu.memref_slice %arg8[%dma_wait3A, %dma_wait3A_47] : memref<80x128xf32, #tpu.memory_space<vmem>> -> memref<80x128xf32, #tpu.memory_space<vmem>>
        %dma_wait3A_49 = arith.constant 0 : i32
        %dma_wait3A_50 = tpu.memref_slice %arg12[%add3A_36, %dma_wait3A_49] : memref<10240x128xf32, #tpu.memory_space<vmem_shared>> -> memref<80x128xf32, #tpu.memory_space<vmem_shared>>
        %dma_wait3A_51 = arith.constant 0 : i32
        %dma_wait3A_52 = tpu.memref_slice %arg12[%add3A_36, %dma_wait3A_51] : memref<10240x128xf32, #tpu.memory_space<vmem_shared>> -> memref<80x128xf32, #tpu.memory_space<vmem_shared>>
        %dma_wait3A_53 = arith.constant 0 : i32
        %dma_wait3A_54 = arith.constant 0 : i32
        %dma_wait3A_55 = tpu.memref_slice %arg8[%dma_wait3A_53, %dma_wait3A_54] : memref<80x128xf32, #tpu.memory_space<vmem>> -> memref<80x128xf32, #tpu.memory_space<vmem>>
        tpu.wait_dma2 semaphore(%run_scoped3A : memref<!tpu.dma_semaphore, #tpu.memory_space<semaphore_mem>>) src(%dma_wait3A_55 : memref<80x128xf32, #tpu.memory_space<vmem>>) dst(%dma_wait3A_52 : memref<80x128xf32, #tpu.memory_space<vmem_shared>>)
        tpu.yield
      }) : () -> ()
      %scan3A_37 = arith.constant 0 : i32
      scf.yield %scan3A_37 : i32
    }
    %scan3A_14 = arith.constant 8 : i32
    %barrier3A = arith.constant 0 : index
    tpu.barrier barrier_id(%barrier3A)
    %scan3A_15 = arith.constant 0 : i32
    %scan3A_16 = arith.constant 0 : i32
    %scan3A_17 = arith.constant 4 : i32
    %scan3A_18 = arith.addi %scan3A_16, %scan3A_17 : i32
    %scan3A_19 = arith.constant 1 : i32
    %scan3A_20 = scf.for %scan3A_30 = %scan3A_16 to %scan3A_18 step %scan3A_19 iter_args(%scan3A_31 = %scan3A_15) -> (i32)  : i32 {
      %mul3A_32 = arith.constant 4 : i32
      %mul3A_33 = arith.muli %add3A, %mul3A_32 : i32
      %add3A_34 = arith.addi %mul3A_33, %scan3A_30 : i32
      "tpu.region"() ({
        %run_scoped3A = tpu.sem_alloc : memref<!tpu.dma_semaphore, #tpu.memory_space<semaphore_mem>>
        %dma_start3A_66 = arith.constant 0 : i32
        %dma_start3A_67 = arith.constant 0 : i32
        %dma_start3A_68 = tpu.memref_slice %arg3[%add3A_34, %dma_start3A_66, %dma_start3A_67] : memref<128x32x80xi32, #tpu.memory_space<hbm>> -> memref<1x32x80xi32, #tpu.memory_space<hbm>>
        %dma_start3A_69 = tpu.memref_squeeze %dma_start3A_68 : memref<1x32x80xi32, #tpu.memory_space<hbm>> -> memref<32x80xi32, #tpu.memory_space<hbm>>
        %dma_start3A_70 = arith.constant 0 : i32
        %dma_start3A_71 = arith.constant 0 : i32
        %dma_start3A_72 = tpu.memref_slice %arg3[%add3A_34, %dma_start3A_70, %dma_start3A_71] : memref<128x32x80xi32, #tpu.memory_space<hbm>> -> memref<1x32x80xi32, #tpu.memory_space<hbm>>
        %dma_start3A_73 = tpu.memref_squeeze %dma_start3A_72 : memref<1x32x80xi32, #tpu.memory_space<hbm>> -> memref<32x80xi32, #tpu.memory_space<hbm>>
        tpu.enqueue_dma source(%dma_start3A_73 : memref<32x80xi32, #tpu.memory_space<hbm>>) target(%arg6 : memref<32x80xi32, #tpu.memory_space<vmem>>) target_semaphore(%run_scoped3A : memref<!tpu.dma_semaphore, #tpu.memory_space<semaphore_mem>>)
        %dma_wait3A = arith.constant 0 : i32
        %dma_wait3A_74 = arith.constant 0 : i32
        %dma_wait3A_75 = tpu.memref_slice %arg3[%add3A_34, %dma_wait3A, %dma_wait3A_74] : memref<128x32x80xi32, #tpu.memory_space<hbm>> -> memref<1x32x80xi32, #tpu.memory_space<hbm>>
        %dma_wait3A_76 = tpu.memref_squeeze %dma_wait3A_75 : memref<1x32x80xi32, #tpu.memory_space<hbm>> -> memref<32x80xi32, #tpu.memory_space<hbm>>
        %dma_wait3A_77 = arith.constant 0 : i32
        %dma_wait3A_78 = arith.constant 0 : i32
        %dma_wait3A_79 = tpu.memref_slice %arg3[%add3A_34, %dma_wait3A_77, %dma_wait3A_78] : memref<128x32x80xi32, #tpu.memory_space<hbm>> -> memref<1x32x80xi32, #tpu.memory_space<hbm>>
        %dma_wait3A_80 = tpu.memref_squeeze %dma_wait3A_79 : memref<1x32x80xi32, #tpu.memory_space<hbm>> -> memref<32x80xi32, #tpu.memory_space<hbm>>
        tpu.wait_dma2 semaphore(%run_scoped3A : memref<!tpu.dma_semaphore, #tpu.memory_space<semaphore_mem>>) src(%dma_wait3A_80 : memref<32x80xi32, #tpu.memory_space<hbm>>) dst(%arg6 : memref<32x80xi32, #tpu.memory_space<vmem>>)
        tpu.yield
      }) : () -> ()
      %mul3A_35 = arith.constant 4 : i32
      %mul3A_36 = arith.muli %add3A, %mul3A_35 : i32
      %add3A_37 = arith.addi %mul3A_36, %scan3A_30 : i32
      "tpu.region"() ({
        %run_scoped3A = tpu.sem_alloc : memref<!tpu.dma_semaphore, #tpu.memory_space<semaphore_mem>>
        %dma_start3A_66 = arith.constant 0 : i32
        %dma_start3A_67 = arith.constant 0 : i32
        %dma_start3A_68 = tpu.memref_slice %arg4[%add3A_37, %dma_start3A_66, %dma_start3A_67] : memref<128x32x80xi32, #tpu.memory_space<hbm>> -> memref<1x32x80xi32, #tpu.memory_space<hbm>>
        %dma_start3A_69 = tpu.memref_squeeze %dma_start3A_68 : memref<1x32x80xi32, #tpu.memory_space<hbm>> -> memref<32x80xi32, #tpu.memory_space<hbm>>
        %dma_start3A_70 = arith.constant 0 : i32
        %dma_start3A_71 = arith.constant 0 : i32
        %dma_start3A_72 = tpu.memref_slice %arg4[%add3A_37, %dma_start3A_70, %dma_start3A_71] : memref<128x32x80xi32, #tpu.memory_space<hbm>> -> memref<1x32x80xi32, #tpu.memory_space<hbm>>
        %dma_start3A_73 = tpu.memref_squeeze %dma_start3A_72 : memref<1x32x80xi32, #tpu.memory_space<hbm>> -> memref<32x80xi32, #tpu.memory_space<hbm>>
        tpu.enqueue_dma source(%dma_start3A_73 : memref<32x80xi32, #tpu.memory_space<hbm>>) target(%arg7 : memref<32x80xi32, #tpu.memory_space<vmem>>) target_semaphore(%run_scoped3A : memref<!tpu.dma_semaphore, #tpu.memory_space<semaphore_mem>>)
        %dma_wait3A = arith.constant 0 : i32
        %dma_wait3A_74 = arith.constant 0 : i32
        %dma_wait3A_75 = tpu.memref_slice %arg4[%add3A_37, %dma_wait3A, %dma_wait3A_74] : memref<128x32x80xi32, #tpu.memory_space<hbm>> -> memref<1x32x80xi32, #tpu.memory_space<hbm>>
        %dma_wait3A_76 = tpu.memref_squeeze %dma_wait3A_75 : memref<1x32x80xi32, #tpu.memory_space<hbm>> -> memref<32x80xi32, #tpu.memory_space<hbm>>
        %dma_wait3A_77 = arith.constant 0 : i32
        %dma_wait3A_78 = arith.constant 0 : i32
        %dma_wait3A_79 = tpu.memref_slice %arg4[%add3A_37, %dma_wait3A_77, %dma_wait3A_78] : memref<128x32x80xi32, #tpu.memory_space<hbm>> -> memref<1x32x80xi32, #tpu.memory_space<hbm>>
        %dma_wait3A_80 = tpu.memref_squeeze %dma_wait3A_79 : memref<1x32x80xi32, #tpu.memory_space<hbm>> -> memref<32x80xi32, #tpu.memory_space<hbm>>
        tpu.wait_dma2 semaphore(%run_scoped3A : memref<!tpu.dma_semaphore, #tpu.memory_space<semaphore_mem>>) src(%dma_wait3A_80 : memref<32x80xi32, #tpu.memory_space<hbm>>) dst(%arg7 : memref<32x80xi32, #tpu.memory_space<vmem>>)
        tpu.yield
      }) : () -> ()
      %dma_start3A = arith.constant 0 : i32
      %dma_start3A_38 = arith.constant 0 : i32
      %dma_start3A_39 = tpu.memref_slice %arg6[%dma_start3A, %dma_start3A_38] : memref<32x80xi32, #tpu.memory_space<vmem>> -> memref<1x80xi32, #tpu.memory_space<vmem>>
      %dma_start3A_40 = tpu.memref_squeeze %dma_start3A_39 : memref<1x80xi32, #tpu.memory_space<vmem>> -> memref<80xi32, #tpu.memory_space<vmem>>
      %dma_start3A_41 = arith.constant 0 : i32
      %dma_start3A_42 = arith.constant 0 : i32
      %dma_start3A_43 = tpu.memref_slice %arg2[%dma_start3A_41, %dma_start3A_42] : memref<10240x128xf32, #tpu.memory_space<hbm>> -> memref<10240x128xf32, #tpu.memory_space<hbm>>
      tpu.enqueue_indirect_dma source(%dma_start3A_43 : memref<10240x128xf32, #tpu.memory_space<hbm>>) target(%arg8 : memref<80x128xf32, #tpu.memory_space<vmem>>) offsets(%dma_start3A_40 : memref<80xi32, #tpu.memory_space<vmem>>) semaphore(%arg13 : memref<!tpu.dma_semaphore, #tpu.memory_space<semaphore_mem>>)
      %dma_start3A_44 = arith.constant 1 : i32
      %dma_start3A_45 = arith.constant 0 : i32
      %dma_start3A_46 = tpu.memref_slice %arg6[%dma_start3A_44, %dma_start3A_45] : memref<32x80xi32, #tpu.memory_space<vmem>> -> memref<1x80xi32, #tpu.memory_space<vmem>>
      %dma_start3A_47 = tpu.memref_squeeze %dma_start3A_46 : memref<1x80xi32, #tpu.memory_space<vmem>> -> memref<80xi32, #tpu.memory_space<vmem>>
      %dma_start3A_48 = arith.constant 0 : i32
      %dma_start3A_49 = arith.constant 0 : i32
      %dma_start3A_50 = tpu.memref_slice %arg2[%dma_start3A_48, %dma_start3A_49] : memref<10240x128xf32, #tpu.memory_space<hbm>> -> memref<10240x128xf32, #tpu.memory_space<hbm>>
      tpu.enqueue_indirect_dma source(%dma_start3A_50 : memref<10240x128xf32, #tpu.memory_space<hbm>>) target(%arg9 : memref<80x128xf32, #tpu.memory_space<vmem>>) offsets(%dma_start3A_47 : memref<80xi32, #tpu.memory_space<vmem>>) semaphore(%arg14 : memref<!tpu.dma_semaphore, #tpu.memory_space<semaphore_mem>>)
      %dma_start3A_51 = arith.constant 2 : i32
      %dma_start3A_52 = arith.constant 0 : i32
      %dma_start3A_53 = tpu.memref_slice %arg6[%dma_start3A_51, %dma_start3A_52] : memref<32x80xi32, #tpu.memory_space<vmem>> -> memref<1x80xi32, #tpu.memory_space<vmem>>
      %dma_start3A_54 = tpu.memref_squeeze %dma_start3A_53 : memref<1x80xi32, #tpu.memory_space<vmem>> -> memref<80xi32, #tpu.memory_space<vmem>>
      %dma_start3A_55 = arith.constant 0 : i32
      %dma_start3A_56 = arith.constant 0 : i32
      %dma_start3A_57 = tpu.memref_slice %arg2[%dma_start3A_55, %dma_start3A_56] : memref<10240x128xf32, #tpu.memory_space<hbm>> -> memref<10240x128xf32, #tpu.memory_space<hbm>>
      tpu.enqueue_indirect_dma source(%dma_start3A_57 : memref<10240x128xf32, #tpu.memory_space<hbm>>) target(%arg10 : memref<80x128xf32, #tpu.memory_space<vmem>>) offsets(%dma_start3A_54 : memref<80xi32, #tpu.memory_space<vmem>>) semaphore(%arg15 : memref<!tpu.dma_semaphore, #tpu.memory_space<semaphore_mem>>)
      %scan3A_58 = arith.constant 0 : i32
      %scan3A_59 = arith.constant 0 : i32
      %scan3A_60 = arith.constant 8 : i32
      %scan3A_61 = arith.addi %scan3A_59, %scan3A_60 : i32
      %scan3A_62 = arith.constant 1 : i32
      %scan3A_63 = scf.for %scan3A_66 = %scan3A_59 to %scan3A_61 step %scan3A_62 iter_args(%scan3A_67 = %scan3A_58) -> (i32)  : i32 {
        %mul3A_68 = arith.constant 4 : i32
        %mul3A_69 = arith.muli %scan3A_66, %mul3A_68 : i32
        %add3A_70 = arith.constant 3 : i32
        %add3A_71 = arith.addi %mul3A_69, %add3A_70 : i32
        %dma_start3A_72 = arith.constant 0 : i32
        %dma_start3A_73 = tpu.memref_slice %arg6[%add3A_71, %dma_start3A_72] : memref<32x80xi32, #tpu.memory_space<vmem>> -> memref<1x80xi32, #tpu.memory_space<vmem>>
        %dma_start3A_74 = tpu.memref_squeeze %dma_start3A_73 : memref<1x80xi32, #tpu.memory_space<vmem>> -> memref<80xi32, #tpu.memory_space<vmem>>
        %dma_start3A_75 = arith.constant 0 : i32
        %dma_start3A_76 = arith.constant 0 : i32
        %dma_start3A_77 = tpu.memref_slice %arg2[%dma_start3A_75, %dma_start3A_76] : memref<10240x128xf32, #tpu.memory_space<hbm>> -> memref<10240x128xf32, #tpu.memory_space<hbm>>
        tpu.enqueue_indirect_dma source(%dma_start3A_77 : memref<10240x128xf32, #tpu.memory_space<hbm>>) target(%arg11 : memref<80x128xf32, #tpu.memory_space<vmem>>) offsets(%dma_start3A_74 : memref<80xi32, #tpu.memory_space<vmem>>) semaphore(%arg16 : memref<!tpu.dma_semaphore, #tpu.memory_space<semaphore_mem>>)
        %dma_wait3A = arith.constant 0 : i32
        %dma_wait3A_78 = tpu.memref_slice %arg6[%mul3A_69, %dma_wait3A] : memref<32x80xi32, #tpu.memory_space<vmem>> -> memref<1x80xi32, #tpu.memory_space<vmem>>
        %dma_wait3A_79 = tpu.memref_squeeze %dma_wait3A_78 : memref<1x80xi32, #tpu.memory_space<vmem>> -> memref<80xi32, #tpu.memory_space<vmem>>
        %dma_wait3A_80 = arith.constant 0 : i32
        %dma_wait3A_81 = arith.constant 0 : i32
        %dma_wait3A_82 = tpu.memref_slice %arg2[%dma_wait3A_80, %dma_wait3A_81] : memref<10240x128xf32, #tpu.memory_space<hbm>> -> memref<10240x128xf32, #tpu.memory_space<hbm>>
        tpu.wait_indirect_dma semaphore(%arg13 : memref<!tpu.dma_semaphore, #tpu.memory_space<semaphore_mem>>) src(%dma_wait3A_82 : memref<10240x128xf32, #tpu.memory_space<hbm>>) dst(%arg8 : memref<80x128xf32, #tpu.memory_space<vmem>>)
        "tpu.region"() ({
          %run_scoped3A = tpu.sem_alloc : memref<!tpu.dma_semaphore, #tpu.memory_space<semaphore_mem>>
          %dma_start3A_132 = arith.constant 0 : i32
          %dma_start3A_133 = tpu.memref_slice %arg7[%mul3A_69, %dma_start3A_132] : memref<32x80xi32, #tpu.memory_space<vmem>> -> memref<1x80xi32, #tpu.memory_space<vmem>>
          %dma_start3A_134 = tpu.memref_squeeze %dma_start3A_133 : memref<1x80xi32, #tpu.memory_space<vmem>> -> memref<80xi32, #tpu.memory_space<vmem>>
          %dma_start3A_135 = arith.constant 0 : i32
          %dma_start3A_136 = arith.constant 0 : i32
          %dma_start3A_137 = tpu.memref_slice %arg12[%dma_start3A_135, %dma_start3A_136] : memref<10240x128xf32, #tpu.memory_space<vmem_shared>> -> memref<10240x128xf32, #tpu.memory_space<vmem_shared>>
          tpu.enqueue_indirect_dma source(%arg8 : memref<80x128xf32, #tpu.memory_space<vmem>>) target(%dma_start3A_137 : memref<10240x128xf32, #tpu.memory_space<vmem_shared>>) offsets(%dma_start3A_134 : memref<80xi32, #tpu.memory_space<vmem>>) semaphore(%run_scoped3A : memref<!tpu.dma_semaphore, #tpu.memory_space<semaphore_mem>>) {add = true}
          %dma_wait3A_138 = arith.constant 0 : i32
          %dma_wait3A_139 = tpu.memref_slice %arg7[%mul3A_69, %dma_wait3A_138] : memref<32x80xi32, #tpu.memory_space<vmem>> -> memref<1x80xi32, #tpu.memory_space<vmem>>
          %dma_wait3A_140 = tpu.memref_squeeze %dma_wait3A_139 : memref<1x80xi32, #tpu.memory_space<vmem>> -> memref<80xi32, #tpu.memory_space<vmem>>
          %dma_wait3A_141 = arith.constant 0 : i32
          %dma_wait3A_142 = arith.constant 0 : i32
          %dma_wait3A_143 = tpu.memref_slice %arg12[%dma_wait3A_141, %dma_wait3A_142] : memref<10240x128xf32, #tpu.memory_space<vmem_shared>> -> memref<10240x128xf32, #tpu.memory_space<vmem_shared>>
          tpu.wait_indirect_dma semaphore(%run_scoped3A : memref<!tpu.dma_semaphore, #tpu.memory_space<semaphore_mem>>) src(%arg8 : memref<80x128xf32, #tpu.memory_space<vmem>>) dst(%dma_wait3A_143 : memref<10240x128xf32, #tpu.memory_space<vmem_shared>>)
          tpu.yield
        }) : () -> ()
        %add3A_83 = arith.constant 4 : i32
        %add3A_84 = arith.addi %mul3A_69, %add3A_83 : i32
        %lt3A = arith.constant 32 : i32
        %lt3A_85 = arith.cmpi slt, %add3A_84, %lt3A : i32
        %convert_element_type3A = arith.extui %lt3A_85 : i1 to i32
        %cond3A = arith.constant 0 : i32
        %cond3A_86 = arith.cmpi ne, %convert_element_type3A, %cond3A : i32
        scf.if %cond3A_86 {
          %add3A_132 = arith.constant 4 : i32
          %add3A_133 = arith.addi %mul3A_69, %add3A_132 : i32
          %dma_start3A_134 = arith.constant 0 : i32
          %dma_start3A_135 = tpu.memref_slice %arg6[%add3A_133, %dma_start3A_134] : memref<32x80xi32, #tpu.memory_space<vmem>> -> memref<1x80xi32, #tpu.memory_space<vmem>>
          %dma_start3A_136 = tpu.memref_squeeze %dma_start3A_135 : memref<1x80xi32, #tpu.memory_space<vmem>> -> memref<80xi32, #tpu.memory_space<vmem>>
          %dma_start3A_137 = arith.constant 0 : i32
          %dma_start3A_138 = arith.constant 0 : i32
          %dma_start3A_139 = tpu.memref_slice %arg2[%dma_start3A_137, %dma_start3A_138] : memref<10240x128xf32, #tpu.memory_space<hbm>> -> memref<10240x128xf32, #tpu.memory_space<hbm>>
          tpu.enqueue_indirect_dma source(%dma_start3A_139 : memref<10240x128xf32, #tpu.memory_space<hbm>>) target(%arg8 : memref<80x128xf32, #tpu.memory_space<vmem>>) offsets(%dma_start3A_136 : memref<80xi32, #tpu.memory_space<vmem>>) semaphore(%arg13 : memref<!tpu.dma_semaphore, #tpu.memory_space<semaphore_mem>>)
        } else {
        }
        %add3A_87 = arith.constant 1 : i32
        %add3A_88 = arith.addi %mul3A_69, %add3A_87 : i32
        %dma_wait3A_89 = arith.constant 0 : i32
        %dma_wait3A_90 = tpu.memref_slice %arg6[%add3A_88, %dma_wait3A_89] : memref<32x80xi32, #tpu.memory_space<vmem>> -> memref<1x80xi32, #tpu.memory_space<vmem>>
        %dma_wait3A_91 = tpu.memref_squeeze %dma_wait3A_90 : memref<1x80xi32, #tpu.memory_space<vmem>> -> memref<80xi32, #tpu.memory_space<vmem>>
        %dma_wait3A_92 = arith.constant 0 : i32
        %dma_wait3A_93 = arith.constant 0 : i32
        %dma_wait3A_94 = tpu.memref_slice %arg2[%dma_wait3A_92, %dma_wait3A_93] : memref<10240x128xf32, #tpu.memory_space<hbm>> -> memref<10240x128xf32, #tpu.memory_space<hbm>>
        tpu.wait_indirect_dma semaphore(%arg14 : memref<!tpu.dma_semaphore, #tpu.memory_space<semaphore_mem>>) src(%dma_wait3A_94 : memref<10240x128xf32, #tpu.memory_space<hbm>>) dst(%arg9 : memref<80x128xf32, #tpu.memory_space<vmem>>)
        %add3A_95 = arith.constant 1 : i32
        %add3A_96 = arith.addi %mul3A_69, %add3A_95 : i32
        "tpu.region"() ({
          %run_scoped3A = tpu.sem_alloc : memref<!tpu.dma_semaphore, #tpu.memory_space<semaphore_mem>>
          %dma_start3A_132 = arith.constant 0 : i32
          %dma_start3A_133 = tpu.memref_slice %arg7[%add3A_96, %dma_start3A_132] : memref<32x80xi32, #tpu.memory_space<vmem>> -> memref<1x80xi32, #tpu.memory_space<vmem>>
          %dma_start3A_134 = tpu.memref_squeeze %dma_start3A_133 : memref<1x80xi32, #tpu.memory_space<vmem>> -> memref<80xi32, #tpu.memory_space<vmem>>
          %dma_start3A_135 = arith.constant 0 : i32
          %dma_start3A_136 = arith.constant 0 : i32
          %dma_start3A_137 = tpu.memref_slice %arg12[%dma_start3A_135, %dma_start3A_136] : memref<10240x128xf32, #tpu.memory_space<vmem_shared>> -> memref<10240x128xf32, #tpu.memory_space<vmem_shared>>
          tpu.enqueue_indirect_dma source(%arg9 : memref<80x128xf32, #tpu.memory_space<vmem>>) target(%dma_start3A_137 : memref<10240x128xf32, #tpu.memory_space<vmem_shared>>) offsets(%dma_start3A_134 : memref<80xi32, #tpu.memory_space<vmem>>) semaphore(%run_scoped3A : memref<!tpu.dma_semaphore, #tpu.memory_space<semaphore_mem>>) {add = true}
          %dma_wait3A_138 = arith.constant 0 : i32
          %dma_wait3A_139 = tpu.memref_slice %arg7[%add3A_96, %dma_wait3A_138] : memref<32x80xi32, #tpu.memory_space<vmem>> -> memref<1x80xi32, #tpu.memory_space<vmem>>
          %dma_wait3A_140 = tpu.memref_squeeze %dma_wait3A_139 : memref<1x80xi32, #tpu.memory_space<vmem>> -> memref<80xi32, #tpu.memory_space<vmem>>
          %dma_wait3A_141 = arith.constant 0 : i32
          %dma_wait3A_142 = arith.constant 0 : i32
          %dma_wait3A_143 = tpu.memref_slice %arg12[%dma_wait3A_141, %dma_wait3A_142] : memref<10240x128xf32, #tpu.memory_space<vmem_shared>> -> memref<10240x128xf32, #tpu.memory_space<vmem_shared>>
          tpu.wait_indirect_dma semaphore(%run_scoped3A : memref<!tpu.dma_semaphore, #tpu.memory_space<semaphore_mem>>) src(%arg9 : memref<80x128xf32, #tpu.memory_space<vmem>>) dst(%dma_wait3A_143 : memref<10240x128xf32, #tpu.memory_space<vmem_shared>>)
          tpu.yield
        }) : () -> ()
        %add3A_97 = arith.constant 5 : i32
        %add3A_98 = arith.addi %mul3A_69, %add3A_97 : i32
        %lt3A_99 = arith.constant 32 : i32
        %lt3A_100 = arith.cmpi slt, %add3A_98, %lt3A_99 : i32
        %convert_element_type3A_101 = arith.extui %lt3A_100 : i1 to i32
        %cond3A_102 = arith.constant 0 : i32
        %cond3A_103 = arith.cmpi ne, %convert_element_type3A_101, %cond3A_102 : i32
        scf.if %cond3A_103 {
          %add3A_132 = arith.constant 5 : i32
          %add3A_133 = arith.addi %mul3A_69, %add3A_132 : i32
          %dma_start3A_134 = arith.constant 0 : i32
          %dma_start3A_135 = tpu.memref_slice %arg6[%add3A_133, %dma_start3A_134] : memref<32x80xi32, #tpu.memory_space<vmem>> -> memref<1x80xi32, #tpu.memory_space<vmem>>
          %dma_start3A_136 = tpu.memref_squeeze %dma_start3A_135 : memref<1x80xi32, #tpu.memory_space<vmem>> -> memref<80xi32, #tpu.memory_space<vmem>>
          %dma_start3A_137 = arith.constant 0 : i32
          %dma_start3A_138 = arith.constant 0 : i32
          %dma_start3A_139 = tpu.memref_slice %arg2[%dma_start3A_137, %dma_start3A_138] : memref<10240x128xf32, #tpu.memory_space<hbm>> -> memref<10240x128xf32, #tpu.memory_space<hbm>>
          tpu.enqueue_indirect_dma source(%dma_start3A_139 : memref<10240x128xf32, #tpu.memory_space<hbm>>) target(%arg9 : memref<80x128xf32, #tpu.memory_space<vmem>>) offsets(%dma_start3A_136 : memref<80xi32, #tpu.memory_space<vmem>>) semaphore(%arg14 : memref<!tpu.dma_semaphore, #tpu.memory_space<semaphore_mem>>)
        } else {
        }
        %add3A_104 = arith.constant 2 : i32
        %add3A_105 = arith.addi %mul3A_69, %add3A_104 : i32
        %dma_wait3A_106 = arith.constant 0 : i32
        %dma_wait3A_107 = tpu.memref_slice %arg6[%add3A_105, %dma_wait3A_106] : memref<32x80xi32, #tpu.memory_space<vmem>> -> memref<1x80xi32, #tpu.memory_space<vmem>>
        %dma_wait3A_108 = tpu.memref_squeeze %dma_wait3A_107 : memref<1x80xi32, #tpu.memory_space<vmem>> -> memref<80xi32, #tpu.memory_space<vmem>>
        %dma_wait3A_109 = arith.constant 0 : i32
        %dma_wait3A_110 = arith.constant 0 : i32
        %dma_wait3A_111 = tpu.memref_slice %arg2[%dma_wait3A_109, %dma_wait3A_110] : memref<10240x128xf32, #tpu.memory_space<hbm>> -> memref<10240x128xf32, #tpu.memory_space<hbm>>
        tpu.wait_indirect_dma semaphore(%arg15 : memref<!tpu.dma_semaphore, #tpu.memory_space<semaphore_mem>>) src(%dma_wait3A_111 : memref<10240x128xf32, #tpu.memory_space<hbm>>) dst(%arg10 : memref<80x128xf32, #tpu.memory_space<vmem>>)
        %add3A_112 = arith.constant 2 : i32
        %add3A_113 = arith.addi %mul3A_69, %add3A_112 : i32
        "tpu.region"() ({
          %run_scoped3A = tpu.sem_alloc : memref<!tpu.dma_semaphore, #tpu.memory_space<semaphore_mem>>
          %dma_start3A_132 = arith.constant 0 : i32
          %dma_start3A_133 = tpu.memref_slice %arg7[%add3A_113, %dma_start3A_132] : memref<32x80xi32, #tpu.memory_space<vmem>> -> memref<1x80xi32, #tpu.memory_space<vmem>>
          %dma_start3A_134 = tpu.memref_squeeze %dma_start3A_133 : memref<1x80xi32, #tpu.memory_space<vmem>> -> memref<80xi32, #tpu.memory_space<vmem>>
          %dma_start3A_135 = arith.constant 0 : i32
          %dma_start3A_136 = arith.constant 0 : i32
          %dma_start3A_137 = tpu.memref_slice %arg12[%dma_start3A_135, %dma_start3A_136] : memref<10240x128xf32, #tpu.memory_space<vmem_shared>> -> memref<10240x128xf32, #tpu.memory_space<vmem_shared>>
          tpu.enqueue_indirect_dma source(%arg10 : memref<80x128xf32, #tpu.memory_space<vmem>>) target(%dma_start3A_137 : memref<10240x128xf32, #tpu.memory_space<vmem_shared>>) offsets(%dma_start3A_134 : memref<80xi32, #tpu.memory_space<vmem>>) semaphore(%run_scoped3A : memref<!tpu.dma_semaphore, #tpu.memory_space<semaphore_mem>>) {add = true}
          %dma_wait3A_138 = arith.constant 0 : i32
          %dma_wait3A_139 = tpu.memref_slice %arg7[%add3A_113, %dma_wait3A_138] : memref<32x80xi32, #tpu.memory_space<vmem>> -> memref<1x80xi32, #tpu.memory_space<vmem>>
          %dma_wait3A_140 = tpu.memref_squeeze %dma_wait3A_139 : memref<1x80xi32, #tpu.memory_space<vmem>> -> memref<80xi32, #tpu.memory_space<vmem>>
          %dma_wait3A_141 = arith.constant 0 : i32
          %dma_wait3A_142 = arith.constant 0 : i32
          %dma_wait3A_143 = tpu.memref_slice %arg12[%dma_wait3A_141, %dma_wait3A_142] : memref<10240x128xf32, #tpu.memory_space<vmem_shared>> -> memref<10240x128xf32, #tpu.memory_space<vmem_shared>>
          tpu.wait_indirect_dma semaphore(%run_scoped3A : memref<!tpu.dma_semaphore, #tpu.memory_space<semaphore_mem>>) src(%arg10 : memref<80x128xf32, #tpu.memory_space<vmem>>) dst(%dma_wait3A_143 : memref<10240x128xf32, #tpu.memory_space<vmem_shared>>)
          tpu.yield
        }) : () -> ()
        %add3A_114 = arith.constant 6 : i32
        %add3A_115 = arith.addi %mul3A_69, %add3A_114 : i32
        %lt3A_116 = arith.constant 32 : i32
        %lt3A_117 = arith.cmpi slt, %add3A_115, %lt3A_116 : i32
        %convert_element_type3A_118 = arith.extui %lt3A_117 : i1 to i32
        %cond3A_119 = arith.constant 0 : i32
        %cond3A_120 = arith.cmpi ne, %convert_element_type3A_118, %cond3A_119 : i32
        scf.if %cond3A_120 {
          %add3A_132 = arith.constant 6 : i32
          %add3A_133 = arith.addi %mul3A_69, %add3A_132 : i32
          %dma_start3A_134 = arith.constant 0 : i32
          %dma_start3A_135 = tpu.memref_slice %arg6[%add3A_133, %dma_start3A_134] : memref<32x80xi32, #tpu.memory_space<vmem>> -> memref<1x80xi32, #tpu.memory_space<vmem>>
          %dma_start3A_136 = tpu.memref_squeeze %dma_start3A_135 : memref<1x80xi32, #tpu.memory_space<vmem>> -> memref<80xi32, #tpu.memory_space<vmem>>
          %dma_start3A_137 = arith.constant 0 : i32
          %dma_start3A_138 = arith.constant 0 : i32
          %dma_start3A_139 = tpu.memref_slice %arg2[%dma_start3A_137, %dma_start3A_138] : memref<10240x128xf32, #tpu.memory_space<hbm>> -> memref<10240x128xf32, #tpu.memory_space<hbm>>
          tpu.enqueue_indirect_dma source(%dma_start3A_139 : memref<10240x128xf32, #tpu.memory_space<hbm>>) target(%arg10 : memref<80x128xf32, #tpu.memory_space<vmem>>) offsets(%dma_start3A_136 : memref<80xi32, #tpu.memory_space<vmem>>) semaphore(%arg15 : memref<!tpu.dma_semaphore, #tpu.memory_space<semaphore_mem>>)
        } else {
        }
        %add3A_121 = arith.constant 3 : i32
        %add3A_122 = arith.addi %mul3A_69, %add3A_121 : i32
        %dma_wait3A_123 = arith.constant 0 : i32
        %dma_wait3A_124 = tpu.memref_slice %arg6[%add3A_122, %dma_wait3A_123] : memref<32x80xi32, #tpu.memory_space<vmem>> -> memref<1x80xi32, #tpu.memory_space<vmem>>
        %dma_wait3A_125 = tpu.memref_squeeze %dma_wait3A_124 : memref<1x80xi32, #tpu.memory_space<vmem>> -> memref<80xi32, #tpu.memory_space<vmem>>
        %dma_wait3A_126 = arith.constant 0 : i32
        %dma_wait3A_127 = arith.constant 0 : i32
        %dma_wait3A_128 = tpu.memref_slice %arg2[%dma_wait3A_126, %dma_wait3A_127] : memref<10240x128xf32, #tpu.memory_space<hbm>> -> memref<10240x128xf32, #tpu.memory_space<hbm>>
        tpu.wait_indirect_dma semaphore(%arg16 : memref<!tpu.dma_semaphore, #tpu.memory_space<semaphore_mem>>) src(%dma_wait3A_128 : memref<10240x128xf32, #tpu.memory_space<hbm>>) dst(%arg11 : memref<80x128xf32, #tpu.memory_space<vmem>>)
        %add3A_129 = arith.constant 3 : i32
        %add3A_130 = arith.addi %mul3A_69, %add3A_129 : i32
        "tpu.region"() ({
          %run_scoped3A = tpu.sem_alloc : memref<!tpu.dma_semaphore, #tpu.memory_space<semaphore_mem>>
          %dma_start3A_132 = arith.constant 0 : i32
          %dma_start3A_133 = tpu.memref_slice %arg7[%add3A_130, %dma_start3A_132] : memref<32x80xi32, #tpu.memory_space<vmem>> -> memref<1x80xi32, #tpu.memory_space<vmem>>
          %dma_start3A_134 = tpu.memref_squeeze %dma_start3A_133 : memref<1x80xi32, #tpu.memory_space<vmem>> -> memref<80xi32, #tpu.memory_space<vmem>>
          %dma_start3A_135 = arith.constant 0 : i32
          %dma_start3A_136 = arith.constant 0 : i32
          %dma_start3A_137 = tpu.memref_slice %arg12[%dma_start3A_135, %dma_start3A_136] : memref<10240x128xf32, #tpu.memory_space<vmem_shared>> -> memref<10240x128xf32, #tpu.memory_space<vmem_shared>>
          tpu.enqueue_indirect_dma source(%arg11 : memref<80x128xf32, #tpu.memory_space<vmem>>) target(%dma_start3A_137 : memref<10240x128xf32, #tpu.memory_space<vmem_shared>>) offsets(%dma_start3A_134 : memref<80xi32, #tpu.memory_space<vmem>>) semaphore(%run_scoped3A : memref<!tpu.dma_semaphore, #tpu.memory_space<semaphore_mem>>) {add = true}
          %dma_wait3A_138 = arith.constant 0 : i32
          %dma_wait3A_139 = tpu.memref_slice %arg7[%add3A_130, %dma_wait3A_138] : memref<32x80xi32, #tpu.memory_space<vmem>> -> memref<1x80xi32, #tpu.memory_space<vmem>>
          %dma_wait3A_140 = tpu.memref_squeeze %dma_wait3A_139 : memref<1x80xi32, #tpu.memory_space<vmem>> -> memref<80xi32, #tpu.memory_space<vmem>>
          %dma_wait3A_141 = arith.constant 0 : i32
          %dma_wait3A_142 = arith.constant 0 : i32
          %dma_wait3A_143 = tpu.memref_slice %arg12[%dma_wait3A_141, %dma_wait3A_142] : memref<10240x128xf32, #tpu.memory_space<vmem_shared>> -> memref<10240x128xf32, #tpu.memory_space<vmem_shared>>
          tpu.wait_indirect_dma semaphore(%run_scoped3A : memref<!tpu.dma_semaphore, #tpu.memory_space<semaphore_mem>>) src(%arg11 : memref<80x128xf32, #tpu.memory_space<vmem>>) dst(%dma_wait3A_143 : memref<10240x128xf32, #tpu.memory_space<vmem_shared>>)
          tpu.yield
        }) : () -> ()
        %scan3A_131 = arith.constant 0 : i32
        scf.yield %scan3A_131 : i32
      }
      %scan3A_64 = arith.constant 8 : i32
      %scan3A_65 = arith.constant 0 : i32
      scf.yield %scan3A_65 : i32
    }
    %scan3A_21 = arith.constant 4 : i32
    %barrier3A_22 = arith.constant 0 : index
    tpu.barrier barrier_id(%barrier3A_22)
    %scan3A_23 = arith.constant 0 : i32
    %scan3A_24 = arith.constant 0 : i32
    %scan3A_25 = arith.constant 8 : i32
    %scan3A_26 = arith.addi %scan3A_24, %scan3A_25 : i32
    %scan3A_27 = arith.constant 1 : i32
    %scan3A_28 = scf.for %scan3A_30 = %scan3A_24 to %scan3A_26 step %scan3A_27 iter_args(%scan3A_31 = %scan3A_23) -> (i32)  : i32 {
      %mul3A_32 = arith.constant 640 : i32
      %mul3A_33 = arith.muli %arg1, %mul3A_32 : i32
      %mul3A_34 = arith.constant 80 : i32
      %mul3A_35 = arith.muli %scan3A_30, %mul3A_34 : i32
      %add3A_36 = arith.addi %mul3A_33, %mul3A_35 : i32
      %mul3A_37 = arith.constant 10240 : i32
      %mul3A_38 = arith.muli %arg0, %mul3A_37 : i32
      %add3A_39 = arith.addi %mul3A_38, %add3A_36 : i32
      "tpu.region"() ({
        %run_scoped3A = tpu.sem_alloc : memref<!tpu.dma_semaphore, #tpu.memory_space<semaphore_mem>>
        %dma_start3A = arith.constant 0 : i32
        %dma_start3A_41 = tpu.memref_slice %arg5[%add3A_39, %dma_start3A] : memref<20480x128xf32, #tpu.memory_space<hbm>> -> memref<80x128xf32, #tpu.memory_space<hbm>>
        %dma_start3A_42 = arith.constant 0 : i32
        %dma_start3A_43 = tpu.memref_slice %arg12[%add3A_36, %dma_start3A_42] : memref<10240x128xf32, #tpu.memory_space<vmem_shared>> -> memref<80x128xf32, #tpu.memory_space<vmem_shared>>
        tpu.enqueue_dma source(%dma_start3A_43 : memref<80x128xf32, #tpu.memory_space<vmem_shared>>) target(%dma_start3A_41 : memref<80x128xf32, #tpu.memory_space<hbm>>) target_semaphore(%run_scoped3A : memref<!tpu.dma_semaphore, #tpu.memory_space<semaphore_mem>>)
        %dma_wait3A = arith.constant 0 : i32
        %dma_wait3A_44 = tpu.memref_slice %arg5[%add3A_39, %dma_wait3A] : memref<20480x128xf32, #tpu.memory_space<hbm>> -> memref<80x128xf32, #tpu.memory_space<hbm>>
        %dma_wait3A_45 = arith.constant 0 : i32
        %dma_wait3A_46 = tpu.memref_slice %arg12[%add3A_36, %dma_wait3A_45] : memref<10240x128xf32, #tpu.memory_space<vmem_shared>> -> memref<80x128xf32, #tpu.memory_space<vmem_shared>>
        tpu.wait_dma2 semaphore(%run_scoped3A : memref<!tpu.dma_semaphore, #tpu.memory_space<semaphore_mem>>) src(%dma_wait3A_46 : memref<80x128xf32, #tpu.memory_space<vmem_shared>>) dst(%dma_wait3A_44 : memref<80x128xf32, #tpu.memory_space<hbm>>)
        tpu.yield
      }) : () -> ()
      %scan3A_40 = arith.constant 0 : i32
      scf.yield %scan3A_40 : i32
    }
    %scan3A_29 = arith.constant 8 : i32
    return
  }
}

module attributes {stable_mosaic.version = 14 : i64} {
  func.func @_tc_first_body(%arg0: i32, %arg1: memref<512x128xf32, #tpu.memory_space<vmem>>, %arg2: memref<512x1xf32, #tpu.memory_space<vmem>>, %arg3: memref<512x1xf32, #tpu.memory_space<vmem>>, %arg4: memref<128x128xf32, #tpu.memory_space<vmem>>, %arg5: memref<512x128xf32, #tpu.memory_space<vmem>>) attributes {dimension_semantics = [#tpu.dimension_semantics<arbitrary>], iteration_bounds = array<i64: 20>, scalar_prefetch = 0 : i64, scratch_operands = 0 : i64, tpu.core_type = #tpu.core_type<tc>, window_params = [{transform_indices = @transform_0, window_bounds = array<i64: 512, 128>}, {transform_indices = @transform_1, window_bounds = array<i64: 512, 1>}, {transform_indices = @transform_2, window_bounds = array<i64: 512, 1>}, {pipeline_mode = #tpu.pipeline_mode<synchronous>, transform_indices = @transform_3, window_bounds = array<i64: 128, 128>}, {transform_indices = @transform_4, window_bounds = array<i64: 512, 128>}]} {
    %get3A = arith.constant 0 : index
    %get3A_0 = arith.constant 0 : index
    %get3A_1 = vector.load %arg2[%get3A, %get3A_0] : memref<512x1xf32, #tpu.memory_space<vmem>>, vector<512x1xf32>
    %get3A_2 = arith.constant 0 : index
    %get3A_3 = arith.constant 0 : index
    %get3A_4 = vector.load %arg3[%get3A_2, %get3A_3] : memref<512x1xf32, #tpu.memory_space<vmem>>, vector<512x1xf32>
    %add3A = arith.addf %get3A_1, %get3A_4 : vector<512x1xf32>
    %max3A = arith.constant 1.000000e+00 : f32
    %max3A_5 = vector.broadcast %max3A : f32 to vector<512x1xf32>
    %max3A_6 = arith.maximumf %add3A, %max3A_5 : vector<512x1xf32>
    %rsqrt3A = math.rsqrt %max3A_6 : vector<512x1xf32>
    %get3A_7 = arith.constant 0 : index
    %get3A_8 = arith.constant 0 : index
    %get3A_9 = vector.load %arg1[%get3A_7, %get3A_8] : memref<512x128xf32, #tpu.memory_space<vmem>>, vector<512x128xf32>
    %mul3A = vector.broadcast %rsqrt3A : vector<512x1xf32> to vector<512x128xf32>
    %mul3A_10 = arith.mulf %get3A_9, %mul3A : vector<512x128xf32>
    %get3A_11 = arith.constant 0 : index
    %get3A_12 = arith.constant 0 : index
    %get3A_13 = vector.load %arg4[%get3A_11, %get3A_12] : memref<128x128xf32, #tpu.memory_space<vmem>>, vector<128x128xf32>
    %dot_general3A = arith.constant dense<0.000000e+00> : vector<512x128xf32>
    %dot_general3A_14 = tpu.matmul %mul3A_10, %get3A_13, %dot_general3A {dimension_numbers = #tpu.dot_dimension_numbers<[1], [0], [0], [1], [0, 0, 1, 1], [], []>, transpose_lhs_hint = false} : vector<512x128xf32>, vector<128x128xf32>, vector<512x128xf32> -> vector<512x128xf32>
    %swap3A = arith.constant 0 : index
    %swap3A_15 = arith.constant 0 : index
    %swap3A_16 = vector.load %arg5[%swap3A, %swap3A_15] : memref<512x128xf32, #tpu.memory_space<vmem>>, vector<512x128xf32>
    tpu.vector_store %arg5[%swap3A, %swap3A_15], %dot_general3A_14 {strides = array<i32>} : memref<512x128xf32, #tpu.memory_space<vmem>>, vector<512x128xf32>,
    return
  }
  func.func @transform_0(%arg0: i32) -> (i32, i32) {
    %add3A = arith.constant 0 : i32
    %add3A_0 = arith.addi %arg0, %add3A : i32
    %c0_i32 = arith.constant 0 : i32
    %c0_i32_1 = arith.constant 0 : i32
    return %add3A_0, %c0_i32 : i32, i32
  }
  func.func @transform_1(%arg0: i32) -> (i32, i32) {
    %add3A = arith.constant 0 : i32
    %add3A_0 = arith.addi %arg0, %add3A : i32
    %c0_i32 = arith.constant 0 : i32
    %c0_i32_1 = arith.constant 0 : i32
    return %add3A_0, %c0_i32 : i32, i32
  }
  func.func @transform_2(%arg0: i32) -> (i32, i32) {
    %add3A = arith.constant 20 : i32
    %add3A_0 = arith.addi %arg0, %add3A : i32
    %c0_i32 = arith.constant 0 : i32
    %c0_i32_1 = arith.constant 0 : i32
    return %add3A_0, %c0_i32 : i32, i32
  }
  func.func @transform_3(%arg0: i32) -> (i32, i32) {
    %c0_i32 = arith.constant 0 : i32
    %c0_i32_0 = arith.constant 0 : i32
    %c0_i32_1 = arith.constant 0 : i32
    return %c0_i32, %c0_i32_0 : i32, i32
  }
  func.func @transform_4(%arg0: i32) -> (i32, i32) {
    %add3A = arith.constant 0 : i32
    %add3A_0 = arith.addi %arg0, %add3A : i32
    %c0_i32 = arith.constant 0 : i32
    %c0_i32_1 = arith.constant 0 : i32
    return %add3A_0, %c0_i32 : i32, i32
  }
}

module attributes {stable_mosaic.version = 14 : i64} {
  func.func @_tc_mid_body(%arg0: i32, %arg1: memref<512x128xf32, #tpu.memory_space<vmem>>, %arg2: memref<512x128xf32, #tpu.memory_space<vmem>>, %arg3: memref<512x1xf32, #tpu.memory_space<vmem>>, %arg4: memref<512x1xf32, #tpu.memory_space<vmem>>, %arg5: memref<512x1xf32, #tpu.memory_space<vmem>>, %arg6: memref<512x1xf32, #tpu.memory_space<vmem>>, %arg7: memref<1x128xf32, #tpu.memory_space<vmem>>, %arg8: memref<128x128xf32, #tpu.memory_space<vmem>>, %arg9: memref<512x128xf32, #tpu.memory_space<vmem>>) attributes {dimension_semantics = [#tpu.dimension_semantics<arbitrary>], iteration_bounds = array<i64: 20>, scalar_prefetch = 0 : i64, scratch_operands = 0 : i64, tpu.core_type = #tpu.core_type<tc>, window_params = [{transform_indices = @transform_0, window_bounds = array<i64: 512, 128>}, {transform_indices = @transform_1, window_bounds = array<i64: 512, 128>}, {transform_indices = @transform_2, window_bounds = array<i64: 512, 1>}, {transform_indices = @transform_3, window_bounds = array<i64: 512, 1>}, {transform_indices = @transform_4, window_bounds = array<i64: 512, 1>}, {transform_indices = @transform_5, window_bounds = array<i64: 512, 1>}, {pipeline_mode = #tpu.pipeline_mode<synchronous>, transform_indices = @transform_6, window_bounds = array<i64: 1, 128>}, {pipeline_mode = #tpu.pipeline_mode<synchronous>, transform_indices = @transform_7, window_bounds = array<i64: 128, 128>}, {transform_indices = @transform_8, window_bounds = array<i64: 512, 128>}]} {
    %get3A = arith.constant 0 : index
    %get3A_0 = arith.constant 0 : index
    %get3A_1 = vector.load %arg3[%get3A, %get3A_0] : memref<512x1xf32, #tpu.memory_space<vmem>>, vector<512x1xf32>
    %get3A_2 = arith.constant 0 : index
    %get3A_3 = arith.constant 0 : index
    %get3A_4 = vector.load %arg4[%get3A_2, %get3A_3] : memref<512x1xf32, #tpu.memory_space<vmem>>, vector<512x1xf32>
    %add3A = arith.addf %get3A_1, %get3A_4 : vector<512x1xf32>
    %max3A = arith.constant 1.000000e+00 : f32
    %max3A_5 = vector.broadcast %max3A : f32 to vector<512x1xf32>
    %max3A_6 = arith.maximumf %add3A, %max3A_5 : vector<512x1xf32>
    %rsqrt3A = math.rsqrt %max3A_6 : vector<512x1xf32>
    %get3A_7 = arith.constant 0 : index
    %get3A_8 = arith.constant 0 : index
    %get3A_9 = vector.load %arg1[%get3A_7, %get3A_8] : memref<512x128xf32, #tpu.memory_space<vmem>>, vector<512x128xf32>
    %get3A_10 = arith.constant 0 : index
    %get3A_11 = arith.constant 0 : index
    %get3A_12 = vector.load %arg2[%get3A_10, %get3A_11] : memref<512x128xf32, #tpu.memory_space<vmem>>, vector<512x128xf32>
    %add3A_13 = arith.addf %get3A_9, %get3A_12 : vector<512x128xf32>
    %mul3A = vector.broadcast %rsqrt3A : vector<512x1xf32> to vector<512x128xf32>
    %mul3A_14 = arith.mulf %add3A_13, %mul3A : vector<512x128xf32>
    %get3A_15 = arith.constant 0 : index
    %get3A_16 = arith.constant 0 : index
    %get3A_17 = vector.load %arg7[%get3A_15, %get3A_16] : memref<1x128xf32, #tpu.memory_space<vmem>>, vector<1x128xf32>
    %add3A_18 = vector.broadcast %get3A_17 : vector<1x128xf32> to vector<512x128xf32>
    %add3A_19 = arith.addf %mul3A_14, %add3A_18 : vector<512x128xf32>
    %max3A_20 = arith.constant 0.000000e+00 : f32
    %max3A_21 = vector.broadcast %max3A_20 : f32 to vector<512x128xf32>
    %max3A_22 = arith.maximumf %add3A_19, %max3A_21 : vector<512x128xf32>
    %get3A_23 = arith.constant 0 : index
    %get3A_24 = arith.constant 0 : index
    %get3A_25 = vector.load %arg5[%get3A_23, %get3A_24] : memref<512x1xf32, #tpu.memory_space<vmem>>, vector<512x1xf32>
    %get3A_26 = arith.constant 0 : index
    %get3A_27 = arith.constant 0 : index
    %get3A_28 = vector.load %arg6[%get3A_26, %get3A_27] : memref<512x1xf32, #tpu.memory_space<vmem>>, vector<512x1xf32>
    %add3A_29 = arith.addf %get3A_25, %get3A_28 : vector<512x1xf32>
    %max3A_30 = arith.constant 1.000000e+00 : f32
    %max3A_31 = vector.broadcast %max3A_30 : f32 to vector<512x1xf32>
    %max3A_32 = arith.maximumf %add3A_29, %max3A_31 : vector<512x1xf32>
    %rsqrt3A_33 = math.rsqrt %max3A_32 : vector<512x1xf32>
    %mul3A_34 = vector.broadcast %rsqrt3A_33 : vector<512x1xf32> to vector<512x128xf32>
    %mul3A_35 = arith.mulf %max3A_22, %mul3A_34 : vector<512x128xf32>
    %get3A_36 = arith.constant 0 : index
    %get3A_37 = arith.constant 0 : index
    %get3A_38 = vector.load %arg8[%get3A_36, %get3A_37] : memref<128x128xf32, #tpu.memory_space<vmem>>, vector<128x128xf32>
    %dot_general3A = arith.constant dense<0.000000e+00> : vector<512x128xf32>
    %dot_general3A_39 = tpu.matmul %mul3A_35, %get3A_38, %dot_general3A {dimension_numbers = #tpu.dot_dimension_numbers<[1], [0], [0], [1], [0, 0, 1, 1], [], []>, transpose_lhs_hint = false} : vector<512x128xf32>, vector<128x128xf32>, vector<512x128xf32> -> vector<512x128xf32>
    %swap3A = arith.constant 0 : index
    %swap3A_40 = arith.constant 0 : index
    %swap3A_41 = vector.load %arg9[%swap3A, %swap3A_40] : memref<512x128xf32, #tpu.memory_space<vmem>>, vector<512x128xf32>
    tpu.vector_store %arg9[%swap3A, %swap3A_40], %dot_general3A_39 {strides = array<i32>} : memref<512x128xf32, #tpu.memory_space<vmem>>, vector<512x128xf32>,
    return
  }
  func.func @transform_0(%arg0: i32) -> (i32, i32) {
    %add3A = arith.constant 0 : i32
    %add3A_0 = arith.addi %arg0, %add3A : i32
    %c0_i32 = arith.constant 0 : i32
    %c0_i32_1 = arith.constant 0 : i32
    return %add3A_0, %c0_i32 : i32, i32
  }
  func.func @transform_1(%arg0: i32) -> (i32, i32) {
    %add3A = arith.constant 20 : i32
    %add3A_0 = arith.addi %arg0, %add3A : i32
    %c0_i32 = arith.constant 0 : i32
    %c0_i32_1 = arith.constant 0 : i32
    return %add3A_0, %c0_i32 : i32, i32
  }
  func.func @transform_2(%arg0: i32) -> (i32, i32) {
    %add3A = arith.constant 0 : i32
    %add3A_0 = arith.addi %arg0, %add3A : i32
    %c0_i32 = arith.constant 0 : i32
    %c0_i32_1 = arith.constant 0 : i32
    return %add3A_0, %c0_i32 : i32, i32
  }
  func.func @transform_3(%arg0: i32) -> (i32, i32) {
    %add3A = arith.constant 20 : i32
    %add3A_0 = arith.addi %arg0, %add3A : i32
    %c0_i32 = arith.constant 0 : i32
    %c0_i32_1 = arith.constant 0 : i32
    return %add3A_0, %c0_i32 : i32, i32
  }
  func.func @transform_4(%arg0: i32) -> (i32, i32) {
    %add3A = arith.constant 0 : i32
    %add3A_0 = arith.addi %arg0, %add3A : i32
    %c0_i32 = arith.constant 0 : i32
    %c0_i32_1 = arith.constant 0 : i32
    return %add3A_0, %c0_i32 : i32, i32
  }
  func.func @transform_5(%arg0: i32) -> (i32, i32) {
    %add3A = arith.constant 20 : i32
    %add3A_0 = arith.addi %arg0, %add3A : i32
    %c0_i32 = arith.constant 0 : i32
    %c0_i32_1 = arith.constant 0 : i32
    return %add3A_0, %c0_i32 : i32, i32
  }
  func.func @transform_6(%arg0: i32) -> (i32, i32) {
    %c0_i32 = arith.constant 0 : i32
    %c0_i32_0 = arith.constant 0 : i32
    %c0_i32_1 = arith.constant 0 : i32
    return %c0_i32, %c0_i32_0 : i32, i32
  }
  func.func @transform_7(%arg0: i32) -> (i32, i32) {
    %c0_i32 = arith.constant 0 : i32
    %c0_i32_0 = arith.constant 0 : i32
    %c0_i32_1 = arith.constant 0 : i32
    return %c0_i32, %c0_i32_0 : i32, i32
  }
  func.func @transform_8(%arg0: i32) -> (i32, i32) {
    %add3A = arith.constant 0 : i32
    %add3A_0 = arith.addi %arg0, %add3A : i32
    %c0_i32 = arith.constant 0 : i32
    %c0_i32_1 = arith.constant 0 : i32
    return %add3A_0, %c0_i32 : i32, i32
  }
}

module attributes {stable_mosaic.version = 14 : i64} {
  func.func @_tc_last_body(%arg0: i32, %arg1: memref<512x128xf32, #tpu.memory_space<vmem>>, %arg2: memref<512x128xf32, #tpu.memory_space<vmem>>, %arg3: memref<512x1xf32, #tpu.memory_space<vmem>>, %arg4: memref<512x1xf32, #tpu.memory_space<vmem>>, %arg5: memref<1x128xf32, #tpu.memory_space<vmem>>, %arg6: memref<512x128xf32, #tpu.memory_space<vmem>>) attributes {dimension_semantics = [#tpu.dimension_semantics<arbitrary>], iteration_bounds = array<i64: 20>, scalar_prefetch = 0 : i64, scratch_operands = 0 : i64, tpu.core_type = #tpu.core_type<tc>, window_params = [{transform_indices = @transform_0, window_bounds = array<i64: 512, 128>}, {transform_indices = @transform_1, window_bounds = array<i64: 512, 128>}, {transform_indices = @transform_2, window_bounds = array<i64: 512, 1>}, {transform_indices = @transform_3, window_bounds = array<i64: 512, 1>}, {pipeline_mode = #tpu.pipeline_mode<synchronous>, transform_indices = @transform_4, window_bounds = array<i64: 1, 128>}, {transform_indices = @transform_5, window_bounds = array<i64: 512, 128>}]} {
    %get3A = arith.constant 0 : index
    %get3A_0 = arith.constant 0 : index
    %get3A_1 = vector.load %arg3[%get3A, %get3A_0] : memref<512x1xf32, #tpu.memory_space<vmem>>, vector<512x1xf32>
    %get3A_2 = arith.constant 0 : index
    %get3A_3 = arith.constant 0 : index
    %get3A_4 = vector.load %arg4[%get3A_2, %get3A_3] : memref<512x1xf32, #tpu.memory_space<vmem>>, vector<512x1xf32>
    %add3A = arith.addf %get3A_1, %get3A_4 : vector<512x1xf32>
    %max3A = arith.constant 1.000000e+00 : f32
    %max3A_5 = vector.broadcast %max3A : f32 to vector<512x1xf32>
    %max3A_6 = arith.maximumf %add3A, %max3A_5 : vector<512x1xf32>
    %rsqrt3A = math.rsqrt %max3A_6 : vector<512x1xf32>
    %get3A_7 = arith.constant 0 : index
    %get3A_8 = arith.constant 0 : index
    %get3A_9 = vector.load %arg1[%get3A_7, %get3A_8] : memref<512x128xf32, #tpu.memory_space<vmem>>, vector<512x128xf32>
    %get3A_10 = arith.constant 0 : index
    %get3A_11 = arith.constant 0 : index
    %get3A_12 = vector.load %arg2[%get3A_10, %get3A_11] : memref<512x128xf32, #tpu.memory_space<vmem>>, vector<512x128xf32>
    %add3A_13 = arith.addf %get3A_9, %get3A_12 : vector<512x128xf32>
    %mul3A = vector.broadcast %rsqrt3A : vector<512x1xf32> to vector<512x128xf32>
    %mul3A_14 = arith.mulf %add3A_13, %mul3A : vector<512x128xf32>
    %get3A_15 = arith.constant 0 : index
    %get3A_16 = arith.constant 0 : index
    %get3A_17 = vector.load %arg5[%get3A_15, %get3A_16] : memref<1x128xf32, #tpu.memory_space<vmem>>, vector<1x128xf32>
    %add3A_18 = vector.broadcast %get3A_17 : vector<1x128xf32> to vector<512x128xf32>
    %add3A_19 = arith.addf %mul3A_14, %add3A_18 : vector<512x128xf32>
    %swap3A = arith.constant 0 : index
    %swap3A_20 = arith.constant 0 : index
    %swap3A_21 = vector.load %arg6[%swap3A, %swap3A_20] : memref<512x128xf32, #tpu.memory_space<vmem>>, vector<512x128xf32>
    tpu.vector_store %arg6[%swap3A, %swap3A_20], %add3A_19 {strides = array<i32>} : memref<512x128xf32, #tpu.memory_space<vmem>>, vector<512x128xf32>,
    return
  }
  func.func @transform_0(%arg0: i32) -> (i32, i32) {
    %add3A = arith.constant 0 : i32
    %add3A_0 = arith.addi %arg0, %add3A : i32
    %c0_i32 = arith.constant 0 : i32
    %c0_i32_1 = arith.constant 0 : i32
    return %add3A_0, %c0_i32 : i32, i32
  }
  func.func @transform_1(%arg0: i32) -> (i32, i32) {
    %add3A = arith.constant 20 : i32
    %add3A_0 = arith.addi %arg0, %add3A : i32
    %c0_i32 = arith.constant 0 : i32
    %c0_i32_1 = arith.constant 0 : i32
    return %add3A_0, %c0_i32 : i32, i32
  }
  func.func @transform_2(%arg0: i32) -> (i32, i32) {
    %add3A = arith.constant 0 : i32
    %add3A_0 = arith.addi %arg0, %add3A : i32
    %c0_i32 = arith.constant 0 : i32
    %c0_i32_1 = arith.constant 0 : i32
    return %add3A_0, %c0_i32 : i32, i32
  }
  func.func @transform_3(%arg0: i32) -> (i32, i32) {
    %add3A = arith.constant 20 : i32
    %add3A_0 = arith.addi %arg0, %add3A : i32
    %c0_i32 = arith.constant 0 : i32
    %c0_i32_1 = arith.constant 0 : i32
    return %add3A_0, %c0_i32 : i32, i32
  }
  func.func @transform_4(%arg0: i32) -> (i32, i32) {
    %c0_i32 = arith.constant 0 : i32
    %c0_i32_0 = arith.constant 0 : i32
    %c0_i32_1 = arith.constant 0 : i32
    return %c0_i32, %c0_i32_0 : i32, i32
  }
  func.func @transform_5(%arg0: i32) -> (i32, i32) {
    %add3A = arith.constant 0 : i32
    %add3A_0 = arith.addi %arg0, %add3A : i32
    %c0_i32 = arith.constant 0 : i32
    %c0_i32_1 = arith.constant 0 : i32
    return %add3A_0, %c0_i32 : i32, i32
  }
}

</mosaic_0001>

<sc_bundles>
// kernel: kernel.10.cloned.1.call-start
scs
__scs_entry_jumppad:
0x0: {  	(pc) =	sbr.rel $0x88, $3  }
0x1: {  	(tag) =	ssettag $0x0;
	lr =	simm.s32 $0x1  }
0x2: {  	[smem:$0x3F99] =	sst lr;
	_ =	strace $0xD0000000  }
0x3: {  	_ = 	snop  }
0x4: {  	_ = 	snop  }
0x5: {  	_ = 	snop  }
0x6: {  	_ = 	snop  }
0x7: {  	_ = 	snop  }
__scs_overlays_trampoline_lowered:
0x8: {  	[smem:$0x3FA8] =	sst s0  }
0x9: {  	[smem:$0x3FA9] =	sst s1  }
0xa: {  	[smem:$0x3FAA] =	sst s2  }
0xb: {  	[smem:$0x3FAB] =	sst s3  }
0xc: {  	[smem:$0x3FAC] =	sst s4  }
0xd: {  	[smem:$0x3FAD] =	sst s5  }
0xe: {  	[smem:$0x3FAE] =	sst s6  }
0xf: {  	[smem:$0x3FAF] =	sst s7  }
0x10: {  	[smem:$0x3FB0] =	sst s8  }
0x11: {  	[smem:$0x3FB1] =	sst s9;
	s0 =	simm.s32 @!p0 $0x0  }
0x12: {  	s1 =	sld [smem:$0x3F97];
	s0 =	simm.s32 @p0 $0x1  }
0x13: {  	[smem:$0x3FB2] =	sst s0;
	s0 =	simm.s32 @!p1 $0x0  }
0x14: {  	s2 =	sld [smem:$0x3F96];
	s0 =	simm.s32 @p1 $0x1  }
0x15: {  	[smem:$0x3FB3] =	sst s0;
	s0 =	simm.s32 @!p2 $0x0  }
0x16: {  	s3 =	sld [smem:$0x3FDB];
	s0 =	simm.s32 @p2 $0x1  }
0x17: {  	s4 =	simm.s32 $0x1BF5;
	[smem:$0x3FB5] =	sst s0  }
0x18: {  	s0 =	sld [smem:$0x3F98];
	_ =	swait.ge [sflag:s4], $0x0  }
0x19: {  	s7 =	sld [smem:$0x3F99]  }
0x1a: {  	s8 =	sadd.s32 $0xFFFFE003, lr  }
0x1b: {  	s9 =	sadd.s32 $0xFFFFFEF7, lr;
	s5 =	simm.s32 $0xFFFFFFFF;
	p2 =	slt.u32 s8, $0xFFFFF086  }
0x1c: {  	p1 =	slt.u32 s9, $0xF7A;
	s5 =	simm.s32 @!p2 $0x0  }
0x1d: {  	s5 =	simm.s32 @p1 $0x1;
	p0 =	seq.s32 s7, s2  }
0x1e: {  	s7 =	smul.u32 @!p0 $0xF7A, s2;
	p2 =	seq.s32 @!p0 s5, $0x0  }
0x1f: {  	s9 =	smul.u32 $0xF7A, s1;
	s8 =	simm.s32 @!p0 $0x1BF5;
	p2 =	por !p2, p0  }
0x20: {  	[sflag:s8] =	ssyncset.s32 @!p0 $0xFFFFF086;
	s6 =	sadd.s32 @!p0 s3, s7;
	s7 =	simm.s32 @!p0 $0x108  }
0x21: {  	s3 =	sadd.s32 s3, s9;
	s6 =	sadd.s32 @!p0 $0x88, s6;
	s7 =	simm.s32 @p2 $0x1082  }
0x22: {  	[simem:s7], [sflag:s8] =	dma.local @!p0 [hbm:s6], $0xF7A  }
0x23: {  	s9 =	sor.u32 $0xD0000000, s2;
	s6 =	simm.s32 $0x108;
	_ =	swait.ge @!p0 [sflag:s8], $0x0  }
0x24: {  	s3 =	sadd.s32 $0x88, s3;
	s6 =	simm.s32 @!p1 $0x1082;
	[sflag:s4] =	ssyncset.s32 $0xFFFFF086  }
0x25: {  	[simem:s6], [sflag:s4] =	dma.local [hbm:s3], $0xF7A  }
0x26: {  	[smem:$0x3F99] =	sst s1;
	(tag) =	ssettag s2;
	_ =	strace s9  }
0x27: {  	s1 =	sld [smem:$0x3FA9]  }
0x28: {  	s2 =	sld [smem:$0x3FAA]  }
0x29: {  	s4 =	sld [smem:$0x3FAC]  }
0x2a: {  	p0 =	seq.s32 s5, $0x0;
	s5 =	sld [smem:$0x3FAD]  }
0x2b: {  	s6 =	sld [smem:$0x3FAE]  }
0x2c: {  	s7 =	sld [smem:$0x3FAF]  }
0x2d: {  	s3 =	simm.s32 $0x108;
	s8 =	sld [smem:$0x3FB0]  }
0x2e: {  	s3 =	simm.s32 @!p0 $0x1082;
	s9 =	sld [smem:$0x3FB1]  }
0x2f: {  	lr =	sadd.s32 s0, s3;
	s0 =	sld [smem:$0x3FA8]  }
0x30: {  	s3 =	sld [smem:$0x3FAB]  }
0x31: {  	[smem:$0x3FB4] =	sst s10  }
0x32: {  	s10 =	sld [smem:$0x3FB2];
	_ =	sdelay $0x3  }
0x33: {  	p0 =	seq.s32 s10, $0x1;
	s10 =	sld [smem:$0x3FB4];
	_ =	sdelay $0x3  }
0x34: {  	[smem:$0x3FB4] =	sst s10  }
0x35: {  	s10 =	sld [smem:$0x3FB3];
	_ =	sdelay $0x3  }
0x36: {  	p1 =	seq.s32 s10, $0x1;
	s10 =	sld [smem:$0x3FB4];
	_ =	sdelay $0x3  }
0x37: {  	[smem:$0x3FB4] =	sst s10  }
0x38: {  	s10 =	sld [smem:$0x3FB5]  }
0x39: {  	_ = 	snop;
	(pc) =	sbr.ind lr, $3  }
0x3a: {  	_ = 	snop  }
0x3b: {  	_ = 	snop  }
0x3c: {  	p2 =	seq.s32 s10, $0x1;
	s10 =	sld [smem:$0x3FB4]  }
0x3d: {  	_ =	shalt  }
0x3e: {  	_ =	shalt  }
0x3f: {  	_ =	shalt  }
0x40: {  	_ =	shalt  }
0x41: {  	_ =	shalt  }
0x42: {  	_ =	shalt  }
0x43: {  	_ =	shalt  }
0x44: {  	_ =	shalt  }
0x45: {  	_ =	shalt  }
0x46: {  	_ =	shalt  }
0x47: {  	_ =	shalt  }
0x48: {  	_ =	shalt  }
0x49: {  	_ =	shalt  }
0x4a: {  	_ =	shalt  }
0x4b: {  	_ =	shalt  }
0x4c: {  	_ =	shalt  }
0x4d: {  	_ =	shalt  }
0x4e: {  	_ =	shalt  }
0x4f: {  	_ =	shalt  }
0x50: {  	_ =	shalt  }
0x51: {  	_ =	shalt  }
0x52: {  	_ =	shalt  }
0x53: {  	_ =	shalt  }
0x54: {  	_ =	shalt  }
0x55: {  	_ =	shalt  }
0x56: {  	_ =	shalt  }
0x57: {  	_ =	shalt  }
0x58: {  	_ =	shalt  }
0x59: {  	_ =	shalt  }
0x5a: {  	_ =	shalt  }
0x5b: {  	_ =	shalt  }
0x5c: {  	_ =	shalt  }
0x5d: {  	_ =	shalt  }
0x5e: {  	_ =	shalt  }
0x5f: {  	_ =	shalt  }
0x60: {  	_ =	shalt  }
0x61: {  	_ =	shalt  }
0x62: {  	_ =	shalt  }
0x63: {  	_ =	shalt  }
0x64: {  	_ =	shalt  }
0x65: {  	_ =	shalt  }
0x66: {  	_ =	shalt  }
0x67: {  	_ =	shalt  }
0x68: {  	_ =	shalt  }
0x69: {  	_ =	shalt  }
0x6a: {  	_ =	shalt  }
0x6b: {  	_ =	shalt  }
0x6c: {  	_ =	shalt  }
0x6d: {  	_ =	shalt  }
0x6e: {  	_ =	shalt  }
0x6f: {  	_ =	shalt  }
0x70: {  	_ =	shalt  }
0x71: {  	_ =	shalt  }
0x72: {  	_ =	shalt  }
0x73: {  	_ =	shalt  }
0x74: {  	_ =	shalt  }
0x75: {  	_ =	shalt  }
0x76: {  	_ =	shalt  }
0x77: {  	_ =	shalt  }
0x78: {  	_ =	shalt  }
0x79: {  	_ =	shalt  }
0x7a: {  	_ =	shalt  }
0x7b: {  	_ =	shalt  }
0x7c: {  	_ =	shalt  }
0x7d: {  	_ =	shalt  }
0x7e: {  	_ =	shalt  }
0x7f: {  	_ =	shalt  }
0x80: {  	_ =	shalt  }
0x81: {  	_ =	shalt  }
0x82: {  	_ =	shalt  }
0x83: {  	_ =	shalt  }
0x84: {  	_ =	shalt  }
0x85: {  	_ =	shalt  }
0x86: {  	_ =	shalt  }
0x87: {  	_ =	shalt  }
.Lfunc_end0:
.L_simem_size_0:
called_computation_lowered:
.L_overlay_start_0:
0x88: {  	s2 =	sld [smem:$0x3FD9]  }
0x89: {  	s3 =	sld [smem:$0x3FFE];
	_ =	sdelay $0x1  }
0x8a: {  	s1 =	srdreg.scid  }
0x8b: {  	s0 =	sand.u32 $0x1, s1  }
0x8c: {  	s17 =	sshll.u32 s0, $0xA;
	s2 =	sadd.s32 s3, s2  }
0x8d: {  	s2 =	sadd.s32 s2, s17  }
0x8e: {  	[smem:$0x3FC0] =	sst s2  }
0x8f: {  	_ = 	snop  }
0x90: {  	s2 =	sld [smem:$0x3FD0];
	(tm) =	ssettm $0x1  }
0x91: {  	s18 =	sld [smem:$0x3FFB];
	_ =	sdelay $0x3  }
0x92: {  	_ =	strace s18  }
0x93: {  	s3 =	sld [smem:$0x3FFC];
	_ =	sdelay $0x3  }
0x94: {  	_ =	strace s3  }
0x95: {  	s3 =	sld [smem:$0x3FFD];
	_ =	sdelay $0x3  }
0x96: {  	_ =	strace s3  }
0x97: {  	_ =	strace $0x8FFFFFFF  }
0x98: {  	s19 =	sld [smem:$0x3FDB];
	_ =	sdelay $0x1  }
0x99: {  	s4 =	simm.s32 $_scs_section_size  }
0x9a: {  	s5 =	simm.s32 $_size__tile_overlayer_lowered;
	s6 =	simm.s32 $_tile_overlayer_lowered  }
0x9b: {  	s22 =	simm.s32 $0x1BFF;
	s21 =	sshll.u32 s6, $0x1;
	s3 =	sadd.s32 s4, s19  }
0x9c: {  	s7 =	simm.s32 $0x0;
	s20 =	sshll.u32 s5, $0x1;
	s5 =	sadd.s32 s21, s3  }
0x9d: {  	[timem:s7], [sflag:s22] =	dma.local [hbm:s5], s20  }
0x9e: {  	_ =	swait.ge [sflag:s22], s20  }
0x9f: {  	s4 =	ssub.s32 $0x0, s20;
	[sflag:s22] =	ssyncset.done $0x0  }
0xa0: {  	[sflag:s22] =	ssyncadd.s32 s4;
	_ =	sdelay $0x1  }
0xa1: {  	s23 =	simm.s32 $0x1B8B  }
0xa2: {  	_ =	swait.ge [sflag:s23], $0x1  }
0xa3: {  	[sflag:s23] =	ssyncset.done $0x0  }
0xa4: {  	s25 =	simm.s32 $0x1B8E;
	s24 =	sld [smem:$0x3FFE];
	[sflag:s23] =	ssyncadd.s32 $0xFFFFFFFF  }
0xa5: {  	s26 =	simm.s32 $execute0_lowered;
	[smem:$0x3FD2] =	sst s25  }
0xa6: {  	s5 =	sshll.u32 s26, $0x1;
	_ =	strace $0x80000046;
	[dreg:$0x1] =	wrdreg $0xFFFFFFFF  }
0xa7: {  	s28 =	simm.s32 $_size_execute0_lowered;
	s3 =	sadd.s32 s3, s5;
	[dreg:$0x0] =	wrdreg $0x0  }
0xa8: {  	s5 =	sshll.u32 s28, $0x1;
	[dreg:$0x2] =	wrdreg s3  }
0xa9: {  	[dreg:$0x3] =	wrdreg s5  }
0xaa: {  	[dreg:$0x4] =	wrdreg $0xC0  }
0xab: {  	_ =	task [dreg:s7], $0x5FFFF  }
0xac: {  	[dreg:$0x1] =	wrdreg $0xFFFFFFFF  }
0xad: {  	[dreg:$0x0] =	wrdreg $0x60  }
0xae: {  	[dreg:$0x2] =	wrdreg s2  }
0xaf: {  	[dreg:$0x3] =	wrdreg s24  }
0xb0: {  	[dreg:$0x4] =	wrdreg $0x23000  }
0xb1: {  	[dreg:$0x5] =	wrdreg $0x25800  }
0xb2: {  	[dreg:$0x6] =	wrdreg $0x9  }
0xb3: {  	_ =	task.clear_ibuf [dreg:s7], $0x7FFFF;
	_ =	strace $0x90000046  }
0xb4: {  	s29 =	simm.s32 $0x9;
	_ =	strace $0x80000048  }
0xb5: {  	_ =	swait.ge [sflag:s29], $0x1  }
0xb6: {  	[sflag:s29] =	ssyncadd.s32 $0xFFFFFFFF  }
0xb7: {  	_ =	strace $0x90000048  }
0xb8: {  	_ =	sfence  }
0xb9: {  	s30 =	sld [smem:$0x0];
	_ =	sdelay $0x2  }
0xba: {  	s31 =	sshll.u32 s1, $0xD;
	s1 =	sshrl.u32 s1, $0x2  }
0xbb: {  	s3 =	sand.u32 $0x4000, s31;
	s1 =	sadd.s32 s1, s30  }
0xbc: {  	s0 =	sor.u32 s3, s0;
	s1 =	sshll.u32 s1, $0x11  }
0xbd: {  	s0 =	sor.u32 s1, s0  }
0xbe: {  	s0 =	sadd.s32 $0x8F2B, s0  }
0xbf: {  	[sflag:s0] =	ssyncadd.remote.s32 $0x1  }
0xc0: {  	_ =	sfence.sel $0xFFFF  }
0xc1: {  	[dreg:$0x0] =	wrdreg $0xFFFFFFFF;
	(pc) =	sbr.abs _section_cstart, $3  }
0xc2: {  	[dreg:$0x1] =	wrdreg $0xFFFFFFFF  }
0xc3: {  	_ =	task.clear_ibuf [dreg:s7], $0x2FFFF;
	_ =	strace $0x9FFFFFFF  }
0xc4: {  	(tm) =	ssettm $0x7FFFFFFF  }
0xc5: {  	_ =	shalt  }
tec
execute0_lowered:
.L_overlay_start_1:
0x0: {  	(tag) =	ssettag $0x1  }
0x1: {  	s16 =	rddreg [dreg:$0x0]  }
0x2: {  	s5 =	rddreg [dreg:$0x1]  }
0x3: {  	s2 =	rddreg [dreg:$0x2];
	s1 =	srdreg.scid  }
0x4: {  	s0 =	stileid.u32;
	s3 =	rddreg [dreg:$0x3]  }
0x5: {  	s4 =	simm.s32 $0x0;
	s20 =	simm.s32 $0x1000;
	s21 =	simm.s32 $0x50  }
0x6: {  	s22 =	simm.s32 $0x2000;
	s7 =	sand.u32 $0x1, s1;
	s1 =	rddreg [dreg:$0x4]  }
0x7: {  	s23 =	simm.s32 $0x0;
	s6 =	smul.u32 $0x280, s0;
	[smem:$0x7FF] =	sst s4  }
0x8: {  	s17 =	sadd.s32 $0x3000, s5;
	s31 =	sshll.u32 s0, $0xB;
	s8 =	smul.u32 $0x2800, s7  }
0x9: {  	_ =	strace $0x80000047;
	s9 =	ssub.s32 $0x2, s7;
	s7 =	sshll.u32 s7, $0xF  }
0xa: {  	s10 =	sshrl.u32 s9, $0x1;
	s15 =	sor.u32 s31, s7;
	s8 =	sadd.s32 s6, s8  }
0xb: {  	s9 =	ssub.s32 s9, s10;
	s10 =	sadd.s32 s16, s15;
	s13 =	sor.u32 $0x200, s15  }
0xc: {  	s11 =	sadd.s32 s17, s15;
	s18 =	sor.u32 $0x400, s15;
	s19 =	sor.u32 $0x600, s15  }
0xd: {  	s8 =	sshrl.u32 s8, $0x3;
	s9 =	smax.u32 s9, $0x1;
	s12 =	sadd.s32 s16, s13  }
0xe: {  	s13 =	sadd.s32 s17, s13;
	s14 =	sadd.s32 s16, s18;
	s15 =	sadd.s32 s17, s18  }
0xf: {  	s16 =	sadd.s32 s16, s19;
	s17 =	sadd.s32 s17, s19;
	s18 =	simm.s32 $0x2080  }
0x10: {  	s19 =	simm.s32 $0x1;
	s8 =	sadd.s32 s8, s5;
	s5 =	sadd.s32 s6, s2  }
0x11: {  	v0 =	vimm.f32 $1.000000000e+00;
	v1 =	vimm.f32 $0.0e+00;
	s6 =	sadd.s32 s6, s3;
	s7 =	sadd.s32 $0x13000, s8;
	s8 =	sadd.s32 $0x13A00, s8  }
.LBB2_1:
0x12: {  	[tilespmem:$0x2000] =	vst v0  }
0x13: {  	[tilespmem:$0x2010] =	vst v0  }
0x14: {  	[tilespmem:$0x2020] =	vst v0  }
0x15: {  	[tilespmem:$0x2030] =	vst v0  }
0x16: {  	[tilespmem:$0x2040] =	vst v0  }
0x17: {  	[tilespmem:$0x2080] =	vst v1  }
0x18: {  	[tilespmem:$0x2090] =	vst v1  }
0x19: {  	[tilespmem:$0x20A0] =	vst v1  }
0x1a: {  	[tilespmem:$0x20B0] =	vst v1  }
0x1b: {  	[tilespmem:$0x20C0] =	vst v1  }
0x1c: {  	[tilespmem:$0x20D0] =	vst v1  }
0x1d: {  	[tilespmem:$0x20E0] =	vst v1  }
0x1e: {  	[tilespmem:$0x20F0] =	vst v1  }
0x1f: {  	[tilespmem:$0x2100] =	vst v1  }
0x20: {  	[tilespmem:$0x2110] =	vst v1  }
0x21: {  	[tilespmem:$0x2120] =	vst v1  }
0x22: {  	[tilespmem:$0x2130] =	vst v1  }
0x23: {  	[tilespmem:$0x2140] =	vst v1  }
0x24: {  	[tilespmem:$0x2150] =	vst v1  }
0x25: {  	[tilespmem:$0x2160] =	vst v1  }
0x26: {  	[tilespmem:$0x2170] =	vst v1  }
0x27: {  	[tilespmem:$0x2180] =	vst v1  }
0x28: {  	[tilespmem:$0x2190] =	vst v1  }
0x29: {  	[tilespmem:$0x21A0] =	vst v1  }
0x2a: {  	[tilespmem:$0x21B0] =	vst v1  }
0x2b: {  	[tilespmem:$0x21C0] =	vst v1  }
0x2c: {  	[tilespmem:$0x21D0] =	vst v1  }
0x2d: {  	[tilespmem:$0x21E0] =	vst v1  }
0x2e: {  	[tilespmem:$0x21F0] =	vst v1  }
0x2f: {  	[tilespmem:$0x2200] =	vst v1  }
0x30: {  	[tilespmem:$0x2210] =	vst v1  }
0x31: {  	[tilespmem:$0x2220] =	vst v1  }
0x32: {  	[tilespmem:$0x2230] =	vst v1  }
0x33: {  	[tilespmem:$0x2240] =	vst v1  }
0x34: {  	[tilespmem:$0x2250] =	vst v1  }
0x35: {  	[tilespmem:$0x2260] =	vst v1  }
0x36: {  	[tilespmem:$0x2270] =	vst v1  }
0x37: {  	[tilespmem:$0x2280] =	vst v1  }
0x38: {  	[tilespmem:$0x2290] =	vst v1  }
0x39: {  	[tilespmem:$0x22A0] =	vst v1  }
0x3a: {  	[tilespmem:$0x22B0] =	vst v1  }
0x3b: {  	[tilespmem:$0x22C0] =	vst v1  }
0x3c: {  	[tilespmem:$0x22D0] =	vst v1  }
0x3d: {  	[tilespmem:$0x22E0] =	vst v1  }
0x3e: {  	[tilespmem:$0x22F0] =	vst v1  }
0x3f: {  	[spmem:s5] =	stream.linear.scatter [tilespmem:s18], [sflag:$0x1], $0x280, $0x38;
	[tilespmem:$0x2800] =	vst v63  }
0x40: {  	_ =	swait.ge [sflag:s19], $0x280  }
0x41: {  	[sflag:s19] =	ssyncset.done $0x0  }
0x42: {  	[sflag:s19] =	ssyncadd.s32 $0xFFFFFD80  }
0x43: {  	[spmem:s6] =	stream.linear.scatter [tilespmem:s18], [sflag:$0x1], $0x280, $0x38;
	[tilespmem:$0x2800] =	vst v63  }
0x44: {  	_ =	swait.ge [sflag:s19], $0x280  }
0x45: {  	[sflag:s19] =	ssyncset.done $0x0  }
0x46: {  	[sflag:s19] =	ssyncadd.s32 $0xFFFFFD80  }
0x47: {  	[bflag:$0x0] =	sbarrier.arrive $0xFFFF  }
0x48: {  	[tilespmem:s4], [sflag:$0x1] =	stream.linear.gather [hbm4b:s10+s4], $0x1000, $0x38;
	[tilespmem:$0x2800] =	vst v63  }
0x49: {  	_ =	swait.ge [sflag:s19], $0x1000  }
0x4a: {  	[sflag:s19] =	ssyncset.done $0x0  }
0x4b: {  	[sflag:s19] =	ssyncadd.s32 $0xFFFFF000  }
0x4c: {  	[tilespmem:s20], [sflag:$0x1] =	stream.linear.gather [hbm4b:s11+s4], $0x1000, $0x38;
	[tilespmem:$0x2800] =	vst v63  }
0x4d: {  	_ =	swait.ge [sflag:s19], $0x1000  }
0x4e: {  	[sflag:s19] =	ssyncset.done $0x0  }
0x4f: {  	s24 =	simm.s32 $0x0;
	[sflag:s19] =	ssyncadd.s32 $0xFFFFF000  }
0x50: {  	[spmem:s2] =	stream.indirect.scatter.add.f32 [tilespmem:s22], [sflag:$0x1], $0x1, s24, s21, $0xb8;
	[tilespmem:$0x2800] =	vst v63  }
0x51: {  	_ =	swait.ge [sflag:s19], $0x50  }
0x52: {  	[sflag:s19] =	ssyncset.done $0x0  }
0x53: {  	s31 =	simm.s32 $0x1000;
	[sflag:s19] =	ssyncadd.s32 $0xFFFFFFB0  }
0x54: {  	[spmem:s3] =	stream.indirect.scatter.add.f32 [tilespmem:s22], [sflag:$0x1], $0x1, s31, s21, $0xb8;
	[tilespmem:$0x2800] =	vst v63  }
0x55: {  	_ =	swait.ge [sflag:s19], $0x50  }
0x56: {  	s25 =	simm.s32 $0x400;
	s24 =	simm.s32 $0x200;
	[sflag:s19] =	ssyncset.done $0x0  }
.LBB2_2:
0x57: {  	s26 =	sshra.s32 s24, $0x2  }
0x58: {  	[sflag:s19] =	ssyncadd.s32 $0xFFFFFFB0;
	s24 =	smov.u32 s25;
	s28 =	sadd.s32 $0x200, s25  }
0x59: {  	[spmem:s2] =	stream.indirect.scatter.add.f32 [tilespmem:s22], [sflag:$0x1], $0x1, s26, s21, $0xb8;
	[tilespmem:$0x2800] =	vst v63  }
0x5a: {  	p0 =	sne.s32 s25, $0x3E00;
	_ =	swait.ge [sflag:s19], $0x50  }
.Ltmp0:
0x5b: {  	[sflag:s19] =	ssyncset.done $0x0;
	(pc) =	sbr.rel @p0 .LBB2_2-.Ltmp0, $4  }
0x5c: {  	s25 =	sadd.s32 $0x1000, s26;
	[sflag:s19] =	ssyncadd.s32 $0xFFFFFFB0  }
0x5d: {  	[spmem:s3] =	stream.indirect.scatter.add.f32 [tilespmem:s22], [sflag:$0x1], $0x1, s25, s21, $0xb8;
	[tilespmem:$0x2800] =	vst v63  }
0x5e: {  	_ =	swait.ge [sflag:s19], $0x50  }
0x5f: {  	s25 =	smov.u32 s28;
	[sflag:s19] =	ssyncset.done $0x0  }
0x60: {  	s24 =	sshra.s32 s24, $0x2;
	[sflag:s19] =	ssyncadd.s32 $0xFFFFFFB0  }
0x61: {  	[spmem:s2] =	stream.indirect.scatter.add.f32 [tilespmem:s22], [sflag:$0x1], $0x1, s24, s21, $0xb8;
	[tilespmem:$0x2800] =	vst v63  }
0x62: {  	_ =	swait.ge [sflag:s19], $0x50  }
0x63: {  	[sflag:s19] =	ssyncset.done $0x0  }
0x64: {  	s24 =	sadd.s32 $0x1000, s24;
	[sflag:s19] =	ssyncadd.s32 $0xFFFFFFB0  }
0x65: {  	[spmem:s3] =	stream.indirect.scatter.add.f32 [tilespmem:s22], [sflag:$0x1], $0x1, s24, s21, $0xb8;
	[tilespmem:$0x2800] =	vst v63  }
0x66: {  	_ =	swait.ge [sflag:s19], $0x50  }
0x67: {  	[sflag:s19] =	ssyncset.done $0x0  }
0x68: {  	s29 =	simm.s32 $0x0;
	[sflag:s19] =	ssyncadd.s32 $0xFFFFFFB0  }
0x69: {  	[tilespmem:s29], [sflag:$0x1] =	stream.linear.gather [hbm4b:s12+s29], $0x1000, $0x38;
	[tilespmem:$0x2800] =	vst v63  }
0x6a: {  	_ =	swait.ge [sflag:s19], $0x1000  }
0x6b: {  	[sflag:s19] =	ssyncset.done $0x0  }
0x6c: {  	[sflag:s19] =	ssyncadd.s32 $0xFFFFF000  }
0x6d: {  	[tilespmem:s20], [sflag:$0x1] =	stream.linear.gather [hbm4b:s13+s29], $0x1000, $0x38;
	[tilespmem:$0x2800] =	vst v63  }
0x6e: {  	_ =	swait.ge [sflag:s19], $0x1000  }
0x6f: {  	[sflag:s19] =	ssyncset.done $0x0  }
0x70: {  	s30 =	simm.s32 $0x0;
	[sflag:s19] =	ssyncadd.s32 $0xFFFFF000  }
0x71: {  	[spmem:s2] =	stream.indirect.scatter.add.f32 [tilespmem:s22], [sflag:$0x1], $0x1, s30, s21, $0xb8;
	[tilespmem:$0x2800] =	vst v63  }
0x72: {  	_ =	swait.ge [sflag:s19], $0x50  }
0x73: {  	[sflag:s19] =	ssyncset.done $0x0  }
0x74: {  	s31 =	simm.s32 $0x1000;
	[sflag:s19] =	ssyncadd.s32 $0xFFFFFFB0  }
0x75: {  	[spmem:s3] =	stream.indirect.scatter.add.f32 [tilespmem:s22], [sflag:$0x1], $0x1, s31, s21, $0xb8;
	[tilespmem:$0x2800] =	vst v63  }
0x76: {  	_ =	swait.ge [sflag:s19], $0x50  }
0x77: {  	s25 =	simm.s32 $0x400;
	s24 =	simm.s32 $0x200;
	[sflag:s19] =	ssyncset.done $0x0  }
.LBB2_4:
0x78: {  	s26 =	sshra.s32 s24, $0x2  }
0x79: {  	[sflag:s19] =	ssyncadd.s32 $0xFFFFFFB0;
	s24 =	smov.u32 s25;
	s28 =	sadd.s32 $0x200, s25  }
0x7a: {  	[spmem:s2] =	stream.indirect.scatter.add.f32 [tilespmem:s22], [sflag:$0x1], $0x1, s26, s21, $0xb8;
	[tilespmem:$0x2800] =	vst v63  }
0x7b: {  	p0 =	sne.s32 s25, $0x3E00;
	_ =	swait.ge [sflag:s19], $0x50  }
.Ltmp1:
0x7c: {  	[sflag:s19] =	ssyncset.done $0x0;
	(pc) =	sbr.rel @p0 .LBB2_4-.Ltmp1, $4  }
0x7d: {  	s25 =	sadd.s32 $0x1000, s26;
	[sflag:s19] =	ssyncadd.s32 $0xFFFFFFB0  }
0x7e: {  	[spmem:s3] =	stream.indirect.scatter.add.f32 [tilespmem:s22], [sflag:$0x1], $0x1, s25, s21, $0xb8;
	[tilespmem:$0x2800] =	vst v63  }
0x7f: {  	_ =	swait.ge [sflag:s19], $0x50  }
0x80: {  	s25 =	smov.u32 s28;
	[sflag:s19] =	ssyncset.done $0x0  }
0x81: {  	s24 =	sshra.s32 s24, $0x2;
	[sflag:s19] =	ssyncadd.s32 $0xFFFFFFB0  }
0x82: {  	[spmem:s2] =	stream.indirect.scatter.add.f32 [tilespmem:s22], [sflag:$0x1], $0x1, s24, s21, $0xb8;
	[tilespmem:$0x2800] =	vst v63  }
0x83: {  	_ =	swait.ge [sflag:s19], $0x50  }
0x84: {  	[sflag:s19] =	ssyncset.done $0x0  }
0x85: {  	s24 =	sadd.s32 $0x1000, s24;
	[sflag:s19] =	ssyncadd.s32 $0xFFFFFFB0  }
0x86: {  	[spmem:s3] =	stream.indirect.scatter.add.f32 [tilespmem:s22], [sflag:$0x1], $0x1, s24, s21, $0xb8;
	[tilespmem:$0x2800] =	vst v63  }
0x87: {  	_ =	swait.ge [sflag:s19], $0x50  }
0x88: {  	[sflag:s19] =	ssyncset.done $0x0  }
0x89: {  	s29 =	simm.s32 $0x0;
	[sflag:s19] =	ssyncadd.s32 $0xFFFFFFB0  }
0x8a: {  	[tilespmem:s29], [sflag:$0x1] =	stream.linear.gather [hbm4b:s14+s29], $0x1000, $0x38;
	[tilespmem:$0x2800] =	vst v63  }
0x8b: {  	_ =	swait.ge [sflag:s19], $0x1000  }
0x8c: {  	[sflag:s19] =	ssyncset.done $0x0  }
0x8d: {  	[sflag:s19] =	ssyncadd.s32 $0xFFFFF000  }
0x8e: {  	[tilespmem:s20], [sflag:$0x1] =	stream.linear.gather [hbm4b:s15+s29], $0x1000, $0x38;
	[tilespmem:$0x2800] =	vst v63  }
0x8f: {  	_ =	swait.ge [sflag:s19], $0x1000  }
0x90: {  	[sflag:s19] =	ssyncset.done $0x0  }
0x91: {  	s30 =	simm.s32 $0x0;
	[sflag:s19] =	ssyncadd.s32 $0xFFFFF000  }
0x92: {  	[spmem:s2] =	stream.indirect.scatter.add.f32 [tilespmem:s22], [sflag:$0x1], $0x1, s30, s21, $0xb8;
	[tilespmem:$0x2800] =	vst v63  }
0x93: {  	_ =	swait.ge [sflag:s19], $0x50  }
0x94: {  	[sflag:s19] =	ssyncset.done $0x0  }
0x95: {  	s31 =	simm.s32 $0x1000;
	[sflag:s19] =	ssyncadd.s32 $0xFFFFFFB0  }
0x96: {  	[spmem:s3] =	stream.indirect.scatter.add.f32 [tilespmem:s22], [sflag:$0x1], $0x1, s31, s21, $0xb8;
	[tilespmem:$0x2800] =	vst v63  }
0x97: {  	_ =	swait.ge [sflag:s19], $0x50  }
0x98: {  	s25 =	simm.s32 $0x400;
	s24 =	simm.s32 $0x200;
	[sflag:s19] =	ssyncset.done $0x0  }
.LBB2_6:
0x99: {  	s26 =	sshra.s32 s24, $0x2  }
0x9a: {  	[sflag:s19] =	ssyncadd.s32 $0xFFFFFFB0;
	s24 =	smov.u32 s25;
	s28 =	sadd.s32 $0x200, s25  }
0x9b: {  	[spmem:s2] =	stream.indirect.scatter.add.f32 [tilespmem:s22], [sflag:$0x1], $0x1, s26, s21, $0xb8;
	[tilespmem:$0x2800] =	vst v63  }
0x9c: {  	p0 =	sne.s32 s25, $0x3E00;
	_ =	swait.ge [sflag:s19], $0x50  }
.Ltmp2:
0x9d: {  	[sflag:s19] =	ssyncset.done $0x0;
	(pc) =	sbr.rel @p0 .LBB2_6-.Ltmp2, $4  }
0x9e: {  	s25 =	sadd.s32 $0x1000, s26;
	[sflag:s19] =	ssyncadd.s32 $0xFFFFFFB0  }
0x9f: {  	[spmem:s3] =	stream.indirect.scatter.add.f32 [tilespmem:s22], [sflag:$0x1], $0x1, s25, s21, $0xb8;
	[tilespmem:$0x2800] =	vst v63  }
0xa0: {  	_ =	swait.ge [sflag:s19], $0x50  }
0xa1: {  	s25 =	smov.u32 s28;
	[sflag:s19] =	ssyncset.done $0x0  }
0xa2: {  	s24 =	sshra.s32 s24, $0x2;
	[sflag:s19] =	ssyncadd.s32 $0xFFFFFFB0  }
0xa3: {  	[spmem:s2] =	stream.indirect.scatter.add.f32 [tilespmem:s22], [sflag:$0x1], $0x1, s24, s21, $0xb8;
	[tilespmem:$0x2800] =	vst v63  }
0xa4: {  	_ =	swait.ge [sflag:s19], $0x50  }
0xa5: {  	[sflag:s19] =	ssyncset.done $0x0  }
0xa6: {  	s24 =	sadd.s32 $0x1000, s24;
	[sflag:s19] =	ssyncadd.s32 $0xFFFFFFB0  }
0xa7: {  	[spmem:s3] =	stream.indirect.scatter.add.f32 [tilespmem:s22], [sflag:$0x1], $0x1, s24, s21, $0xb8;
	[tilespmem:$0x2800] =	vst v63  }
0xa8: {  	_ =	swait.ge [sflag:s19], $0x50  }
0xa9: {  	[sflag:s19] =	ssyncset.done $0x0  }
0xaa: {  	s29 =	simm.s32 $0x0;
	[sflag:s19] =	ssyncadd.s32 $0xFFFFFFB0  }
0xab: {  	[tilespmem:s29], [sflag:$0x1] =	stream.linear.gather [hbm4b:s16+s29], $0x1000, $0x38;
	[tilespmem:$0x2800] =	vst v63  }
0xac: {  	_ =	swait.ge [sflag:s19], $0x1000  }
0xad: {  	[sflag:s19] =	ssyncset.done $0x0  }
0xae: {  	[sflag:s19] =	ssyncadd.s32 $0xFFFFF000  }
0xaf: {  	[tilespmem:s20], [sflag:$0x1] =	stream.linear.gather [hbm4b:s17+s29], $0x1000, $0x38;
	[tilespmem:$0x2800] =	vst v63  }
0xb0: {  	_ =	swait.ge [sflag:s19], $0x1000  }
0xb1: {  	[sflag:s19] =	ssyncset.done $0x0  }
0xb2: {  	s30 =	simm.s32 $0x0;
	[sflag:s19] =	ssyncadd.s32 $0xFFFFF000  }
0xb3: {  	[spmem:s2] =	stream.indirect.scatter.add.f32 [tilespmem:s22], [sflag:$0x1], $0x1, s30, s21, $0xb8;
	[tilespmem:$0x2800] =	vst v63  }
0xb4: {  	_ =	swait.ge [sflag:s19], $0x50  }
0xb5: {  	[sflag:s19] =	ssyncset.done $0x0  }
0xb6: {  	s31 =	simm.s32 $0x1000;
	[sflag:s19] =	ssyncadd.s32 $0xFFFFFFB0  }
0xb7: {  	[spmem:s3] =	stream.indirect.scatter.add.f32 [tilespmem:s22], [sflag:$0x1], $0x1, s31, s21, $0xb8;
	[tilespmem:$0x2800] =	vst v63  }
0xb8: {  	_ =	swait.ge [sflag:s19], $0x50  }
0xb9: {  	s25 =	simm.s32 $0x400;
	s24 =	simm.s32 $0x200;
	[sflag:s19] =	ssyncset.done $0x0  }
.LBB2_8:
0xba: {  	s26 =	sshra.s32 s24, $0x2  }
0xbb: {  	[sflag:s19] =	ssyncadd.s32 $0xFFFFFFB0;
	s24 =	smov.u32 s25;
	s28 =	sadd.s32 $0x200, s25  }
0xbc: {  	[spmem:s2] =	stream.indirect.scatter.add.f32 [tilespmem:s22], [sflag:$0x1], $0x1, s26, s21, $0xb8;
	[tilespmem:$0x2800] =	vst v63  }
0xbd: {  	p0 =	sne.s32 s25, $0x3E00;
	_ =	swait.ge [sflag:s19], $0x50  }
.Ltmp3:
0xbe: {  	[sflag:s19] =	ssyncset.done $0x0;
	(pc) =	sbr.rel @p0 .LBB2_8-.Ltmp3, $4  }
0xbf: {  	s25 =	sadd.s32 $0x1000, s26;
	[sflag:s19] =	ssyncadd.s32 $0xFFFFFFB0  }
0xc0: {  	[spmem:s3] =	stream.indirect.scatter.add.f32 [tilespmem:s22], [sflag:$0x1], $0x1, s25, s21, $0xb8;
	[tilespmem:$0x2800] =	vst v63  }
0xc1: {  	_ =	swait.ge [sflag:s19], $0x50  }
0xc2: {  	s25 =	smov.u32 s28;
	[sflag:s19] =	ssyncset.done $0x0  }
0xc3: {  	s24 =	sshra.s32 s24, $0x2;
	[sflag:s19] =	ssyncadd.s32 $0xFFFFFFB0  }
0xc4: {  	[spmem:s2] =	stream.indirect.scatter.add.f32 [tilespmem:s22], [sflag:$0x1], $0x1, s24, s21, $0xb8;
	[tilespmem:$0x2800] =	vst v63  }
0xc5: {  	_ =	swait.ge [sflag:s19], $0x50  }
0xc6: {  	[sflag:s19] =	ssyncset.done $0x0  }
0xc7: {  	s24 =	sadd.s32 $0x1000, s24;
	[sflag:s19] =	ssyncadd.s32 $0xFFFFFFB0  }
0xc8: {  	[spmem:s3] =	stream.indirect.scatter.add.f32 [tilespmem:s22], [sflag:$0x1], $0x1, s24, s21, $0xb8;
	[tilespmem:$0x2800] =	vst v63  }
0xc9: {  	_ =	swait.ge [sflag:s19], $0x50  }
0xca: {  	[sflag:s19] =	ssyncset.done $0x0  }
0xcb: {  	s30 =	sshll.u32 s0, $0x6;
	[sflag:s19] =	ssyncadd.s32 $0xFFFFFFB0  }
0xcc: {  	s25 =	sshrl.u32 s5, $0x3;
	s24 =	sor.u32 $0x1C01, s30;
	[bflag:$0x0] =	sbarrier.arrive $0xFFFF  }
0xcd: {  	[hbm:s7], [sflag:s24] =	dma.local [spmem:s25], $0x50  }
0xce: {  	s23 =	sadd.s32 $0x1, s23;
	_ =	swait.ge [sflag:s19], $0x50  }
0xcf: {  	p0 =	sne.s32 s23, s9;
	[sflag:s19] =	ssyncset.done $0x0  }
.Ltmp4:
0xd0: {  	s31 =	sshrl.u32 s6, $0x3;
	[sflag:s19] =	ssyncadd.s32 $0xFFFFFFB0;
	(pc) =	sbr.rel @p0 .LBB2_1-.Ltmp4, $4  }
0xd1: {  	[hbm:s8], [sflag:s24] =	dma.local [spmem:s31], $0x50  }
0xd2: {  	_ =	swait.ge [sflag:s19], $0x50  }
0xd3: {  	[sflag:s19] =	ssyncset.done $0x0  }
0xd4: {  	[sflag:s19] =	ssyncadd.s32 $0xFFFFFFB0  }
0xd5: {  	_ =	sfence.sel $0x180000  }
0xd6: {  	[bflag:$0x0] =	sbarrier.arrive $0xFFFF  }
0xd7: {  	p0 =	sne.s32 s0, $0x0;
	_ =	strace $0x90000047  }
0xd8: {  	s0 =	sadd.s32 @!p0 $0x100000, s1;
	[bflag:$0x2] =	sbarrier.arrive $0xFFFF  }
0xd9: {  	[sflag:s0] =	ssyncadd.tile.s32 @!p0 $0x1;
	_ =	shalt  }
.Lfunc_end2:
_tile_overlayer_lowered:
.L_overlay_start_2:
0xda: {  	(tag) =	ssettag $0x2  }
0xdb: {  	s0 =	rddreg [dreg:$0x0];
	s2 =	stileid.u32  }
0xdc: {  	s1 =	rddreg [dreg:$0x1];
	p0 =	sne.s32 s2, $0x0  }
0xdd: {  	s3 =	rddreg [dreg:$0x2];
	[bflag:$0x3] =	sbarrier.arrive $0xFFFF;
	s2 =	simm.s32 @!p0 $0x1C01  }
0xde: {  	[timem:s3], [sflag:s2] =	dma.local @!p0 [hbm:s0], s1  }
0xdf: {  	s0 =	simm.s32 @!p0 $0x1  }
0xe0: {  	_ =	swait.ge @!p0 [sflag:s0], s1  }
0xe1: {  	s1 =	ssub.s32 @!p0 $0x0, s1;
	[sflag:s0] =	ssyncset.done @!p0 $0x0  }
0xe2: {  	[sflag:s0] =	ssyncadd.s32 @!p0 s1  }
0xe3: {  	[bflag:$0x3] =	sbarrier.arrive $0xFFFF  }
0xe4: {  	_ =	shalt  }

// kernel: kernel.13.cloned.1.call-start
scs
__scs_entry_jumppad:
0x0: {  	(pc) =	sbr.rel $0x88, $3  }
0x1: {  	(tag) =	ssettag $0x0;
	lr =	simm.s32 $0x1  }
0x2: {  	[smem:$0x3F99] =	sst lr;
	_ =	strace $0xD0000000  }
0x3: {  	_ = 	snop  }
0x4: {  	_ = 	snop  }
0x5: {  	_ = 	snop  }
0x6: {  	_ = 	snop  }
0x7: {  	_ = 	snop  }
__scs_overlays_trampoline_lowered:
0x8: {  	[smem:$0x3FA8] =	sst s0  }
0x9: {  	[smem:$0x3FA9] =	sst s1  }
0xa: {  	[smem:$0x3FAA] =	sst s2  }
0xb: {  	[smem:$0x3FAB] =	sst s3  }
0xc: {  	[smem:$0x3FAC] =	sst s4  }
0xd: {  	[smem:$0x3FAD] =	sst s5  }
0xe: {  	[smem:$0x3FAE] =	sst s6  }
0xf: {  	[smem:$0x3FAF] =	sst s7  }
0x10: {  	[smem:$0x3FB0] =	sst s8  }
0x11: {  	[smem:$0x3FB1] =	sst s9;
	s0 =	simm.s32 @!p0 $0x0  }
0x12: {  	s1 =	sld [smem:$0x3F97];
	s0 =	simm.s32 @p0 $0x1  }
0x13: {  	[smem:$0x3FB2] =	sst s0;
	s0 =	simm.s32 @!p1 $0x0  }
0x14: {  	s2 =	sld [smem:$0x3F96];
	s0 =	simm.s32 @p1 $0x1  }
0x15: {  	[smem:$0x3FB3] =	sst s0;
	s0 =	simm.s32 @!p2 $0x0  }
0x16: {  	s3 =	sld [smem:$0x3FDB];
	s0 =	simm.s32 @p2 $0x1  }
0x17: {  	s4 =	simm.s32 $0x1BF5;
	[smem:$0x3FB5] =	sst s0  }
0x18: {  	s0 =	sld [smem:$0x3F98];
	_ =	swait.ge [sflag:s4], $0x0  }
0x19: {  	s7 =	sld [smem:$0x3F99]  }
0x1a: {  	s8 =	sadd.s32 $0xFFFFE003, lr  }
0x1b: {  	s9 =	sadd.s32 $0xFFFFFEF7, lr;
	s5 =	simm.s32 $0xFFFFFFFF;
	p2 =	slt.u32 s8, $0xFFFFF086  }
0x1c: {  	p1 =	slt.u32 s9, $0xF7A;
	s5 =	simm.s32 @!p2 $0x0  }
0x1d: {  	s5 =	simm.s32 @p1 $0x1;
	p0 =	seq.s32 s7, s2  }
0x1e: {  	s7 =	smul.u32 @!p0 $0xF7A, s2;
	p2 =	seq.s32 @!p0 s5, $0x0  }
0x1f: {  	s9 =	smul.u32 $0xF7A, s1;
	s8 =	simm.s32 @!p0 $0x1BF5;
	p2 =	por !p2, p0  }
0x20: {  	[sflag:s8] =	ssyncset.s32 @!p0 $0xFFFFF086;
	s6 =	sadd.s32 @!p0 s3, s7;
	s7 =	simm.s32 @!p0 $0x108  }
0x21: {  	s3 =	sadd.s32 s3, s9;
	s6 =	sadd.s32 @!p0 $0x88, s6;
	s7 =	simm.s32 @p2 $0x1082  }
0x22: {  	[simem:s7], [sflag:s8] =	dma.local @!p0 [hbm:s6], $0xF7A  }
0x23: {  	s9 =	sor.u32 $0xD0000000, s2;
	s6 =	simm.s32 $0x108;
	_ =	swait.ge @!p0 [sflag:s8], $0x0  }
0x24: {  	s3 =	sadd.s32 $0x88, s3;
	s6 =	simm.s32 @!p1 $0x1082;
	[sflag:s4] =	ssyncset.s32 $0xFFFFF086  }
0x25: {  	[simem:s6], [sflag:s4] =	dma.local [hbm:s3], $0xF7A  }
0x26: {  	[smem:$0x3F99] =	sst s1;
	(tag) =	ssettag s2;
	_ =	strace s9  }
0x27: {  	s1 =	sld [smem:$0x3FA9]  }
0x28: {  	s2 =	sld [smem:$0x3FAA]  }
0x29: {  	s4 =	sld [smem:$0x3FAC]  }
0x2a: {  	p0 =	seq.s32 s5, $0x0;
	s5 =	sld [smem:$0x3FAD]  }
0x2b: {  	s6 =	sld [smem:$0x3FAE]  }
0x2c: {  	s7 =	sld [smem:$0x3FAF]  }
0x2d: {  	s3 =	simm.s32 $0x108;
	s8 =	sld [smem:$0x3FB0]  }
0x2e: {  	s3 =	simm.s32 @!p0 $0x1082;
	s9 =	sld [smem:$0x3FB1]  }
0x2f: {  	lr =	sadd.s32 s0, s3;
	s0 =	sld [smem:$0x3FA8]  }
0x30: {  	s3 =	sld [smem:$0x3FAB]  }
0x31: {  	[smem:$0x3FB4] =	sst s10  }
0x32: {  	s10 =	sld [smem:$0x3FB2];
	_ =	sdelay $0x3  }
0x33: {  	p0 =	seq.s32 s10, $0x1;
	s10 =	sld [smem:$0x3FB4];
	_ =	sdelay $0x3  }
0x34: {  	[smem:$0x3FB4] =	sst s10  }
0x35: {  	s10 =	sld [smem:$0x3FB3];
	_ =	sdelay $0x3  }
0x36: {  	p1 =	seq.s32 s10, $0x1;
	s10 =	sld [smem:$0x3FB4];
	_ =	sdelay $0x3  }
0x37: {  	[smem:$0x3FB4] =	sst s10  }
0x38: {  	s10 =	sld [smem:$0x3FB5]  }
0x39: {  	_ = 	snop;
	(pc) =	sbr.ind lr, $3  }
0x3a: {  	_ = 	snop  }
0x3b: {  	_ = 	snop  }
0x3c: {  	p2 =	seq.s32 s10, $0x1;
	s10 =	sld [smem:$0x3FB4]  }
0x3d: {  	_ =	shalt  }
0x3e: {  	_ =	shalt  }
0x3f: {  	_ =	shalt  }
0x40: {  	_ =	shalt  }
0x41: {  	_ =	shalt  }
0x42: {  	_ =	shalt  }
0x43: {  	_ =	shalt  }
0x44: {  	_ =	shalt  }
0x45: {  	_ =	shalt  }
0x46: {  	_ =	shalt  }
0x47: {  	_ =	shalt  }
0x48: {  	_ =	shalt  }
0x49: {  	_ =	shalt  }
0x4a: {  	_ =	shalt  }
0x4b: {  	_ =	shalt  }
0x4c: {  	_ =	shalt  }
0x4d: {  	_ =	shalt  }
0x4e: {  	_ =	shalt  }
0x4f: {  	_ =	shalt  }
0x50: {  	_ =	shalt  }
0x51: {  	_ =	shalt  }
0x52: {  	_ =	shalt  }
0x53: {  	_ =	shalt  }
0x54: {  	_ =	shalt  }
0x55: {  	_ =	shalt  }
0x56: {  	_ =	shalt  }
0x57: {  	_ =	shalt  }
0x58: {  	_ =	shalt  }
0x59: {  	_ =	shalt  }
0x5a: {  	_ =	shalt  }
0x5b: {  	_ =	shalt  }
0x5c: {  	_ =	shalt  }
0x5d: {  	_ =	shalt  }
0x5e: {  	_ =	shalt  }
0x5f: {  	_ =	shalt  }
0x60: {  	_ =	shalt  }
0x61: {  	_ =	shalt  }
0x62: {  	_ =	shalt  }
0x63: {  	_ =	shalt  }
0x64: {  	_ =	shalt  }
0x65: {  	_ =	shalt  }
0x66: {  	_ =	shalt  }
0x67: {  	_ =	shalt  }
0x68: {  	_ =	shalt  }
0x69: {  	_ =	shalt  }
0x6a: {  	_ =	shalt  }
0x6b: {  	_ =	shalt  }
0x6c: {  	_ =	shalt  }
0x6d: {  	_ =	shalt  }
0x6e: {  	_ =	shalt  }
0x6f: {  	_ =	shalt  }
0x70: {  	_ =	shalt  }
0x71: {  	_ =	shalt  }
0x72: {  	_ =	shalt  }
0x73: {  	_ =	shalt  }
0x74: {  	_ =	shalt  }
0x75: {  	_ =	shalt  }
0x76: {  	_ =	shalt  }
0x77: {  	_ =	shalt  }
0x78: {  	_ =	shalt  }
0x79: {  	_ =	shalt  }
0x7a: {  	_ =	shalt  }
0x7b: {  	_ =	shalt  }
0x7c: {  	_ =	shalt  }
0x7d: {  	_ =	shalt  }
0x7e: {  	_ =	shalt  }
0x7f: {  	_ =	shalt  }
0x80: {  	_ =	shalt  }
0x81: {  	_ =	shalt  }
0x82: {  	_ =	shalt  }
0x83: {  	_ =	shalt  }
0x84: {  	_ =	shalt  }
0x85: {  	_ =	shalt  }
0x86: {  	_ =	shalt  }
0x87: {  	_ =	shalt  }
.Lfunc_end0:
.L_simem_size_0:
called_computation.1_lowered:
.L_overlay_start_0:
0x88: {  	s2 =	sld [smem:$0x3FD9]  }
0x89: {  	s3 =	sld [smem:$0x3FFE];
	_ =	sdelay $0x1  }
0x8a: {  	s1 =	srdreg.scid  }
0x8b: {  	s0 =	sand.u32 $0x1, s1  }
0x8c: {  	s17 =	sshll.u32 s0, $0xA;
	s2 =	sadd.s32 s3, s2  }
0x8d: {  	s2 =	sadd.s32 s2, s17  }
0x8e: {  	[smem:$0x3FC0] =	sst s2  }
0x8f: {  	_ = 	snop  }
0x90: {  	s2 =	sld [smem:$0x3FD0];
	(tm) =	ssettm $0x1  }
0x91: {  	s18 =	sld [smem:$0x3FFB];
	_ =	sdelay $0x3  }
0x92: {  	_ =	strace s18  }
0x93: {  	s3 =	sld [smem:$0x3FFC];
	_ =	sdelay $0x3  }
0x94: {  	_ =	strace s3  }
0x95: {  	s3 =	sld [smem:$0x3FFD];
	_ =	sdelay $0x3  }
0x96: {  	_ =	strace s3  }
0x97: {  	_ =	strace $0x8FFFFFFF  }
0x98: {  	s19 =	sld [smem:$0x3FDB];
	_ =	sdelay $0x1  }
0x99: {  	s4 =	simm.s32 $_scs_section_size  }
0x9a: {  	s5 =	simm.s32 $_size__tile_overlayer_lowered;
	s6 =	simm.s32 $_tile_overlayer_lowered  }
0x9b: {  	s22 =	simm.s32 $0x1BFF;
	s21 =	sshll.u32 s6, $0x1;
	s3 =	sadd.s32 s4, s19  }
0x9c: {  	s7 =	simm.s32 $0x0;
	s20 =	sshll.u32 s5, $0x1;
	s5 =	sadd.s32 s21, s3  }
0x9d: {  	[timem:s7], [sflag:s22] =	dma.local [hbm:s5], s20  }
0x9e: {  	_ =	swait.ge [sflag:s22], s20  }
0x9f: {  	s4 =	ssub.s32 $0x0, s20;
	[sflag:s22] =	ssyncset.done $0x0  }
0xa0: {  	[sflag:s22] =	ssyncadd.s32 s4;
	_ =	sdelay $0x1  }
0xa1: {  	s23 =	simm.s32 $0x1B8B  }
0xa2: {  	_ =	swait.ge [sflag:s23], $0x1  }
0xa3: {  	[sflag:s23] =	ssyncset.done $0x0  }
0xa4: {  	s25 =	simm.s32 $0x1B8E;
	s24 =	sld [smem:$0x3FFE];
	[sflag:s23] =	ssyncadd.s32 $0xFFFFFFFF  }
0xa5: {  	s26 =	simm.s32 $execute0_lowered;
	[smem:$0x3FD2] =	sst s25  }
0xa6: {  	s5 =	sshll.u32 s26, $0x1;
	_ =	strace $0x80000049;
	[dreg:$0x1] =	wrdreg $0xFFFFFFFF  }
0xa7: {  	s28 =	simm.s32 $_size_execute0_lowered;
	s3 =	sadd.s32 s3, s5;
	[dreg:$0x0] =	wrdreg $0x0  }
0xa8: {  	s5 =	sshll.u32 s28, $0x1;
	[dreg:$0x2] =	wrdreg s3  }
0xa9: {  	[dreg:$0x3] =	wrdreg s5  }
0xaa: {  	[dreg:$0x4] =	wrdreg $0xC0  }
0xab: {  	_ =	task [dreg:s7], $0x5FFFF  }
0xac: {  	[dreg:$0x1] =	wrdreg $0xFFFFFFFF  }
0xad: {  	[dreg:$0x0] =	wrdreg $0x60  }
0xae: {  	[dreg:$0x2] =	wrdreg s24  }
0xaf: {  	[dreg:$0x3] =	wrdreg s2  }
0xb0: {  	[dreg:$0x4] =	wrdreg $0xC0000  }
0xb1: {  	[dreg:$0x5] =	wrdreg $0x9  }
0xb2: {  	_ =	task.clear_ibuf [dreg:s7], $0x6FFFF;
	_ =	strace $0x90000049  }
0xb3: {  	s29 =	simm.s32 $0x9;
	_ =	strace $0x8000004B  }
0xb4: {  	_ =	swait.ge [sflag:s29], $0x1  }
0xb5: {  	[sflag:s29] =	ssyncadd.s32 $0xFFFFFFFF  }
0xb6: {  	_ =	strace $0x9000004B  }
0xb7: {  	_ =	sfence  }
0xb8: {  	s30 =	sld [smem:$0x0];
	_ =	sdelay $0x2  }
0xb9: {  	s31 =	sshll.u32 s1, $0xD;
	s1 =	sshrl.u32 s1, $0x2  }
0xba: {  	s3 =	sand.u32 $0x4000, s31;
	s1 =	sadd.s32 s1, s30  }
0xbb: {  	s0 =	sor.u32 s3, s0;
	s1 =	sshll.u32 s1, $0x11  }
0xbc: {  	s0 =	sor.u32 s1, s0  }
0xbd: {  	s0 =	sadd.s32 $0x8F2B, s0  }
0xbe: {  	[sflag:s0] =	ssyncadd.remote.s32 $0x1  }
0xbf: {  	_ =	sfence.sel $0xFFFF  }
0xc0: {  	[dreg:$0x0] =	wrdreg $0xFFFFFFFF;
	(pc) =	sbr.abs _section_cstart, $3  }
0xc1: {  	[dreg:$0x1] =	wrdreg $0xFFFFFFFF  }
0xc2: {  	_ =	task.clear_ibuf [dreg:s7], $0x2FFFF;
	_ =	strace $0x9FFFFFFF  }
0xc3: {  	(tm) =	ssettm $0x7FFFFFFF  }
tec
execute0_lowered:
.L_overlay_start_1:
0x0: {  	(tag) =	ssettag $0x1  }
0x1: {  	s0 =	rddreg [dreg:$0x0]  }
0x2: {  	s1 =	rddreg [dreg:$0x1]  }
0x3: {  	s2 =	rddreg [dreg:$0x2]  }
0x4: {  	s3 =	simm.s32 $0x0;
	s12 =	srdreg.scid;
	s11 =	stileid.u32  }
0x5: {  	s28 =	simm.s32 $0x1000;
	s29 =	simm.s32 $0x50;
	s30 =	simm.s32 $0x80  }
0x6: {  	s31 =	simm.s32 $0x4800;
	[smem:$0x7FF] =	sst s3;
	s3 =	sand.u32 $0x1, s12  }
0x7: {  	s4 =	smul.u32 $0x280, s11;
	s5 =	sadd.s32 $0x64400, s0;
	s6 =	sadd.s32 $0x3000, s0  }
0x8: {  	s10 =	smul.u32 $0x50000, s11;
	s0 =	sadd.s32 $0x8C400, s0;
	s13 =	sshll.u32 s11, $0x2  }
0x9: {  	_ =	strace $0x8000004A;
	s7 =	ssub.s32 $0x2, s3;
	s8 =	smul.u32 $0x2800, s3  }
0xa: {  	s3 =	sshll.u32 s3, $0x6;
	s9 =	sshrl.u32 s7, $0x1;
	s10 =	sshrl.u32 s10, $0x2  }
0xb: {  	s18 =	sor.u32 $0x50, s4;
	s20 =	sadd.s32 $0xA0, s4;
	s21 =	sadd.s32 $0xF0, s4  }
0xc: {  	s24 =	sadd.s32 $0x140, s4;
	s9 =	ssub.s32 s7, s9;
	s14 =	sadd.s32 s8, s4  }
0xd: {  	s7 =	sor.u32 s13, s3;
	s16 =	sadd.s32 s10, s2;
	s19 =	sshll.u32 s18, $0x7  }
0xe: {  	s22 =	sshll.u32 s20, $0x7;
	s12 =	sshll.u32 s21, $0x7;
	s25 =	sshll.u32 s24, $0x7  }
0xf: {  	s13 =	sadd.s32 $0x190, s4;
	s10 =	sadd.s32 s8, s20;
	s11 =	sadd.s32 s8, s21  }
0x10: {  	s15 =	sshll.u32 s14, $0x4;
	s17 =	smax.u32 s9, $0x1;
	s9 =	sadd.s32 s22, s2  }
0x11: {  	s23 =	sadd.s32 s12, s2;
	s14 =	sadd.s32 $0x1E0, s4;
	[dreg:$0x4] =	wrdreg s16  }
0x12: {  	s12 =	sadd.s32 s25, s2;
	s26 =	sshll.u32 s13, $0x7;
	[dreg:$0x6] =	wrdreg s17  }
0x13: {  	s4 =	sadd.s32 $0x230, s4;
	s20 =	sshll.u32 s10, $0x4;
	[dreg:$0x8] =	wrdreg s9  }
0x14: {  	s21 =	sshll.u32 s11, $0x4;
	s10 =	simm.s32 $0x2;
	[dreg:$0x9] =	wrdreg s23  }
0x15: {  	s3 =	sadd.s32 s0, s15;
	s17 =	sadd.s32 s19, s2;
	[dreg:$0xa] =	wrdreg s12  }
0x16: {  	s15 =	sshll.u32 s14, $0x7;
	s12 =	sadd.s32 s26, s2;
	[dreg:$0x5] =	wrdreg s3  }
0x17: {  	s9 =	sadd.s32 s8, s24;
	s19 =	sadd.s32 s8, s14;
	[dreg:$0xb] =	wrdreg s12  }
0x18: {  	s15 =	sadd.s32 s15, s2;
	s3 =	sadd.s32 s8, s18;
	s18 =	sadd.s32 s8, s13  }
0x19: {  	s8 =	sadd.s32 s8, s4;
	s4 =	sshll.u32 s4, $0x7;
	s22 =	sshll.u32 s9, $0x4  }
0x1a: {  	s25 =	sshll.u32 s19, $0x4;
	s9 =	simm.s32 $0x1;
	s19 =	simm.s32 $0x4  }
0x1b: {  	[dreg:$0x7] =	wrdreg s17;
	s3 =	sshll.u32 s3, $0x4;
	s4 =	sadd.s32 s4, s2  }
0x1c: {  	s23 =	sadd.s32 s0, s22;
	s24 =	sshll.u32 s18, $0x4;
	s26 =	sshll.u32 s8, $0x4  }
0x1d: {  	s18 =	simm.s32 $0x3;
	s22 =	simm.s32 $0x1E80;
	[dreg:$0xc] =	wrdreg s15  }
0x1e: {  	s8 =	simm.s32 $0x0;
	[dreg:$0xd] =	wrdreg s4;
	s3 =	sadd.s32 s0, s3  }
0x1f: {  	[dreg:$0x11] =	wrdreg s23;
	s4 =	simm.s32 $0x9800;
	s23 =	simm.s32 $0x1F00  }
0x20: {  	[dreg:$0xe] =	wrdreg s3;
	s3 =	sadd.s32 s0, s20;
	s20 =	simm.s32 $0xF80  }
0x21: {  	[dreg:$0xf] =	wrdreg s3;
	s3 =	sadd.s32 s0, s21;
	s21 =	simm.s32 $0x1E00  }
0x22: {  	[dreg:$0x10] =	wrdreg s3;
	s3 =	sadd.s32 s0, s24;
	s24 =	simm.s32 $0x1F80  }
0x23: {  	[dreg:$0x12] =	wrdreg s3;
	s3 =	sadd.s32 s0, s25;
	s0 =	sadd.s32 s0, s26  }
0x24: {  	s25 =	simm.s32 $0x2000;
	s26 =	simm.s32 $0x5;
	[dreg:$0x13] =	wrdreg s3  }
0x25: {  	v0 =	vimm.f32 $0.0e+00;
	[dreg:$0x14] =	wrdreg s0;
	s0 =	simm.s32 $0x100;
	s3 =	simm.s32 $0x7000  }
.LBB2_1:
0x26: {  	s12 =	simm.s32 $0x0  }
0x27: {  	s11 =	sand.u32 $0xFE00, s12  }
0x28: {  	s12 =	sand.u32 $0x70, s12;
	s13 =	sshrl.u32 s11, $0x2  }
0x29: {  	s11 =	simm.s32 $0x40;
	s13 =	sor.u32 s12, s13;
	s12 =	simm.s32 $0x0  }
.LBB2_2:
0x2a: {  	p0 =	sne.s32 s11, $0x9FC0  }
0x2b: {  	[tilespmem:s13+$0x2000] =	vst v0;
	s12 =	sadd.s32 $0x10, s12;
	s13 =	smov.u32 s11;
	s11 =	sadd.s32 $0x40, s11  }
.Ltmp0:
0x2c: {  	(pc) =	sbr.rel @p0 .LBB2_2-.Ltmp0, $4  }
0x2d: {  	_ = 	snop  }
0x2e: {  	s13 =	sand.u32 $0xFE00, s13  }
0x2f: {  	s14 =	sand.u32 $0x70, s12;
	s13 =	sshrl.u32 s13, $0x2  }
0x30: {  	s13 =	sor.u32 s14, s13  }
0x31: {  	[tilespmem:s13+$0x2000] =	vst v0  }
0x32: {  	[spmem:s16] =	stream.linear.scatter [tilespmem:s25], [sflag:$0x5], $0x2800, $0x38;
	v63 =	vld [tilespmem:$0x0]  }
0x33: {  	_ =	swait.ge [sflag:s26], $0x2800  }
0x34: {  	[sflag:s26] =	ssyncset.done $0x0  }
0x35: {  	[sflag:s26] =	ssyncadd.s32 $0xFFFFD800  }
0x36: {  	[spmem:s17] =	stream.linear.scatter [tilespmem:s25], [sflag:$0x5], $0x2800, $0x38;
	v63 =	vld [tilespmem:$0x0]  }
0x37: {  	_ =	swait.ge [sflag:s26], $0x2800  }
0x38: {  	[sflag:s26] =	ssyncset.done $0x0  }
0x39: {  	s11 =	rddreg [dreg:$0x8];
	[sflag:s26] =	ssyncadd.s32 $0xFFFFD800  }
0x3a: {  	[spmem:s11] =	stream.linear.scatter [tilespmem:s25], [sflag:$0x5], $0x2800, $0x38;
	v63 =	vld [tilespmem:$0x0]  }
0x3b: {  	_ =	swait.ge [sflag:s26], $0x2800  }
0x3c: {  	[sflag:s26] =	ssyncset.done $0x0  }
0x3d: {  	s13 =	rddreg [dreg:$0x9];
	[sflag:s26] =	ssyncadd.s32 $0xFFFFD800  }
0x3e: {  	[spmem:s13] =	stream.linear.scatter [tilespmem:s25], [sflag:$0x5], $0x2800, $0x38;
	v63 =	vld [tilespmem:$0x0]  }
0x3f: {  	_ =	swait.ge [sflag:s26], $0x2800  }
0x40: {  	[sflag:s26] =	ssyncset.done $0x0  }
0x41: {  	s14 =	rddreg [dreg:$0xa];
	[sflag:s26] =	ssyncadd.s32 $0xFFFFD800  }
0x42: {  	[spmem:s14] =	stream.linear.scatter [tilespmem:s25], [sflag:$0x5], $0x2800, $0x38;
	v63 =	vld [tilespmem:$0x0]  }
0x43: {  	_ =	swait.ge [sflag:s26], $0x2800  }
0x44: {  	[sflag:s26] =	ssyncset.done $0x0  }
0x45: {  	s16 =	rddreg [dreg:$0xb];
	[sflag:s26] =	ssyncadd.s32 $0xFFFFD800  }
0x46: {  	[spmem:s16] =	stream.linear.scatter [tilespmem:s25], [sflag:$0x5], $0x2800, $0x38;
	v63 =	vld [tilespmem:$0x0]  }
0x47: {  	_ =	swait.ge [sflag:s26], $0x2800  }
0x48: {  	[sflag:s26] =	ssyncset.done $0x0  }
0x49: {  	[sflag:s26] =	ssyncadd.s32 $0xFFFFD800  }
0x4a: {  	[spmem:s15] =	stream.linear.scatter [tilespmem:s25], [sflag:$0x5], $0x2800, $0x38;
	v63 =	vld [tilespmem:$0x0]  }
0x4b: {  	_ =	swait.ge [sflag:s26], $0x2800  }
0x4c: {  	[sflag:s26] =	ssyncset.done $0x0  }
0x4d: {  	s17 =	rddreg [dreg:$0xd];
	[sflag:s26] =	ssyncadd.s32 $0xFFFFD800  }
0x4e: {  	[spmem:s17] =	stream.linear.scatter [tilespmem:s25], [sflag:$0x5], $0x2800, $0x38;
	v63 =	vld [tilespmem:$0x0]  }
0x4f: {  	_ =	swait.ge [sflag:s26], $0x2800  }
0x50: {  	[sflag:s26] =	ssyncset.done $0x0  }
0x51: {  	[sflag:s26] =	ssyncadd.s32 $0xFFFFD800  }
0x52: {  	s12 =	simm.s32 $0x0;
	s11 =	simm.s32 $0x0;
	[bflag:$0x0] =	sbarrier.arrive $0xFFFF  }
.LBB2_4:
0x53: {  	s13 =	sadd.s32 s7, s12  }
0x54: {  	s13 =	sshll.u32 s13, $0x9  }
0x55: {  	s14 =	sadd.s32 s1, s13  }
0x56: {  	[tilespmem:s11], [sflag:$0x5] =	stream.linear.gather [hbm4b:s14+s11], $0x1000, $0x38;
	v63 =	vld [tilespmem:$0x0]  }
0x57: {  	_ =	swait.ge [sflag:s26], $0x1000  }
0x58: {  	[sflag:s26] =	ssyncset.done $0x0  }
0x59: {  	s13 =	sadd.s32 s6, s13;
	[sflag:s26] =	ssyncadd.s32 $0xFFFFF000  }
0x5a: {  	[tilespmem:s28], [sflag:$0x5] =	stream.linear.gather [hbm4b:s13+s11], $0x1000, $0x38;
	v63 =	vld [tilespmem:$0x0]  }
0x5b: {  	_ =	swait.ge [sflag:s26], $0x1000  }
0x5c: {  	[sflag:s26] =	ssyncset.done $0x0  }
0x5d: {  	[sflag:s26] =	ssyncadd.s32 $0xFFFFF000  }
0x5e: {  	[tilespmem:s25], [sflag:$0x1] =	stream.indirect.gather [hbm4b:s5+s29], $0x80, s11, s29, $0xb8;
	v63 =	vld [tilespmem:$0x0]  }
0x5f: {  	_ = 	snop  }
0x60: {  	[tilespmem:s31], [sflag:$0x2] =	stream.indirect.gather [hbm4b:s5+s29], $0x80, s30, s29, $0xb8;
	v63 =	vld [tilespmem:$0x0]  }
0x61: {  	_ = 	snop  }
0x62: {  	[tilespmem:s3], [sflag:$0x3] =	stream.indirect.gather [hbm4b:s5+s29], $0x80, s0, s29, $0xb8;
	v63 =	vld [tilespmem:$0x0]  }
0x63: {  	s14 =	simm.s32 $0x180  }
0x64: {  	[tilespmem:s4], [sflag:$0x4] =	stream.indirect.gather [hbm4b:s5+s29], $0x80, s14, s29, $0xb8;
	v63 =	vld [tilespmem:$0x0]  }
0x65: {  	_ =	swait.ge [sflag:s9], $0x2800  }
0x66: {  	[sflag:s9] =	ssyncset.done $0x0  }
0x67: {  	s15 =	simm.s32 $0x1000;
	[sflag:s9] =	ssyncadd.s32 $0xFFFFD800  }
0x68: {  	[spmem:s2] =	stream.indirect.scatter.add.f32 [tilespmem:s25], [sflag:$0x5], $0x80, s15, s29, $0xb8;
	v63 =	vld [tilespmem:$0x0]  }
0x69: {  	_ =	swait.ge [sflag:s26], $0x2800  }
0x6a: {  	[sflag:s26] =	ssyncset.done $0x0  }
0x6b: {  	s16 =	simm.s32 $0x200;
	[sflag:s26] =	ssyncadd.s32 $0xFFFFD800  }
0x6c: {  	[tilespmem:s25], [sflag:$0x1] =	stream.indirect.gather [hbm4b:s5+s29], $0x80, s16, s29, $0xb8;
	v63 =	vld [tilespmem:$0x0]  }
0x6d: {  	_ =	swait.ge [sflag:s10], $0x2800  }
0x6e: {  	[sflag:s10] =	ssyncset.done $0x0  }
0x6f: {  	s17 =	simm.s32 $0x1080;
	[sflag:s10] =	ssyncadd.s32 $0xFFFFD800  }
0x70: {  	[spmem:s2] =	stream.indirect.scatter.add.f32 [tilespmem:s31], [sflag:$0x5], $0x80, s17, s29, $0xb8;
	v63 =	vld [tilespmem:$0x0]  }
0x71: {  	_ =	swait.ge [sflag:s26], $0x2800  }
0x72: {  	[sflag:s26] =	ssyncset.done $0x0  }
0x73: {  	s14 =	simm.s32 $0x280;
	[sflag:s26] =	ssyncadd.s32 $0xFFFFD800  }
0x74: {  	[tilespmem:s31], [sflag:$0x2] =	stream.indirect.gather [hbm4b:s5+s29], $0x80, s14, s29, $0xb8;
	v63 =	vld [tilespmem:$0x0]  }
0x75: {  	_ =	swait.ge [sflag:s18], $0x2800  }
0x76: {  	[sflag:s18] =	ssyncset.done $0x0  }
0x77: {  	s15 =	simm.s32 $0x1100;
	[sflag:s18] =	ssyncadd.s32 $0xFFFFD800  }
0x78: {  	[spmem:s2] =	stream.indirect.scatter.add.f32 [tilespmem:s3], [sflag:$0x5], $0x80, s15, s29, $0xb8;
	v63 =	vld [tilespmem:$0x0]  }
0x79: {  	_ =	swait.ge [sflag:s26], $0x2800  }
0x7a: {  	[sflag:s26] =	ssyncset.done $0x0  }
0x7b: {  	s16 =	simm.s32 $0x300;
	[sflag:s26] =	ssyncadd.s32 $0xFFFFD800  }
0x7c: {  	[tilespmem:s3], [sflag:$0x3] =	stream.indirect.gather [hbm4b:s5+s29], $0x80, s16, s29, $0xb8;
	v63 =	vld [tilespmem:$0x0]  }
0x7d: {  	_ =	swait.ge [sflag:s19], $0x2800  }
0x7e: {  	[sflag:s19] =	ssyncset.done $0x0  }
0x7f: {  	s17 =	simm.s32 $0x1180;
	[sflag:s19] =	ssyncadd.s32 $0xFFFFD800  }
0x80: {  	[spmem:s2] =	stream.indirect.scatter.add.f32 [tilespmem:s4], [sflag:$0x5], $0x80, s17, s29, $0xb8;
	v63 =	vld [tilespmem:$0x0]  }
0x81: {  	_ =	swait.ge [sflag:s26], $0x2800  }
0x82: {  	s13 =	simm.s32 $0x200;
	s14 =	simm.s32 $0x1000;
	[sflag:s26] =	ssyncset.done $0x0  }
.LBB2_5:
0x83: {  	s17 =	sadd.s32 $0x180, s13  }
0x84: {  	[sflag:s26] =	ssyncadd.s32 $0xFFFFD800;
	s15 =	smov.u32 s14;
	s16 =	sadd.s32 $0x800, s14  }
0x85: {  	[tilespmem:s4], [sflag:$0x4] =	stream.indirect.gather [hbm4b:s5+s29], $0x80, s17, s29, $0xb8;
	v63 =	vld [tilespmem:$0x0]  }
0x86: {  	p0 =	sne.s32 s14, $0x3000;
	_ =	swait.ge [sflag:s9], $0x2800  }
0x87: {  	[sflag:s9] =	ssyncset.done $0x0  }
0x88: {  	s14 =	sadd.s32 $0x1000, s13;
	[sflag:s9] =	ssyncadd.s32 $0xFFFFD800  }
0x89: {  	[spmem:s2] =	stream.indirect.scatter.add.f32 [tilespmem:s25], [sflag:$0x5], $0x80, s14, s29, $0xb8;
	v63 =	vld [tilespmem:$0x0]  }
0x8a: {  	_ =	swait.ge [sflag:s26], $0x2800  }
0x8b: {  	[sflag:s26] =	ssyncset.done $0x0  }
0x8c: {  	s14 =	sadd.s32 $0x200, s13;
	[sflag:s26] =	ssyncadd.s32 $0xFFFFD800  }
0x8d: {  	[tilespmem:s25], [sflag:$0x1] =	stream.indirect.gather [hbm4b:s5+s29], $0x80, s14, s29, $0xb8;
	v63 =	vld [tilespmem:$0x0]  }
0x8e: {  	_ =	swait.ge [sflag:s10], $0x2800  }
0x8f: {  	[sflag:s10] =	ssyncset.done $0x0  }
0x90: {  	s14 =	sadd.s32 $0x1080, s13;
	[sflag:s10] =	ssyncadd.s32 $0xFFFFD800  }
0x91: {  	[spmem:s2] =	stream.indirect.scatter.add.f32 [tilespmem:s31], [sflag:$0x5], $0x80, s14, s29, $0xb8;
	v63 =	vld [tilespmem:$0x0]  }
0x92: {  	_ =	swait.ge [sflag:s26], $0x2800  }
0x93: {  	[sflag:s26] =	ssyncset.done $0x0  }
0x94: {  	s14 =	sadd.s32 $0x280, s13;
	[sflag:s26] =	ssyncadd.s32 $0xFFFFD800  }
0x95: {  	[tilespmem:s31], [sflag:$0x2] =	stream.indirect.gather [hbm4b:s5+s29], $0x80, s14, s29, $0xb8;
	v63 =	vld [tilespmem:$0x0]  }
0x96: {  	_ =	swait.ge [sflag:s18], $0x2800  }
0x97: {  	[sflag:s18] =	ssyncset.done $0x0  }
0x98: {  	s14 =	sadd.s32 $0x1100, s13;
	[sflag:s18] =	ssyncadd.s32 $0xFFFFD800  }
0x99: {  	[spmem:s2] =	stream.indirect.scatter.add.f32 [tilespmem:s3], [sflag:$0x5], $0x80, s14, s29, $0xb8;
	v63 =	vld [tilespmem:$0x0]  }
0x9a: {  	_ =	swait.ge [sflag:s26], $0x2800  }
0x9b: {  	[sflag:s26] =	ssyncset.done $0x0  }
0x9c: {  	s14 =	sadd.s32 $0x300, s13;
	[sflag:s26] =	ssyncadd.s32 $0xFFFFD800  }
0x9d: {  	[tilespmem:s3], [sflag:$0x3] =	stream.indirect.gather [hbm4b:s5+s29], $0x80, s14, s29, $0xb8;
	v63 =	vld [tilespmem:$0x0]  }
0x9e: {  	_ =	swait.ge [sflag:s19], $0x2800  }
.Ltmp1:
0x9f: {  	[sflag:s19] =	ssyncset.done $0x0;
	(pc) =	sbr.rel @p0 .LBB2_5-.Ltmp1, $4  }
0xa0: {  	s13 =	sadd.s32 $0x1180, s13;
	[sflag:s19] =	ssyncadd.s32 $0xFFFFD800  }
0xa1: {  	[spmem:s2] =	stream.indirect.scatter.add.f32 [tilespmem:s4], [sflag:$0x5], $0x80, s13, s29, $0xb8;
	v63 =	vld [tilespmem:$0x0]  }
0xa2: {  	_ =	swait.ge [sflag:s26], $0x2800  }
0xa3: {  	s14 =	smov.u32 s16;
	s13 =	sshra.s32 s15, $0x2;
	[sflag:s26] =	ssyncset.done $0x0  }
0xa4: {  	s14 =	sadd.s32 $0x180, s13;
	[sflag:s26] =	ssyncadd.s32 $0xFFFFD800  }
0xa5: {  	[tilespmem:s4], [sflag:$0x4] =	stream.indirect.gather [hbm4b:s5+s29], $0x80, s14, s29, $0xb8;
	v63 =	vld [tilespmem:$0x0]  }
0xa6: {  	_ =	swait.ge [sflag:s9], $0x2800  }
0xa7: {  	[sflag:s9] =	ssyncset.done $0x0  }
0xa8: {  	s17 =	sadd.s32 $0x1000, s13;
	[sflag:s9] =	ssyncadd.s32 $0xFFFFD800  }
0xa9: {  	[spmem:s2] =	stream.indirect.scatter.add.f32 [tilespmem:s25], [sflag:$0x5], $0x80, s17, s29, $0xb8;
	v63 =	vld [tilespmem:$0x0]  }
0xaa: {  	_ =	swait.ge [sflag:s26], $0x2800  }
0xab: {  	[sflag:s26] =	ssyncset.done $0x0  }
0xac: {  	s15 =	sadd.s32 $0x200, s13;
	[sflag:s26] =	ssyncadd.s32 $0xFFFFD800  }
0xad: {  	[tilespmem:s25], [sflag:$0x1] =	stream.indirect.gather [hbm4b:s5+s29], $0x80, s15, s29, $0xb8;
	v63 =	vld [tilespmem:$0x0]  }
0xae: {  	_ =	swait.ge [sflag:s10], $0x2800  }
0xaf: {  	[sflag:s10] =	ssyncset.done $0x0  }
0xb0: {  	s16 =	sadd.s32 $0x1080, s13;
	[sflag:s10] =	ssyncadd.s32 $0xFFFFD800  }
0xb1: {  	[spmem:s2] =	stream.indirect.scatter.add.f32 [tilespmem:s31], [sflag:$0x5], $0x80, s16, s29, $0xb8;
	v63 =	vld [tilespmem:$0x0]  }
0xb2: {  	_ =	swait.ge [sflag:s26], $0x2800  }
0xb3: {  	[sflag:s26] =	ssyncset.done $0x0  }
0xb4: {  	s17 =	sadd.s32 $0x280, s13;
	[sflag:s26] =	ssyncadd.s32 $0xFFFFD800  }
0xb5: {  	[tilespmem:s31], [sflag:$0x2] =	stream.indirect.gather [hbm4b:s5+s29], $0x80, s17, s29, $0xb8;
	v63 =	vld [tilespmem:$0x0]  }
0xb6: {  	_ =	swait.ge [sflag:s18], $0x2800  }
0xb7: {  	[sflag:s18] =	ssyncset.done $0x0  }
0xb8: {  	s15 =	sadd.s32 $0x1100, s13;
	[sflag:s18] =	ssyncadd.s32 $0xFFFFD800  }
0xb9: {  	[spmem:s2] =	stream.indirect.scatter.add.f32 [tilespmem:s3], [sflag:$0x5], $0x80, s15, s29, $0xb8;
	v63 =	vld [tilespmem:$0x0]  }
0xba: {  	_ =	swait.ge [sflag:s26], $0x2800  }
0xbb: {  	[sflag:s26] =	ssyncset.done $0x0  }
0xbc: {  	s16 =	sadd.s32 $0x300, s13;
	[sflag:s26] =	ssyncadd.s32 $0xFFFFD800  }
0xbd: {  	[tilespmem:s3], [sflag:$0x3] =	stream.indirect.gather [hbm4b:s5+s29], $0x80, s16, s29, $0xb8;
	v63 =	vld [tilespmem:$0x0]  }
0xbe: {  	_ =	swait.ge [sflag:s19], $0x2800  }
0xbf: {  	[sflag:s19] =	ssyncset.done $0x0  }
0xc0: {  	s17 =	sadd.s32 $0x1180, s13;
	[sflag:s19] =	ssyncadd.s32 $0xFFFFD800  }
0xc1: {  	[spmem:s2] =	stream.indirect.scatter.add.f32 [tilespmem:s4], [sflag:$0x5], $0x80, s17, s29, $0xb8;
	v63 =	vld [tilespmem:$0x0]  }
0xc2: {  	_ =	swait.ge [sflag:s26], $0x2800  }
0xc3: {  	[sflag:s26] =	ssyncset.done $0x0  }
0xc4: {  	[sflag:s26] =	ssyncadd.s32 $0xFFFFD800  }
0xc5: {  	[tilespmem:s4], [sflag:$0x4] =	stream.indirect.gather [hbm4b:s5+s29], $0x80, s20, s29, $0xb8;
	v63 =	vld [tilespmem:$0x0]  }
0xc6: {  	_ =	swait.ge [sflag:s9], $0x2800  }
0xc7: {  	[sflag:s9] =	ssyncset.done $0x0  }
0xc8: {  	[sflag:s9] =	ssyncadd.s32 $0xFFFFD800  }
0xc9: {  	[spmem:s2] =	stream.indirect.scatter.add.f32 [tilespmem:s25], [sflag:$0x5], $0x80, s21, s29, $0xb8;
	v63 =	vld [tilespmem:$0x0]  }
0xca: {  	_ =	swait.ge [sflag:s26], $0x2800  }
0xcb: {  	[sflag:s26] =	ssyncset.done $0x0  }
0xcc: {  	[sflag:s26] =	ssyncadd.s32 $0xFFFFD800  }
0xcd: {  	_ =	swait.ge [sflag:s10], $0x2800  }
0xce: {  	[sflag:s10] =	ssyncset.done $0x0  }
0xcf: {  	[sflag:s10] =	ssyncadd.s32 $0xFFFFD800  }
0xd0: {  	[spmem:s2] =	stream.indirect.scatter.add.f32 [tilespmem:s31], [sflag:$0x5], $0x80, s22, s29, $0xb8;
	v63 =	vld [tilespmem:$0x0]  }
0xd1: {  	_ =	swait.ge [sflag:s26], $0x2800  }
0xd2: {  	[sflag:s26] =	ssyncset.done $0x0  }
0xd3: {  	[sflag:s26] =	ssyncadd.s32 $0xFFFFD800  }
0xd4: {  	_ =	swait.ge [sflag:s18], $0x2800  }
0xd5: {  	[sflag:s18] =	ssyncset.done $0x0  }
0xd6: {  	[sflag:s18] =	ssyncadd.s32 $0xFFFFD800  }
0xd7: {  	[spmem:s2] =	stream.indirect.scatter.add.f32 [tilespmem:s3], [sflag:$0x5], $0x80, s23, s29, $0xb8;
	v63 =	vld [tilespmem:$0x0]  }
0xd8: {  	_ =	swait.ge [sflag:s26], $0x2800  }
0xd9: {  	[sflag:s26] =	ssyncset.done $0x0  }
0xda: {  	[sflag:s26] =	ssyncadd.s32 $0xFFFFD800  }
0xdb: {  	s12 =	sadd.s32 $0x1, s12;
	_ =	swait.ge [sflag:s19], $0x2800  }
0xdc: {  	p0 =	sne.s32 s12, $0x4;
	[sflag:s19] =	ssyncset.done $0x0  }
.Ltmp2:
0xdd: {  	[sflag:s19] =	ssyncadd.s32 $0xFFFFD800;
	(pc) =	sbr.rel @p0 .LBB2_4-.Ltmp2, $4  }
0xde: {  	[spmem:s2] =	stream.indirect.scatter.add.f32 [tilespmem:s4], [sflag:$0x5], $0x80, s24, s29, $0xb8;
	v63 =	vld [tilespmem:$0x0]  }
0xdf: {  	_ =	swait.ge [sflag:s26], $0x2800  }
0xe0: {  	[sflag:s26] =	ssyncset.done $0x0  }
0xe1: {  	[sflag:s26] =	ssyncadd.s32 $0xFFFFD800  }
0xe2: {  	s11 =	stileid.u32;
	[bflag:$0x0] =	sbarrier.arrive $0xFFFF  }
0xe3: {  	s11 =	sshll.u32 s11, $0x6;
	s16 =	rddreg [dreg:$0x4]  }
0xe4: {  	s13 =	rddreg [dreg:$0x5];
	s11 =	sor.u32 $0x1C05, s11;
	s12 =	sshrl.u32 s16, $0x3  }
0xe5: {  	[hbm:s13], [sflag:s11] =	dma.local [spmem:s12], $0x500  }
0xe6: {  	_ =	swait.ge [sflag:s26], $0x500  }
0xe7: {  	[sflag:s26] =	ssyncset.done $0x0;
	s17 =	rddreg [dreg:$0x7]  }
0xe8: {  	s15 =	rddreg [dreg:$0xe];
	[sflag:s26] =	ssyncadd.s32 $0xFFFFFB00;
	s14 =	sshrl.u32 s17, $0x3  }
0xe9: {  	[hbm:s15], [sflag:s11] =	dma.local [spmem:s14], $0x500  }
0xea: {  	_ =	swait.ge [sflag:s26], $0x500  }
0xeb: {  	[sflag:s26] =	ssyncset.done $0x0;
	s14 =	rddreg [dreg:$0x8]  }
0xec: {  	s15 =	rddreg [dreg:$0xf];
	[sflag:s26] =	ssyncadd.s32 $0xFFFFFB00;
	s12 =	sshrl.u32 s14, $0x3  }
0xed: {  	[hbm:s15], [sflag:s11] =	dma.local [spmem:s12], $0x500  }
0xee: {  	_ =	swait.ge [sflag:s26], $0x500  }
0xef: {  	[sflag:s26] =	ssyncset.done $0x0;
	s14 =	rddreg [dreg:$0x9]  }
0xf0: {  	s15 =	rddreg [dreg:$0x10];
	[sflag:s26] =	ssyncadd.s32 $0xFFFFFB00;
	s12 =	sshrl.u32 s14, $0x3  }
0xf1: {  	[hbm:s15], [sflag:s11] =	dma.local [spmem:s12], $0x500  }
0xf2: {  	_ =	swait.ge [sflag:s26], $0x500  }
0xf3: {  	[sflag:s26] =	ssyncset.done $0x0;
	s14 =	rddreg [dreg:$0xa]  }
0xf4: {  	s15 =	rddreg [dreg:$0x11];
	[sflag:s26] =	ssyncadd.s32 $0xFFFFFB00;
	s12 =	sshrl.u32 s14, $0x3  }
0xf5: {  	[hbm:s15], [sflag:s11] =	dma.local [spmem:s12], $0x500  }
0xf6: {  	_ =	swait.ge [sflag:s26], $0x500  }
0xf7: {  	[sflag:s26] =	ssyncset.done $0x0;
	s14 =	rddreg [dreg:$0xb]  }
0xf8: {  	s15 =	rddreg [dreg:$0x12];
	[sflag:s26] =	ssyncadd.s32 $0xFFFFFB00;
	s12 =	sshrl.u32 s14, $0x3  }
0xf9: {  	[hbm:s15], [sflag:s11] =	dma.local [spmem:s12], $0x500  }
0xfa: {  	_ =	swait.ge [sflag:s26], $0x500  }
0xfb: {  	[sflag:s26] =	ssyncset.done $0x0;
	s15 =	rddreg [dreg:$0xc]  }
0xfc: {  	s14 =	rddreg [dreg:$0x13];
	[sflag:s26] =	ssyncadd.s32 $0xFFFFFB00;
	s13 =	sshrl.u32 s15, $0x3  }
0xfd: {  	[hbm:s14], [sflag:s11] =	dma.local [spmem:s13], $0x500  }
0xfe: {  	_ =	swait.ge [sflag:s26], $0x500  }
0xff: {  	[sflag:s26] =	ssyncset.done $0x0;
	s13 =	rddreg [dreg:$0xd]  }
0x100: {  	s14 =	rddreg [dreg:$0x14];
	[sflag:s26] =	ssyncadd.s32 $0xFFFFFB00;
	s12 =	sshrl.u32 s13, $0x3  }
0x101: {  	[hbm:s14], [sflag:s11] =	dma.local [spmem:s12], $0x500  }
0x102: {  	_ =	swait.ge [sflag:s26], $0x500  }
0x103: {  	s8 =	sadd.s32 $0x1, s8;
	s14 =	rddreg [dreg:$0x6]  }
0x104: {  	p0 =	sne.s32 s8, s14  }
.Ltmp3:
0x105: {  	_ = 	snop;
	(pc) =	sbr.rel @p0 .LBB2_1-.Ltmp3, $3  }
0x106: {  	_ =	sdelay $0x1  }
0x107: {  	[sflag:s26] =	ssyncset.done $0x0  }
0x108: {  	[sflag:s26] =	ssyncadd.s32 $0xFFFFFB00  }
0x109: {  	_ =	sfence.sel $0x180000  }
0x10a: {  	[bflag:$0x0] =	sbarrier.arrive $0xFFFF  }
0x10b: {  	_ =	strace $0x9000004A  }
0x10c: {  	s0 =	stileid.u32;
	[bflag:$0x2] =	sbarrier.arrive $0xFFFF  }
0x10d: {  	p0 =	sne.s32 s0, $0x0;
	s0 =	rddreg [dreg:$0x3]  }
0x10e: {  	s0 =	sadd.s32 @!p0 $0x100000, s0  }
0x10f: {  	[sflag:s0] =	ssyncadd.tile.s32 @!p0 $0x1;
	_ =	shalt  }
.Lfunc_end2:
_tile_overlayer_lowered:
.L_overlay_start_2:
0x110: {  	(tag) =	ssettag $0x2  }
0x111: {  	s0 =	rddreg [dreg:$0x0];
	s2 =	stileid.u32  }
0x112: {  	s1 =	rddreg [dreg:$0x1];
	p0 =	sne.s32 s2, $0x0  }
0x113: {  	s3 =	rddreg [dreg:$0x2];
	[bflag:$0x3] =	sbarrier.arrive $0xFFFF;
	s2 =	simm.s32 @!p0 $0x1C05  }
0x114: {  	[timem:s3], [sflag:s2] =	dma.local @!p0 [hbm:s0], s1  }
0x115: {  	s0 =	simm.s32 @!p0 $0x5  }
0x116: {  	_ =	swait.ge @!p0 [sflag:s0], s1  }
0x117: {  	s1 =	ssub.s32 @!p0 $0x0, s1;
	[sflag:s0] =	ssyncset.done @!p0 $0x0  }
0x118: {  	[sflag:s0] =	ssyncadd.s32 @!p0 s1  }
0x119: {  	[bflag:$0x3] =	sbarrier.arrive $0xFFFF  }
0x11a: {  	_ =	shalt  }

// kernel: kernel.16.cloned.1.call-start
scs
__scs_entry_jumppad:
0x0: {  	(pc) =	sbr.rel $0x88, $3  }
0x1: {  	(tag) =	ssettag $0x0;
	lr =	simm.s32 $0x1  }
0x2: {  	[smem:$0x3F99] =	sst lr;
	_ =	strace $0xD0000000  }
0x3: {  	_ = 	snop  }
0x4: {  	_ = 	snop  }
0x5: {  	_ = 	snop  }
0x6: {  	_ = 	snop  }
0x7: {  	_ = 	snop  }
__scs_overlays_trampoline_lowered:
0x8: {  	[smem:$0x3FA8] =	sst s0  }
0x9: {  	[smem:$0x3FA9] =	sst s1  }
0xa: {  	[smem:$0x3FAA] =	sst s2  }
0xb: {  	[smem:$0x3FAB] =	sst s3  }
0xc: {  	[smem:$0x3FAC] =	sst s4  }
0xd: {  	[smem:$0x3FAD] =	sst s5  }
0xe: {  	[smem:$0x3FAE] =	sst s6  }
0xf: {  	[smem:$0x3FAF] =	sst s7  }
0x10: {  	[smem:$0x3FB0] =	sst s8  }
0x11: {  	[smem:$0x3FB1] =	sst s9;
	s0 =	simm.s32 @!p0 $0x0  }
0x12: {  	s1 =	sld [smem:$0x3F97];
	s0 =	simm.s32 @p0 $0x1  }
0x13: {  	[smem:$0x3FB2] =	sst s0;
	s0 =	simm.s32 @!p1 $0x0  }
0x14: {  	s2 =	sld [smem:$0x3F96];
	s0 =	simm.s32 @p1 $0x1  }
0x15: {  	[smem:$0x3FB3] =	sst s0;
	s0 =	simm.s32 @!p2 $0x0  }
0x16: {  	s3 =	sld [smem:$0x3FDB];
	s0 =	simm.s32 @p2 $0x1  }
0x17: {  	s4 =	simm.s32 $0x1BF5;
	[smem:$0x3FB5] =	sst s0  }
0x18: {  	s0 =	sld [smem:$0x3F98];
	_ =	swait.ge [sflag:s4], $0x0  }
0x19: {  	s7 =	sld [smem:$0x3F99]  }
0x1a: {  	s8 =	sadd.s32 $0xFFFFE003, lr  }
0x1b: {  	s9 =	sadd.s32 $0xFFFFFEF7, lr;
	s5 =	simm.s32 $0xFFFFFFFF;
	p2 =	slt.u32 s8, $0xFFFFF086  }
0x1c: {  	p1 =	slt.u32 s9, $0xF7A;
	s5 =	simm.s32 @!p2 $0x0  }
0x1d: {  	s5 =	simm.s32 @p1 $0x1;
	p0 =	seq.s32 s7, s2  }
0x1e: {  	s7 =	smul.u32 @!p0 $0xF7A, s2;
	p2 =	seq.s32 @!p0 s5, $0x0  }
0x1f: {  	s9 =	smul.u32 $0xF7A, s1;
	s8 =	simm.s32 @!p0 $0x1BF5;
	p2 =	por !p2, p0  }
0x20: {  	[sflag:s8] =	ssyncset.s32 @!p0 $0xFFFFF086;
	s6 =	sadd.s32 @!p0 s3, s7;
	s7 =	simm.s32 @!p0 $0x108  }
0x21: {  	s3 =	sadd.s32 s3, s9;
	s6 =	sadd.s32 @!p0 $0x88, s6;
	s7 =	simm.s32 @p2 $0x1082  }
0x22: {  	[simem:s7], [sflag:s8] =	dma.local @!p0 [hbm:s6], $0xF7A  }
0x23: {  	s9 =	sor.u32 $0xD0000000, s2;
	s6 =	simm.s32 $0x108;
	_ =	swait.ge @!p0 [sflag:s8], $0x0  }
0x24: {  	s3 =	sadd.s32 $0x88, s3;
	s6 =	simm.s32 @!p1 $0x1082;
	[sflag:s4] =	ssyncset.s32 $0xFFFFF086  }
0x25: {  	[simem:s6], [sflag:s4] =	dma.local [hbm:s3], $0xF7A  }
0x26: {  	[smem:$0x3F99] =	sst s1;
	(tag) =	ssettag s2;
	_ =	strace s9  }
0x27: {  	s1 =	sld [smem:$0x3FA9]  }
0x28: {  	s2 =	sld [smem:$0x3FAA]  }
0x29: {  	s4 =	sld [smem:$0x3FAC]  }
0x2a: {  	p0 =	seq.s32 s5, $0x0;
	s5 =	sld [smem:$0x3FAD]  }
0x2b: {  	s6 =	sld [smem:$0x3FAE]  }
0x2c: {  	s7 =	sld [smem:$0x3FAF]  }
0x2d: {  	s3 =	simm.s32 $0x108;
	s8 =	sld [smem:$0x3FB0]  }
0x2e: {  	s3 =	simm.s32 @!p0 $0x1082;
	s9 =	sld [smem:$0x3FB1]  }
0x2f: {  	lr =	sadd.s32 s0, s3;
	s0 =	sld [smem:$0x3FA8]  }
0x30: {  	s3 =	sld [smem:$0x3FAB]  }
0x31: {  	[smem:$0x3FB4] =	sst s10  }
0x32: {  	s10 =	sld [smem:$0x3FB2];
	_ =	sdelay $0x3  }
0x33: {  	p0 =	seq.s32 s10, $0x1;
	s10 =	sld [smem:$0x3FB4];
	_ =	sdelay $0x3  }
0x34: {  	[smem:$0x3FB4] =	sst s10  }
0x35: {  	s10 =	sld [smem:$0x3FB3];
	_ =	sdelay $0x3  }
0x36: {  	p1 =	seq.s32 s10, $0x1;
	s10 =	sld [smem:$0x3FB4];
	_ =	sdelay $0x3  }
0x37: {  	[smem:$0x3FB4] =	sst s10  }
0x38: {  	s10 =	sld [smem:$0x3FB5]  }
0x39: {  	_ = 	snop;
	(pc) =	sbr.ind lr, $3  }
0x3a: {  	_ = 	snop  }
0x3b: {  	_ = 	snop  }
0x3c: {  	p2 =	seq.s32 s10, $0x1;
	s10 =	sld [smem:$0x3FB4]  }
0x3d: {  	_ =	shalt  }
0x3e: {  	_ =	shalt  }
0x3f: {  	_ =	shalt  }
0x40: {  	_ =	shalt  }
0x41: {  	_ =	shalt  }
0x42: {  	_ =	shalt  }
0x43: {  	_ =	shalt  }
0x44: {  	_ =	shalt  }
0x45: {  	_ =	shalt  }
0x46: {  	_ =	shalt  }
0x47: {  	_ =	shalt  }
0x48: {  	_ =	shalt  }
0x49: {  	_ =	shalt  }
0x4a: {  	_ =	shalt  }
0x4b: {  	_ =	shalt  }
0x4c: {  	_ =	shalt  }
0x4d: {  	_ =	shalt  }
0x4e: {  	_ =	shalt  }
0x4f: {  	_ =	shalt  }
0x50: {  	_ =	shalt  }
0x51: {  	_ =	shalt  }
0x52: {  	_ =	shalt  }
0x53: {  	_ =	shalt  }
0x54: {  	_ =	shalt  }
0x55: {  	_ =	shalt  }
0x56: {  	_ =	shalt  }
0x57: {  	_ =	shalt  }
0x58: {  	_ =	shalt  }
0x59: {  	_ =	shalt  }
0x5a: {  	_ =	shalt  }
0x5b: {  	_ =	shalt  }
0x5c: {  	_ =	shalt  }
0x5d: {  	_ =	shalt  }
0x5e: {  	_ =	shalt  }
0x5f: {  	_ =	shalt  }
0x60: {  	_ =	shalt  }
0x61: {  	_ =	shalt  }
0x62: {  	_ =	shalt  }
0x63: {  	_ =	shalt  }
0x64: {  	_ =	shalt  }
0x65: {  	_ =	shalt  }
0x66: {  	_ =	shalt  }
0x67: {  	_ =	shalt  }
0x68: {  	_ =	shalt  }
0x69: {  	_ =	shalt  }
0x6a: {  	_ =	shalt  }
0x6b: {  	_ =	shalt  }
0x6c: {  	_ =	shalt  }
0x6d: {  	_ =	shalt  }
0x6e: {  	_ =	shalt  }
0x6f: {  	_ =	shalt  }
0x70: {  	_ =	shalt  }
0x71: {  	_ =	shalt  }
0x72: {  	_ =	shalt  }
0x73: {  	_ =	shalt  }
0x74: {  	_ =	shalt  }
0x75: {  	_ =	shalt  }
0x76: {  	_ =	shalt  }
0x77: {  	_ =	shalt  }
0x78: {  	_ =	shalt  }
0x79: {  	_ =	shalt  }
0x7a: {  	_ =	shalt  }
0x7b: {  	_ =	shalt  }
0x7c: {  	_ =	shalt  }
0x7d: {  	_ =	shalt  }
0x7e: {  	_ =	shalt  }
0x7f: {  	_ =	shalt  }
0x80: {  	_ =	shalt  }
0x81: {  	_ =	shalt  }
0x82: {  	_ =	shalt  }
0x83: {  	_ =	shalt  }
0x84: {  	_ =	shalt  }
0x85: {  	_ =	shalt  }
0x86: {  	_ =	shalt  }
0x87: {  	_ =	shalt  }
.Lfunc_end0:
.L_simem_size_0:
called_computation.2_lowered:
.L_overlay_start_0:
0x88: {  	s2 =	sld [smem:$0x3FD9]  }
0x89: {  	s3 =	sld [smem:$0x3FFE];
	_ =	sdelay $0x1  }
0x8a: {  	s1 =	srdreg.scid  }
0x8b: {  	s0 =	sand.u32 $0x1, s1  }
0x8c: {  	s17 =	sshll.u32 s0, $0xA;
	s2 =	sadd.s32 s3, s2  }
0x8d: {  	s2 =	sadd.s32 s2, s17  }
0x8e: {  	[smem:$0x3FC0] =	sst s2  }
0x8f: {  	_ = 	snop  }
0x90: {  	s2 =	sld [smem:$0x3FD0];
	(tm) =	ssettm $0x1  }
0x91: {  	s18 =	sld [smem:$0x3FFB];
	_ =	sdelay $0x3  }
0x92: {  	_ =	strace s18  }
0x93: {  	s3 =	sld [smem:$0x3FFC];
	_ =	sdelay $0x3  }
0x94: {  	_ =	strace s3  }
0x95: {  	s3 =	sld [smem:$0x3FFD];
	_ =	sdelay $0x3  }
0x96: {  	_ =	strace s3  }
0x97: {  	_ =	strace $0x8FFFFFFF  }
0x98: {  	s19 =	sld [smem:$0x3FDB];
	_ =	sdelay $0x1  }
0x99: {  	s4 =	simm.s32 $_scs_section_size  }
0x9a: {  	s5 =	simm.s32 $_size__tile_overlayer_lowered;
	s6 =	simm.s32 $_tile_overlayer_lowered  }
0x9b: {  	s22 =	simm.s32 $0x1BFF;
	s21 =	sshll.u32 s6, $0x1;
	s3 =	sadd.s32 s4, s19  }
0x9c: {  	s7 =	simm.s32 $0x0;
	s20 =	sshll.u32 s5, $0x1;
	s5 =	sadd.s32 s21, s3  }
0x9d: {  	[timem:s7], [sflag:s22] =	dma.local [hbm:s5], s20  }
0x9e: {  	_ =	swait.ge [sflag:s22], s20  }
0x9f: {  	s4 =	ssub.s32 $0x0, s20;
	[sflag:s22] =	ssyncset.done $0x0  }
0xa0: {  	[sflag:s22] =	ssyncadd.s32 s4;
	_ =	sdelay $0x1  }
0xa1: {  	s23 =	simm.s32 $0x1B8B  }
0xa2: {  	_ =	swait.ge [sflag:s23], $0x1  }
0xa3: {  	[sflag:s23] =	ssyncset.done $0x0  }
0xa4: {  	s25 =	simm.s32 $0x1B8E;
	s24 =	sld [smem:$0x3FFE];
	[sflag:s23] =	ssyncadd.s32 $0xFFFFFFFF  }
0xa5: {  	s26 =	simm.s32 $execute0_lowered;
	[smem:$0x3FD2] =	sst s25  }
0xa6: {  	s5 =	sshll.u32 s26, $0x1;
	_ =	strace $0x8000004C;
	[dreg:$0x1] =	wrdreg $0xFFFFFFFF  }
0xa7: {  	s28 =	simm.s32 $_size_execute0_lowered;
	s3 =	sadd.s32 s3, s5;
	[dreg:$0x0] =	wrdreg $0x0  }
0xa8: {  	s5 =	sshll.u32 s28, $0x1;
	[dreg:$0x2] =	wrdreg s3  }
0xa9: {  	[dreg:$0x3] =	wrdreg s5  }
0xaa: {  	[dreg:$0x4] =	wrdreg $0xC0  }
0xab: {  	_ =	task [dreg:s7], $0x5FFFF  }
0xac: {  	[dreg:$0x1] =	wrdreg $0xFFFFFFFF  }
0xad: {  	[dreg:$0x0] =	wrdreg $0x60  }
0xae: {  	[dreg:$0x2] =	wrdreg s24  }
0xaf: {  	[dreg:$0x3] =	wrdreg s2  }
0xb0: {  	[dreg:$0x4] =	wrdreg $0xC0000  }
0xb1: {  	[dreg:$0x5] =	wrdreg $0x9  }
0xb2: {  	_ =	task.clear_ibuf [dreg:s7], $0x6FFFF;
	_ =	strace $0x9000004C  }
0xb3: {  	s29 =	simm.s32 $0x9;
	_ =	strace $0x8000004E  }
0xb4: {  	_ =	swait.ge [sflag:s29], $0x1  }
0xb5: {  	[sflag:s29] =	ssyncadd.s32 $0xFFFFFFFF  }
0xb6: {  	_ =	strace $0x9000004E  }
0xb7: {  	_ =	sfence  }
0xb8: {  	s30 =	sld [smem:$0x0];
	_ =	sdelay $0x2  }
0xb9: {  	s31 =	sshll.u32 s1, $0xD;
	s1 =	sshrl.u32 s1, $0x2  }
0xba: {  	s3 =	sand.u32 $0x4000, s31;
	s1 =	sadd.s32 s1, s30  }
0xbb: {  	s0 =	sor.u32 s3, s0;
	s1 =	sshll.u32 s1, $0x11  }
0xbc: {  	s0 =	sor.u32 s1, s0  }
0xbd: {  	s0 =	sadd.s32 $0x8F2B, s0  }
0xbe: {  	[sflag:s0] =	ssyncadd.remote.s32 $0x1  }
0xbf: {  	_ =	sfence.sel $0xFFFF  }
0xc0: {  	[dreg:$0x0] =	wrdreg $0xFFFFFFFF;
	(pc) =	sbr.abs _section_cstart, $3  }
0xc1: {  	[dreg:$0x1] =	wrdreg $0xFFFFFFFF  }
0xc2: {  	_ =	task.clear_ibuf [dreg:s7], $0x2FFFF;
	_ =	strace $0x9FFFFFFF  }
0xc3: {  	(tm) =	ssettm $0x7FFFFFFF  }
tec
execute0_lowered:
.L_overlay_start_1:
0x0: {  	(tag) =	ssettag $0x1  }
0x1: {  	s0 =	rddreg [dreg:$0x0]  }
0x2: {  	s1 =	rddreg [dreg:$0x1]  }
0x3: {  	s2 =	rddreg [dreg:$0x2]  }
0x4: {  	s3 =	simm.s32 $0x0;
	s12 =	srdreg.scid;
	s11 =	stileid.u32  }
0x5: {  	s28 =	simm.s32 $0x1000;
	s29 =	simm.s32 $0x50;
	s30 =	simm.s32 $0x80  }
0x6: {  	s31 =	simm.s32 $0x4800;
	[smem:$0x7FF] =	sst s3;
	s3 =	sand.u32 $0x1, s12  }
0x7: {  	s4 =	smul.u32 $0x280, s11;
	s5 =	sadd.s32 $0x64400, s0;
	s6 =	sadd.s32 $0x3000, s0  }
0x8: {  	s10 =	smul.u32 $0x50000, s11;
	s0 =	sadd.s32 $0x8C400, s0;
	s13 =	sshll.u32 s11, $0x2  }
0x9: {  	_ =	strace $0x8000004D;
	s7 =	ssub.s32 $0x2, s3;
	s8 =	smul.u32 $0x2800, s3  }
0xa: {  	s3 =	sshll.u32 s3, $0x6;
	s9 =	sshrl.u32 s7, $0x1;
	s10 =	sshrl.u32 s10, $0x2  }
0xb: {  	s18 =	sor.u32 $0x50, s4;
	s20 =	sadd.s32 $0xA0, s4;
	s21 =	sadd.s32 $0xF0, s4  }
0xc: {  	s24 =	sadd.s32 $0x140, s4;
	s9 =	ssub.s32 s7, s9;
	s14 =	sadd.s32 s8, s4  }
0xd: {  	s7 =	sor.u32 s13, s3;
	s16 =	sadd.s32 s10, s2;
	s19 =	sshll.u32 s18, $0x7  }
0xe: {  	s22 =	sshll.u32 s20, $0x7;
	s12 =	sshll.u32 s21, $0x7;
	s25 =	sshll.u32 s24, $0x7  }
0xf: {  	s13 =	sadd.s32 $0x190, s4;
	s10 =	sadd.s32 s8, s20;
	s11 =	sadd.s32 s8, s21  }
0x10: {  	s15 =	sshll.u32 s14, $0x4;
	s17 =	smax.u32 s9, $0x1;
	s9 =	sadd.s32 s22, s2  }
0x11: {  	s23 =	sadd.s32 s12, s2;
	s14 =	sadd.s32 $0x1E0, s4;
	[dreg:$0x4] =	wrdreg s16  }
0x12: {  	s12 =	sadd.s32 s25, s2;
	s26 =	sshll.u32 s13, $0x7;
	[dreg:$0x6] =	wrdreg s17  }
0x13: {  	s4 =	sadd.s32 $0x230, s4;
	s20 =	sshll.u32 s10, $0x4;
	[dreg:$0x8] =	wrdreg s9  }
0x14: {  	s21 =	sshll.u32 s11, $0x4;
	s10 =	simm.s32 $0x2;
	[dreg:$0x9] =	wrdreg s23  }
0x15: {  	s3 =	sadd.s32 s0, s15;
	s17 =	sadd.s32 s19, s2;
	[dreg:$0xa] =	wrdreg s12  }
0x16: {  	s15 =	sshll.u32 s14, $0x7;
	s12 =	sadd.s32 s26, s2;
	[dreg:$0x5] =	wrdreg s3  }
0x17: {  	s9 =	sadd.s32 s8, s24;
	s19 =	sadd.s32 s8, s14;
	[dreg:$0xb] =	wrdreg s12  }
0x18: {  	s15 =	sadd.s32 s15, s2;
	s3 =	sadd.s32 s8, s18;
	s18 =	sadd.s32 s8, s13  }
0x19: {  	s8 =	sadd.s32 s8, s4;
	s4 =	sshll.u32 s4, $0x7;
	s22 =	sshll.u32 s9, $0x4  }
0x1a: {  	s25 =	sshll.u32 s19, $0x4;
	s9 =	simm.s32 $0x1;
	s19 =	simm.s32 $0x4  }
0x1b: {  	[dreg:$0x7] =	wrdreg s17;
	s3 =	sshll.u32 s3, $0x4;
	s4 =	sadd.s32 s4, s2  }
0x1c: {  	s23 =	sadd.s32 s0, s22;
	s24 =	sshll.u32 s18, $0x4;
	s26 =	sshll.u32 s8, $0x4  }
0x1d: {  	s18 =	simm.s32 $0x3;
	s22 =	simm.s32 $0x1E80;
	[dreg:$0xc] =	wrdreg s15  }
0x1e: {  	s8 =	simm.s32 $0x0;
	[dreg:$0xd] =	wrdreg s4;
	s3 =	sadd.s32 s0, s3  }
0x1f: {  	[dreg:$0x11] =	wrdreg s23;
	s4 =	simm.s32 $0x9800;
	s23 =	simm.s32 $0x1F00  }
0x20: {  	[dreg:$0xe] =	wrdreg s3;
	s3 =	sadd.s32 s0, s20;
	s20 =	simm.s32 $0xF80  }
0x21: {  	[dreg:$0xf] =	wrdreg s3;
	s3 =	sadd.s32 s0, s21;
	s21 =	simm.s32 $0x1E00  }
0x22: {  	[dreg:$0x10] =	wrdreg s3;
	s3 =	sadd.s32 s0, s24;
	s24 =	simm.s32 $0x1F80  }
0x23: {  	[dreg:$0x12] =	wrdreg s3;
	s3 =	sadd.s32 s0, s25;
	s0 =	sadd.s32 s0, s26  }
0x24: {  	s25 =	simm.s32 $0x2000;
	s26 =	simm.s32 $0x5;
	[dreg:$0x13] =	wrdreg s3  }
0x25: {  	v0 =	vimm.f32 $0.0e+00;
	[dreg:$0x14] =	wrdreg s0;
	s0 =	simm.s32 $0x100;
	s3 =	simm.s32 $0x7000  }
.LBB2_1:
0x26: {  	s12 =	simm.s32 $0x0  }
0x27: {  	s11 =	sand.u32 $0xFE00, s12  }
0x28: {  	s12 =	sand.u32 $0x70, s12;
	s13 =	sshrl.u32 s11, $0x2  }
0x29: {  	s11 =	simm.s32 $0x40;
	s13 =	sor.u32 s12, s13;
	s12 =	simm.s32 $0x0  }
.LBB2_2:
0x2a: {  	p0 =	sne.s32 s11, $0x9FC0  }
0x2b: {  	[tilespmem:s13+$0x2000] =	vst v0;
	s12 =	sadd.s32 $0x10, s12;
	s13 =	smov.u32 s11;
	s11 =	sadd.s32 $0x40, s11  }
.Ltmp0:
0x2c: {  	(pc) =	sbr.rel @p0 .LBB2_2-.Ltmp0, $4  }
0x2d: {  	_ = 	snop  }
0x2e: {  	s13 =	sand.u32 $0xFE00, s13  }
0x2f: {  	s14 =	sand.u32 $0x70, s12;
	s13 =	sshrl.u32 s13, $0x2  }
0x30: {  	s13 =	sor.u32 s14, s13  }
0x31: {  	[tilespmem:s13+$0x2000] =	vst v0  }
0x32: {  	[spmem:s16] =	stream.linear.scatter [tilespmem:s25], [sflag:$0x5], $0x2800, $0x38;
	v63 =	vld [tilespmem:$0x0]  }
0x33: {  	_ =	swait.ge [sflag:s26], $0x2800  }
0x34: {  	[sflag:s26] =	ssyncset.done $0x0  }
0x35: {  	[sflag:s26] =	ssyncadd.s32 $0xFFFFD800  }
0x36: {  	[spmem:s17] =	stream.linear.scatter [tilespmem:s25], [sflag:$0x5], $0x2800, $0x38;
	v63 =	vld [tilespmem:$0x0]  }
0x37: {  	_ =	swait.ge [sflag:s26], $0x2800  }
0x38: {  	[sflag:s26] =	ssyncset.done $0x0  }
0x39: {  	s11 =	rddreg [dreg:$0x8];
	[sflag:s26] =	ssyncadd.s32 $0xFFFFD800  }
0x3a: {  	[spmem:s11] =	stream.linear.scatter [tilespmem:s25], [sflag:$0x5], $0x2800, $0x38;
	v63 =	vld [tilespmem:$0x0]  }
0x3b: {  	_ =	swait.ge [sflag:s26], $0x2800  }
0x3c: {  	[sflag:s26] =	ssyncset.done $0x0  }
0x3d: {  	s13 =	rddreg [dreg:$0x9];
	[sflag:s26] =	ssyncadd.s32 $0xFFFFD800  }
0x3e: {  	[spmem:s13] =	stream.linear.scatter [tilespmem:s25], [sflag:$0x5], $0x2800, $0x38;
	v63 =	vld [tilespmem:$0x0]  }
0x3f: {  	_ =	swait.ge [sflag:s26], $0x2800  }
0x40: {  	[sflag:s26] =	ssyncset.done $0x0  }
0x41: {  	s14 =	rddreg [dreg:$0xa];
	[sflag:s26] =	ssyncadd.s32 $0xFFFFD800  }
0x42: {  	[spmem:s14] =	stream.linear.scatter [tilespmem:s25], [sflag:$0x5], $0x2800, $0x38;
	v63 =	vld [tilespmem:$0x0]  }
0x43: {  	_ =	swait.ge [sflag:s26], $0x2800  }
0x44: {  	[sflag:s26] =	ssyncset.done $0x0  }
0x45: {  	s16 =	rddreg [dreg:$0xb];
	[sflag:s26] =	ssyncadd.s32 $0xFFFFD800  }
0x46: {  	[spmem:s16] =	stream.linear.scatter [tilespmem:s25], [sflag:$0x5], $0x2800, $0x38;
	v63 =	vld [tilespmem:$0x0]  }
0x47: {  	_ =	swait.ge [sflag:s26], $0x2800  }
0x48: {  	[sflag:s26] =	ssyncset.done $0x0  }
0x49: {  	[sflag:s26] =	ssyncadd.s32 $0xFFFFD800  }
0x4a: {  	[spmem:s15] =	stream.linear.scatter [tilespmem:s25], [sflag:$0x5], $0x2800, $0x38;
	v63 =	vld [tilespmem:$0x0]  }
0x4b: {  	_ =	swait.ge [sflag:s26], $0x2800  }
0x4c: {  	[sflag:s26] =	ssyncset.done $0x0  }
0x4d: {  	s17 =	rddreg [dreg:$0xd];
	[sflag:s26] =	ssyncadd.s32 $0xFFFFD800  }
0x4e: {  	[spmem:s17] =	stream.linear.scatter [tilespmem:s25], [sflag:$0x5], $0x2800, $0x38;
	v63 =	vld [tilespmem:$0x0]  }
0x4f: {  	_ =	swait.ge [sflag:s26], $0x2800  }
0x50: {  	[sflag:s26] =	ssyncset.done $0x0  }
0x51: {  	[sflag:s26] =	ssyncadd.s32 $0xFFFFD800  }
0x52: {  	s12 =	simm.s32 $0x0;
	s11 =	simm.s32 $0x0;
	[bflag:$0x0] =	sbarrier.arrive $0xFFFF  }
.LBB2_4:
0x53: {  	s13 =	sadd.s32 s7, s12  }
0x54: {  	s13 =	sshll.u32 s13, $0x9  }
0x55: {  	s14 =	sadd.s32 s1, s13  }
0x56: {  	[tilespmem:s11], [sflag:$0x5] =	stream.linear.gather [hbm4b:s14+s11], $0x1000, $0x38;
	v63 =	vld [tilespmem:$0x0]  }
0x57: {  	_ =	swait.ge [sflag:s26], $0x1000  }
0x58: {  	[sflag:s26] =	ssyncset.done $0x0  }
0x59: {  	s13 =	sadd.s32 s6, s13;
	[sflag:s26] =	ssyncadd.s32 $0xFFFFF000  }
0x5a: {  	[tilespmem:s28], [sflag:$0x5] =	stream.linear.gather [hbm4b:s13+s11], $0x1000, $0x38;
	v63 =	vld [tilespmem:$0x0]  }
0x5b: {  	_ =	swait.ge [sflag:s26], $0x1000  }
0x5c: {  	[sflag:s26] =	ssyncset.done $0x0  }
0x5d: {  	[sflag:s26] =	ssyncadd.s32 $0xFFFFF000  }
0x5e: {  	[tilespmem:s25], [sflag:$0x1] =	stream.indirect.gather [hbm4b:s5+s29], $0x80, s11, s29, $0xb8;
	v63 =	vld [tilespmem:$0x0]  }
0x5f: {  	_ = 	snop  }
0x60: {  	[tilespmem:s31], [sflag:$0x2] =	stream.indirect.gather [hbm4b:s5+s29], $0x80, s30, s29, $0xb8;
	v63 =	vld [tilespmem:$0x0]  }
0x61: {  	_ = 	snop  }
0x62: {  	[tilespmem:s3], [sflag:$0x3] =	stream.indirect.gather [hbm4b:s5+s29], $0x80, s0, s29, $0xb8;
	v63 =	vld [tilespmem:$0x0]  }
0x63: {  	s14 =	simm.s32 $0x180  }
0x64: {  	[tilespmem:s4], [sflag:$0x4] =	stream.indirect.gather [hbm4b:s5+s29], $0x80, s14, s29, $0xb8;
	v63 =	vld [tilespmem:$0x0]  }
0x65: {  	_ =	swait.ge [sflag:s9], $0x2800  }
0x66: {  	[sflag:s9] =	ssyncset.done $0x0  }
0x67: {  	s15 =	simm.s32 $0x1000;
	[sflag:s9] =	ssyncadd.s32 $0xFFFFD800  }
0x68: {  	[spmem:s2] =	stream.indirect.scatter.add.f32 [tilespmem:s25], [sflag:$0x5], $0x80, s15, s29, $0xb8;
	v63 =	vld [tilespmem:$0x0]  }
0x69: {  	_ =	swait.ge [sflag:s26], $0x2800  }
0x6a: {  	[sflag:s26] =	ssyncset.done $0x0  }
0x6b: {  	s16 =	simm.s32 $0x200;
	[sflag:s26] =	ssyncadd.s32 $0xFFFFD800  }
0x6c: {  	[tilespmem:s25], [sflag:$0x1] =	stream.indirect.gather [hbm4b:s5+s29], $0x80, s16, s29, $0xb8;
	v63 =	vld [tilespmem:$0x0]  }
0x6d: {  	_ =	swait.ge [sflag:s10], $0x2800  }
0x6e: {  	[sflag:s10] =	ssyncset.done $0x0  }
0x6f: {  	s17 =	simm.s32 $0x1080;
	[sflag:s10] =	ssyncadd.s32 $0xFFFFD800  }
0x70: {  	[spmem:s2] =	stream.indirect.scatter.add.f32 [tilespmem:s31], [sflag:$0x5], $0x80, s17, s29, $0xb8;
	v63 =	vld [tilespmem:$0x0]  }
0x71: {  	_ =	swait.ge [sflag:s26], $0x2800  }
0x72: {  	[sflag:s26] =	ssyncset.done $0x0  }
0x73: {  	s14 =	simm.s32 $0x280;
	[sflag:s26] =	ssyncadd.s32 $0xFFFFD800  }
0x74: {  	[tilespmem:s31], [sflag:$0x2] =	stream.indirect.gather [hbm4b:s5+s29], $0x80, s14, s29, $0xb8;
	v63 =	vld [tilespmem:$0x0]  }
0x75: {  	_ =	swait.ge [sflag:s18], $0x2800  }
0x76: {  	[sflag:s18] =	ssyncset.done $0x0  }
0x77: {  	s15 =	simm.s32 $0x1100;
	[sflag:s18] =	ssyncadd.s32 $0xFFFFD800  }
0x78: {  	[spmem:s2] =	stream.indirect.scatter.add.f32 [tilespmem:s3], [sflag:$0x5], $0x80, s15, s29, $0xb8;
	v63 =	vld [tilespmem:$0x0]  }
0x79: {  	_ =	swait.ge [sflag:s26], $0x2800  }
0x7a: {  	[sflag:s26] =	ssyncset.done $0x0  }
0x7b: {  	s16 =	simm.s32 $0x300;
	[sflag:s26] =	ssyncadd.s32 $0xFFFFD800  }
0x7c: {  	[tilespmem:s3], [sflag:$0x3] =	stream.indirect.gather [hbm4b:s5+s29], $0x80, s16, s29, $0xb8;
	v63 =	vld [tilespmem:$0x0]  }
0x7d: {  	_ =	swait.ge [sflag:s19], $0x2800  }
0x7e: {  	[sflag:s19] =	ssyncset.done $0x0  }
0x7f: {  	s17 =	simm.s32 $0x1180;
	[sflag:s19] =	ssyncadd.s32 $0xFFFFD800  }
0x80: {  	[spmem:s2] =	stream.indirect.scatter.add.f32 [tilespmem:s4], [sflag:$0x5], $0x80, s17, s29, $0xb8;
	v63 =	vld [tilespmem:$0x0]  }
0x81: {  	_ =	swait.ge [sflag:s26], $0x2800  }
0x82: {  	s13 =	simm.s32 $0x200;
	s14 =	simm.s32 $0x1000;
	[sflag:s26] =	ssyncset.done $0x0  }
.LBB2_5:
0x83: {  	s17 =	sadd.s32 $0x180, s13  }
0x84: {  	[sflag:s26] =	ssyncadd.s32 $0xFFFFD800;
	s15 =	smov.u32 s14;
	s16 =	sadd.s32 $0x800, s14  }
0x85: {  	[tilespmem:s4], [sflag:$0x4] =	stream.indirect.gather [hbm4b:s5+s29], $0x80, s17, s29, $0xb8;
	v63 =	vld [tilespmem:$0x0]  }
0x86: {  	p0 =	sne.s32 s14, $0x3000;
	_ =	swait.ge [sflag:s9], $0x2800  }
0x87: {  	[sflag:s9] =	ssyncset.done $0x0  }
0x88: {  	s14 =	sadd.s32 $0x1000, s13;
	[sflag:s9] =	ssyncadd.s32 $0xFFFFD800  }
0x89: {  	[spmem:s2] =	stream.indirect.scatter.add.f32 [tilespmem:s25], [sflag:$0x5], $0x80, s14, s29, $0xb8;
	v63 =	vld [tilespmem:$0x0]  }
0x8a: {  	_ =	swait.ge [sflag:s26], $0x2800  }
0x8b: {  	[sflag:s26] =	ssyncset.done $0x0  }
0x8c: {  	s14 =	sadd.s32 $0x200, s13;
	[sflag:s26] =	ssyncadd.s32 $0xFFFFD800  }
0x8d: {  	[tilespmem:s25], [sflag:$0x1] =	stream.indirect.gather [hbm4b:s5+s29], $0x80, s14, s29, $0xb8;
	v63 =	vld [tilespmem:$0x0]  }
0x8e: {  	_ =	swait.ge [sflag:s10], $0x2800  }
0x8f: {  	[sflag:s10] =	ssyncset.done $0x0  }
0x90: {  	s14 =	sadd.s32 $0x1080, s13;
	[sflag:s10] =	ssyncadd.s32 $0xFFFFD800  }
0x91: {  	[spmem:s2] =	stream.indirect.scatter.add.f32 [tilespmem:s31], [sflag:$0x5], $0x80, s14, s29, $0xb8;
	v63 =	vld [tilespmem:$0x0]  }
0x92: {  	_ =	swait.ge [sflag:s26], $0x2800  }
0x93: {  	[sflag:s26] =	ssyncset.done $0x0  }
0x94: {  	s14 =	sadd.s32 $0x280, s13;
	[sflag:s26] =	ssyncadd.s32 $0xFFFFD800  }
0x95: {  	[tilespmem:s31], [sflag:$0x2] =	stream.indirect.gather [hbm4b:s5+s29], $0x80, s14, s29, $0xb8;
	v63 =	vld [tilespmem:$0x0]  }
0x96: {  	_ =	swait.ge [sflag:s18], $0x2800  }
0x97: {  	[sflag:s18] =	ssyncset.done $0x0  }
0x98: {  	s14 =	sadd.s32 $0x1100, s13;
	[sflag:s18] =	ssyncadd.s32 $0xFFFFD800  }
0x99: {  	[spmem:s2] =	stream.indirect.scatter.add.f32 [tilespmem:s3], [sflag:$0x5], $0x80, s14, s29, $0xb8;
	v63 =	vld [tilespmem:$0x0]  }
0x9a: {  	_ =	swait.ge [sflag:s26], $0x2800  }
0x9b: {  	[sflag:s26] =	ssyncset.done $0x0  }
0x9c: {  	s14 =	sadd.s32 $0x300, s13;
	[sflag:s26] =	ssyncadd.s32 $0xFFFFD800  }
0x9d: {  	[tilespmem:s3], [sflag:$0x3] =	stream.indirect.gather [hbm4b:s5+s29], $0x80, s14, s29, $0xb8;
	v63 =	vld [tilespmem:$0x0]  }
0x9e: {  	_ =	swait.ge [sflag:s19], $0x2800  }
.Ltmp1:
0x9f: {  	[sflag:s19] =	ssyncset.done $0x0;
	(pc) =	sbr.rel @p0 .LBB2_5-.Ltmp1, $4  }
0xa0: {  	s13 =	sadd.s32 $0x1180, s13;
	[sflag:s19] =	ssyncadd.s32 $0xFFFFD800  }
0xa1: {  	[spmem:s2] =	stream.indirect.scatter.add.f32 [tilespmem:s4], [sflag:$0x5], $0x80, s13, s29, $0xb8;
	v63 =	vld [tilespmem:$0x0]  }
0xa2: {  	_ =	swait.ge [sflag:s26], $0x2800  }
0xa3: {  	s14 =	smov.u32 s16;
	s13 =	sshra.s32 s15, $0x2;
	[sflag:s26] =	ssyncset.done $0x0  }
0xa4: {  	s14 =	sadd.s32 $0x180, s13;
	[sflag:s26] =	ssyncadd.s32 $0xFFFFD800  }
0xa5: {  	[tilespmem:s4], [sflag:$0x4] =	stream.indirect.gather [hbm4b:s5+s29], $0x80, s14, s29, $0xb8;
	v63 =	vld [tilespmem:$0x0]  }
0xa6: {  	_ =	swait.ge [sflag:s9], $0x2800  }
0xa7: {  	[sflag:s9] =	ssyncset.done $0x0  }
0xa8: {  	s17 =	sadd.s32 $0x1000, s13;
	[sflag:s9] =	ssyncadd.s32 $0xFFFFD800  }
0xa9: {  	[spmem:s2] =	stream.indirect.scatter.add.f32 [tilespmem:s25], [sflag:$0x5], $0x80, s17, s29, $0xb8;
	v63 =	vld [tilespmem:$0x0]  }
0xaa: {  	_ =	swait.ge [sflag:s26], $0x2800  }
0xab: {  	[sflag:s26] =	ssyncset.done $0x0  }
0xac: {  	s15 =	sadd.s32 $0x200, s13;
	[sflag:s26] =	ssyncadd.s32 $0xFFFFD800  }
0xad: {  	[tilespmem:s25], [sflag:$0x1] =	stream.indirect.gather [hbm4b:s5+s29], $0x80, s15, s29, $0xb8;
	v63 =	vld [tilespmem:$0x0]  }
0xae: {  	_ =	swait.ge [sflag:s10], $0x2800  }
0xaf: {  	[sflag:s10] =	ssyncset.done $0x0  }
0xb0: {  	s16 =	sadd.s32 $0x1080, s13;
	[sflag:s10] =	ssyncadd.s32 $0xFFFFD800  }
0xb1: {  	[spmem:s2] =	stream.indirect.scatter.add.f32 [tilespmem:s31], [sflag:$0x5], $0x80, s16, s29, $0xb8;
	v63 =	vld [tilespmem:$0x0]  }
0xb2: {  	_ =	swait.ge [sflag:s26], $0x2800  }
0xb3: {  	[sflag:s26] =	ssyncset.done $0x0  }
0xb4: {  	s17 =	sadd.s32 $0x280, s13;
	[sflag:s26] =	ssyncadd.s32 $0xFFFFD800  }
0xb5: {  	[tilespmem:s31], [sflag:$0x2] =	stream.indirect.gather [hbm4b:s5+s29], $0x80, s17, s29, $0xb8;
	v63 =	vld [tilespmem:$0x0]  }
0xb6: {  	_ =	swait.ge [sflag:s18], $0x2800  }
0xb7: {  	[sflag:s18] =	ssyncset.done $0x0  }
0xb8: {  	s15 =	sadd.s32 $0x1100, s13;
	[sflag:s18] =	ssyncadd.s32 $0xFFFFD800  }
0xb9: {  	[spmem:s2] =	stream.indirect.scatter.add.f32 [tilespmem:s3], [sflag:$0x5], $0x80, s15, s29, $0xb8;
	v63 =	vld [tilespmem:$0x0]  }
0xba: {  	_ =	swait.ge [sflag:s26], $0x2800  }
0xbb: {  	[sflag:s26] =	ssyncset.done $0x0  }
0xbc: {  	s16 =	sadd.s32 $0x300, s13;
	[sflag:s26] =	ssyncadd.s32 $0xFFFFD800  }
0xbd: {  	[tilespmem:s3], [sflag:$0x3] =	stream.indirect.gather [hbm4b:s5+s29], $0x80, s16, s29, $0xb8;
	v63 =	vld [tilespmem:$0x0]  }
0xbe: {  	_ =	swait.ge [sflag:s19], $0x2800  }
0xbf: {  	[sflag:s19] =	ssyncset.done $0x0  }
0xc0: {  	s17 =	sadd.s32 $0x1180, s13;
	[sflag:s19] =	ssyncadd.s32 $0xFFFFD800  }
0xc1: {  	[spmem:s2] =	stream.indirect.scatter.add.f32 [tilespmem:s4], [sflag:$0x5], $0x80, s17, s29, $0xb8;
	v63 =	vld [tilespmem:$0x0]  }
0xc2: {  	_ =	swait.ge [sflag:s26], $0x2800  }
0xc3: {  	[sflag:s26] =	ssyncset.done $0x0  }
0xc4: {  	[sflag:s26] =	ssyncadd.s32 $0xFFFFD800  }
0xc5: {  	[tilespmem:s4], [sflag:$0x4] =	stream.indirect.gather [hbm4b:s5+s29], $0x80, s20, s29, $0xb8;
	v63 =	vld [tilespmem:$0x0]  }
0xc6: {  	_ =	swait.ge [sflag:s9], $0x2800  }
0xc7: {  	[sflag:s9] =	ssyncset.done $0x0  }
0xc8: {  	[sflag:s9] =	ssyncadd.s32 $0xFFFFD800  }
0xc9: {  	[spmem:s2] =	stream.indirect.scatter.add.f32 [tilespmem:s25], [sflag:$0x5], $0x80, s21, s29, $0xb8;
	v63 =	vld [tilespmem:$0x0]  }
0xca: {  	_ =	swait.ge [sflag:s26], $0x2800  }
0xcb: {  	[sflag:s26] =	ssyncset.done $0x0  }
0xcc: {  	[sflag:s26] =	ssyncadd.s32 $0xFFFFD800  }
0xcd: {  	_ =	swait.ge [sflag:s10], $0x2800  }
0xce: {  	[sflag:s10] =	ssyncset.done $0x0  }
0xcf: {  	[sflag:s10] =	ssyncadd.s32 $0xFFFFD800  }
0xd0: {  	[spmem:s2] =	stream.indirect.scatter.add.f32 [tilespmem:s31], [sflag:$0x5], $0x80, s22, s29, $0xb8;
	v63 =	vld [tilespmem:$0x0]  }
0xd1: {  	_ =	swait.ge [sflag:s26], $0x2800  }
0xd2: {  	[sflag:s26] =	ssyncset.done $0x0  }
0xd3: {  	[sflag:s26] =	ssyncadd.s32 $0xFFFFD800  }
0xd4: {  	_ =	swait.ge [sflag:s18], $0x2800  }
0xd5: {  	[sflag:s18] =	ssyncset.done $0x0  }
0xd6: {  	[sflag:s18] =	ssyncadd.s32 $0xFFFFD800  }
0xd7: {  	[spmem:s2] =	stream.indirect.scatter.add.f32 [tilespmem:s3], [sflag:$0x5], $0x80, s23, s29, $0xb8;
	v63 =	vld [tilespmem:$0x0]  }
0xd8: {  	_ =	swait.ge [sflag:s26], $0x2800  }
0xd9: {  	[sflag:s26] =	ssyncset.done $0x0  }
0xda: {  	[sflag:s26] =	ssyncadd.s32 $0xFFFFD800  }
0xdb: {  	s12 =	sadd.s32 $0x1, s12;
	_ =	swait.ge [sflag:s19], $0x2800  }
0xdc: {  	p0 =	sne.s32 s12, $0x4;
	[sflag:s19] =	ssyncset.done $0x0  }
.Ltmp2:
0xdd: {  	[sflag:s19] =	ssyncadd.s32 $0xFFFFD800;
	(pc) =	sbr.rel @p0 .LBB2_4-.Ltmp2, $4  }
0xde: {  	[spmem:s2] =	stream.indirect.scatter.add.f32 [tilespmem:s4], [sflag:$0x5], $0x80, s24, s29, $0xb8;
	v63 =	vld [tilespmem:$0x0]  }
0xdf: {  	_ =	swait.ge [sflag:s26], $0x2800  }
0xe0: {  	[sflag:s26] =	ssyncset.done $0x0  }
0xe1: {  	[sflag:s26] =	ssyncadd.s32 $0xFFFFD800  }
0xe2: {  	s11 =	stileid.u32;
	[bflag:$0x0] =	sbarrier.arrive $0xFFFF  }
0xe3: {  	s11 =	sshll.u32 s11, $0x6;
	s16 =	rddreg [dreg:$0x4]  }
0xe4: {  	s13 =	rddreg [dreg:$0x5];
	s11 =	sor.u32 $0x1C05, s11;
	s12 =	sshrl.u32 s16, $0x3  }
0xe5: {  	[hbm:s13], [sflag:s11] =	dma.local [spmem:s12], $0x500  }
0xe6: {  	_ =	swait.ge [sflag:s26], $0x500  }
0xe7: {  	[sflag:s26] =	ssyncset.done $0x0;
	s17 =	rddreg [dreg:$0x7]  }
0xe8: {  	s15 =	rddreg [dreg:$0xe];
	[sflag:s26] =	ssyncadd.s32 $0xFFFFFB00;
	s14 =	sshrl.u32 s17, $0x3  }
0xe9: {  	[hbm:s15], [sflag:s11] =	dma.local [spmem:s14], $0x500  }
0xea: {  	_ =	swait.ge [sflag:s26], $0x500  }
0xeb: {  	[sflag:s26] =	ssyncset.done $0x0;
	s14 =	rddreg [dreg:$0x8]  }
0xec: {  	s15 =	rddreg [dreg:$0xf];
	[sflag:s26] =	ssyncadd.s32 $0xFFFFFB00;
	s12 =	sshrl.u32 s14, $0x3  }
0xed: {  	[hbm:s15], [sflag:s11] =	dma.local [spmem:s12], $0x500  }
0xee: {  	_ =	swait.ge [sflag:s26], $0x500  }
0xef: {  	[sflag:s26] =	ssyncset.done $0x0;
	s14 =	rddreg [dreg:$0x9]  }
0xf0: {  	s15 =	rddreg [dreg:$0x10];
	[sflag:s26] =	ssyncadd.s32 $0xFFFFFB00;
	s12 =	sshrl.u32 s14, $0x3  }
0xf1: {  	[hbm:s15], [sflag:s11] =	dma.local [spmem:s12], $0x500  }
0xf2: {  	_ =	swait.ge [sflag:s26], $0x500  }
0xf3: {  	[sflag:s26] =	ssyncset.done $0x0;
	s14 =	rddreg [dreg:$0xa]  }
0xf4: {  	s15 =	rddreg [dreg:$0x11];
	[sflag:s26] =	ssyncadd.s32 $0xFFFFFB00;
	s12 =	sshrl.u32 s14, $0x3  }
0xf5: {  	[hbm:s15], [sflag:s11] =	dma.local [spmem:s12], $0x500  }
0xf6: {  	_ =	swait.ge [sflag:s26], $0x500  }
0xf7: {  	[sflag:s26] =	ssyncset.done $0x0;
	s14 =	rddreg [dreg:$0xb]  }
0xf8: {  	s15 =	rddreg [dreg:$0x12];
	[sflag:s26] =	ssyncadd.s32 $0xFFFFFB00;
	s12 =	sshrl.u32 s14, $0x3  }
0xf9: {  	[hbm:s15], [sflag:s11] =	dma.local [spmem:s12], $0x500  }
0xfa: {  	_ =	swait.ge [sflag:s26], $0x500  }
0xfb: {  	[sflag:s26] =	ssyncset.done $0x0;
	s15 =	rddreg [dreg:$0xc]  }
0xfc: {  	s14 =	rddreg [dreg:$0x13];
	[sflag:s26] =	ssyncadd.s32 $0xFFFFFB00;
	s13 =	sshrl.u32 s15, $0x3  }
0xfd: {  	[hbm:s14], [sflag:s11] =	dma.local [spmem:s13], $0x500  }
0xfe: {  	_ =	swait.ge [sflag:s26], $0x500  }
0xff: {  	[sflag:s26] =	ssyncset.done $0x0;
	s13 =	rddreg [dreg:$0xd]  }
0x100: {  	s14 =	rddreg [dreg:$0x14];
	[sflag:s26] =	ssyncadd.s32 $0xFFFFFB00;
	s12 =	sshrl.u32 s13, $0x3  }
0x101: {  	[hbm:s14], [sflag:s11] =	dma.local [spmem:s12], $0x500  }
0x102: {  	_ =	swait.ge [sflag:s26], $0x500  }
0x103: {  	s8 =	sadd.s32 $0x1, s8;
	s14 =	rddreg [dreg:$0x6]  }
0x104: {  	p0 =	sne.s32 s8, s14  }
.Ltmp3:
0x105: {  	_ = 	snop;
	(pc) =	sbr.rel @p0 .LBB2_1-.Ltmp3, $3  }
0x106: {  	_ =	sdelay $0x1  }
0x107: {  	[sflag:s26] =	ssyncset.done $0x0  }
0x108: {  	[sflag:s26] =	ssyncadd.s32 $0xFFFFFB00  }
0x109: {  	_ =	sfence.sel $0x180000  }
0x10a: {  	[bflag:$0x0] =	sbarrier.arrive $0xFFFF  }
0x10b: {  	_ =	strace $0x9000004D  }
0x10c: {  	s0 =	stileid.u32;
	[bflag:$0x2] =	sbarrier.arrive $0xFFFF  }
0x10d: {  	p0 =	sne.s32 s0, $0x0;
	s0 =	rddreg [dreg:$0x3]  }
0x10e: {  	s0 =	sadd.s32 @!p0 $0x100000, s0  }
0x10f: {  	[sflag:s0] =	ssyncadd.tile.s32 @!p0 $0x1;
	_ =	shalt  }
.Lfunc_end2:
_tile_overlayer_lowered:
.L_overlay_start_2:
0x110: {  	(tag) =	ssettag $0x2  }
0x111: {  	s0 =	rddreg [dreg:$0x0];
	s2 =	stileid.u32  }
0x112: {  	s1 =	rddreg [dreg:$0x1];
	p0 =	sne.s32 s2, $0x0  }
0x113: {  	s3 =	rddreg [dreg:$0x2];
	[bflag:$0x3] =	sbarrier.arrive $0xFFFF;
	s2 =	simm.s32 @!p0 $0x1C05  }
0x114: {  	[timem:s3], [sflag:s2] =	dma.local @!p0 [hbm:s0], s1  }
0x115: {  	s0 =	simm.s32 @!p0 $0x5  }
0x116: {  	_ =	swait.ge @!p0 [sflag:s0], s1  }
0x117: {  	s1 =	ssub.s32 @!p0 $0x0, s1;
	[sflag:s0] =	ssyncset.done @!p0 $0x0  }
0x118: {  	[sflag:s0] =	ssyncadd.s32 @!p0 s1  }
0x119: {  	[bflag:$0x3] =	sbarrier.arrive $0xFFFF  }
0x11a: {  	_ =	shalt  }

// kernel: kernel.19.cloned.1.call-start
scs
__scs_entry_jumppad:
0x0: {  	(pc) =	sbr.rel $0x88, $3  }
0x1: {  	(tag) =	ssettag $0x0;
	lr =	simm.s32 $0x1  }
0x2: {  	[smem:$0x3F99] =	sst lr;
	_ =	strace $0xD0000000  }
0x3: {  	_ = 	snop  }
0x4: {  	_ = 	snop  }
0x5: {  	_ = 	snop  }
0x6: {  	_ = 	snop  }
0x7: {  	_ = 	snop  }
__scs_overlays_trampoline_lowered:
0x8: {  	[smem:$0x3FA8] =	sst s0  }
0x9: {  	[smem:$0x3FA9] =	sst s1  }
0xa: {  	[smem:$0x3FAA] =	sst s2  }
0xb: {  	[smem:$0x3FAB] =	sst s3  }
0xc: {  	[smem:$0x3FAC] =	sst s4  }
0xd: {  	[smem:$0x3FAD] =	sst s5  }
0xe: {  	[smem:$0x3FAE] =	sst s6  }
0xf: {  	[smem:$0x3FAF] =	sst s7  }
0x10: {  	[smem:$0x3FB0] =	sst s8  }
0x11: {  	[smem:$0x3FB1] =	sst s9;
	s0 =	simm.s32 @!p0 $0x0  }
0x12: {  	s1 =	sld [smem:$0x3F97];
	s0 =	simm.s32 @p0 $0x1  }
0x13: {  	[smem:$0x3FB2] =	sst s0;
	s0 =	simm.s32 @!p1 $0x0  }
0x14: {  	s2 =	sld [smem:$0x3F96];
	s0 =	simm.s32 @p1 $0x1  }
0x15: {  	[smem:$0x3FB3] =	sst s0;
	s0 =	simm.s32 @!p2 $0x0  }
0x16: {  	s3 =	sld [smem:$0x3FDB];
	s0 =	simm.s32 @p2 $0x1  }
0x17: {  	s4 =	simm.s32 $0x1BF5;
	[smem:$0x3FB5] =	sst s0  }
0x18: {  	s0 =	sld [smem:$0x3F98];
	_ =	swait.ge [sflag:s4], $0x0  }
0x19: {  	s7 =	sld [smem:$0x3F99]  }
0x1a: {  	s8 =	sadd.s32 $0xFFFFE003, lr  }
0x1b: {  	s9 =	sadd.s32 $0xFFFFFEF7, lr;
	s5 =	simm.s32 $0xFFFFFFFF;
	p2 =	slt.u32 s8, $0xFFFFF086  }
0x1c: {  	p1 =	slt.u32 s9, $0xF7A;
	s5 =	simm.s32 @!p2 $0x0  }
0x1d: {  	s5 =	simm.s32 @p1 $0x1;
	p0 =	seq.s32 s7, s2  }
0x1e: {  	s7 =	smul.u32 @!p0 $0xF7A, s2;
	p2 =	seq.s32 @!p0 s5, $0x0  }
0x1f: {  	s9 =	smul.u32 $0xF7A, s1;
	s8 =	simm.s32 @!p0 $0x1BF5;
	p2 =	por !p2, p0  }
0x20: {  	[sflag:s8] =	ssyncset.s32 @!p0 $0xFFFFF086;
	s6 =	sadd.s32 @!p0 s3, s7;
	s7 =	simm.s32 @!p0 $0x108  }
0x21: {  	s3 =	sadd.s32 s3, s9;
	s6 =	sadd.s32 @!p0 $0x88, s6;
	s7 =	simm.s32 @p2 $0x1082  }
0x22: {  	[simem:s7], [sflag:s8] =	dma.local @!p0 [hbm:s6], $0xF7A  }
0x23: {  	s9 =	sor.u32 $0xD0000000, s2;
	s6 =	simm.s32 $0x108;
	_ =	swait.ge @!p0 [sflag:s8], $0x0  }
0x24: {  	s3 =	sadd.s32 $0x88, s3;
	s6 =	simm.s32 @!p1 $0x1082;
	[sflag:s4] =	ssyncset.s32 $0xFFFFF086  }
0x25: {  	[simem:s6], [sflag:s4] =	dma.local [hbm:s3], $0xF7A  }
0x26: {  	[smem:$0x3F99] =	sst s1;
	(tag) =	ssettag s2;
	_ =	strace s9  }
0x27: {  	s1 =	sld [smem:$0x3FA9]  }
0x28: {  	s2 =	sld [smem:$0x3FAA]  }
0x29: {  	s4 =	sld [smem:$0x3FAC]  }
0x2a: {  	p0 =	seq.s32 s5, $0x0;
	s5 =	sld [smem:$0x3FAD]  }
0x2b: {  	s6 =	sld [smem:$0x3FAE]  }
0x2c: {  	s7 =	sld [smem:$0x3FAF]  }
0x2d: {  	s3 =	simm.s32 $0x108;
	s8 =	sld [smem:$0x3FB0]  }
0x2e: {  	s3 =	simm.s32 @!p0 $0x1082;
	s9 =	sld [smem:$0x3FB1]  }
0x2f: {  	lr =	sadd.s32 s0, s3;
	s0 =	sld [smem:$0x3FA8]  }
0x30: {  	s3 =	sld [smem:$0x3FAB]  }
0x31: {  	[smem:$0x3FB4] =	sst s10  }
0x32: {  	s10 =	sld [smem:$0x3FB2];
	_ =	sdelay $0x3  }
0x33: {  	p0 =	seq.s32 s10, $0x1;
	s10 =	sld [smem:$0x3FB4];
	_ =	sdelay $0x3  }
0x34: {  	[smem:$0x3FB4] =	sst s10  }
0x35: {  	s10 =	sld [smem:$0x3FB3];
	_ =	sdelay $0x3  }
0x36: {  	p1 =	seq.s32 s10, $0x1;
	s10 =	sld [smem:$0x3FB4];
	_ =	sdelay $0x3  }
0x37: {  	[smem:$0x3FB4] =	sst s10  }
0x38: {  	s10 =	sld [smem:$0x3FB5]  }
0x39: {  	_ = 	snop;
	(pc) =	sbr.ind lr, $3  }
0x3a: {  	_ = 	snop  }
0x3b: {  	_ = 	snop  }
0x3c: {  	p2 =	seq.s32 s10, $0x1;
	s10 =	sld [smem:$0x3FB4]  }
0x3d: {  	_ =	shalt  }
0x3e: {  	_ =	shalt  }
0x3f: {  	_ =	shalt  }
0x40: {  	_ =	shalt  }
0x41: {  	_ =	shalt  }
0x42: {  	_ =	shalt  }
0x43: {  	_ =	shalt  }
0x44: {  	_ =	shalt  }
0x45: {  	_ =	shalt  }
0x46: {  	_ =	shalt  }
0x47: {  	_ =	shalt  }
0x48: {  	_ =	shalt  }
0x49: {  	_ =	shalt  }
0x4a: {  	_ =	shalt  }
0x4b: {  	_ =	shalt  }
0x4c: {  	_ =	shalt  }
0x4d: {  	_ =	shalt  }
0x4e: {  	_ =	shalt  }
0x4f: {  	_ =	shalt  }
0x50: {  	_ =	shalt  }
0x51: {  	_ =	shalt  }
0x52: {  	_ =	shalt  }
0x53: {  	_ =	shalt  }
0x54: {  	_ =	shalt  }
0x55: {  	_ =	shalt  }
0x56: {  	_ =	shalt  }
0x57: {  	_ =	shalt  }
0x58: {  	_ =	shalt  }
0x59: {  	_ =	shalt  }
0x5a: {  	_ =	shalt  }
0x5b: {  	_ =	shalt  }
0x5c: {  	_ =	shalt  }
0x5d: {  	_ =	shalt  }
0x5e: {  	_ =	shalt  }
0x5f: {  	_ =	shalt  }
0x60: {  	_ =	shalt  }
0x61: {  	_ =	shalt  }
0x62: {  	_ =	shalt  }
0x63: {  	_ =	shalt  }
0x64: {  	_ =	shalt  }
0x65: {  	_ =	shalt  }
0x66: {  	_ =	shalt  }
0x67: {  	_ =	shalt  }
0x68: {  	_ =	shalt  }
0x69: {  	_ =	shalt  }
0x6a: {  	_ =	shalt  }
0x6b: {  	_ =	shalt  }
0x6c: {  	_ =	shalt  }
0x6d: {  	_ =	shalt  }
0x6e: {  	_ =	shalt  }
0x6f: {  	_ =	shalt  }
0x70: {  	_ =	shalt  }
0x71: {  	_ =	shalt  }
0x72: {  	_ =	shalt  }
0x73: {  	_ =	shalt  }
0x74: {  	_ =	shalt  }
0x75: {  	_ =	shalt  }
0x76: {  	_ =	shalt  }
0x77: {  	_ =	shalt  }
0x78: {  	_ =	shalt  }
0x79: {  	_ =	shalt  }
0x7a: {  	_ =	shalt  }
0x7b: {  	_ =	shalt  }
0x7c: {  	_ =	shalt  }
0x7d: {  	_ =	shalt  }
0x7e: {  	_ =	shalt  }
0x7f: {  	_ =	shalt  }
0x80: {  	_ =	shalt  }
0x81: {  	_ =	shalt  }
0x82: {  	_ =	shalt  }
0x83: {  	_ =	shalt  }
0x84: {  	_ =	shalt  }
0x85: {  	_ =	shalt  }
0x86: {  	_ =	shalt  }
0x87: {  	_ =	shalt  }
.Lfunc_end0:
.L_simem_size_0:
called_computation.3_lowered:
.L_overlay_start_0:
0x88: {  	s2 =	sld [smem:$0x3FD9]  }
0x89: {  	s3 =	sld [smem:$0x3FFE];
	_ =	sdelay $0x1  }
0x8a: {  	s1 =	srdreg.scid  }
0x8b: {  	s0 =	sand.u32 $0x1, s1  }
0x8c: {  	s17 =	sshll.u32 s0, $0xA;
	s2 =	sadd.s32 s3, s2  }
0x8d: {  	s2 =	sadd.s32 s2, s17  }
0x8e: {  	[smem:$0x3FC0] =	sst s2  }
0x8f: {  	_ = 	snop  }
0x90: {  	s2 =	sld [smem:$0x3FD0];
	(tm) =	ssettm $0x1  }
0x91: {  	s18 =	sld [smem:$0x3FFB];
	_ =	sdelay $0x3  }
0x92: {  	_ =	strace s18  }
0x93: {  	s3 =	sld [smem:$0x3FFC];
	_ =	sdelay $0x3  }
0x94: {  	_ =	strace s3  }
0x95: {  	s3 =	sld [smem:$0x3FFD];
	_ =	sdelay $0x3  }
0x96: {  	_ =	strace s3  }
0x97: {  	_ =	strace $0x8FFFFFFF  }
0x98: {  	s19 =	sld [smem:$0x3FDB];
	_ =	sdelay $0x1  }
0x99: {  	s4 =	simm.s32 $_scs_section_size  }
0x9a: {  	s5 =	simm.s32 $_size__tile_overlayer_lowered;
	s6 =	simm.s32 $_tile_overlayer_lowered  }
0x9b: {  	s22 =	simm.s32 $0x1BFF;
	s21 =	sshll.u32 s6, $0x1;
	s3 =	sadd.s32 s4, s19  }
0x9c: {  	s7 =	simm.s32 $0x0;
	s20 =	sshll.u32 s5, $0x1;
	s5 =	sadd.s32 s21, s3  }
0x9d: {  	[timem:s7], [sflag:s22] =	dma.local [hbm:s5], s20  }
0x9e: {  	_ =	swait.ge [sflag:s22], s20  }
0x9f: {  	s4 =	ssub.s32 $0x0, s20;
	[sflag:s22] =	ssyncset.done $0x0  }
0xa0: {  	[sflag:s22] =	ssyncadd.s32 s4;
	_ =	sdelay $0x1  }
0xa1: {  	s23 =	simm.s32 $0x1B8B  }
0xa2: {  	_ =	swait.ge [sflag:s23], $0x1  }
0xa3: {  	[sflag:s23] =	ssyncset.done $0x0  }
0xa4: {  	s25 =	simm.s32 $0x1B8E;
	s24 =	sld [smem:$0x3FFE];
	[sflag:s23] =	ssyncadd.s32 $0xFFFFFFFF  }
0xa5: {  	s26 =	simm.s32 $execute0_lowered;
	[smem:$0x3FD2] =	sst s25  }
0xa6: {  	s5 =	sshll.u32 s26, $0x1;
	_ =	strace $0x8000004F;
	[dreg:$0x1] =	wrdreg $0xFFFFFFFF  }
0xa7: {  	s28 =	simm.s32 $_size_execute0_lowered;
	s3 =	sadd.s32 s3, s5;
	[dreg:$0x0] =	wrdreg $0x0  }
0xa8: {  	s5 =	sshll.u32 s28, $0x1;
	[dreg:$0x2] =	wrdreg s3  }
0xa9: {  	[dreg:$0x3] =	wrdreg s5  }
0xaa: {  	[dreg:$0x4] =	wrdreg $0xC0  }
0xab: {  	_ =	task [dreg:s7], $0x5FFFF  }
0xac: {  	[dreg:$0x1] =	wrdreg $0xFFFFFFFF  }
0xad: {  	[dreg:$0x0] =	wrdreg $0x60  }
0xae: {  	[dreg:$0x2] =	wrdreg s24  }
0xaf: {  	[dreg:$0x3] =	wrdreg s2  }
0xb0: {  	[dreg:$0x4] =	wrdreg $0xC0000  }
0xb1: {  	[dreg:$0x5] =	wrdreg $0x9  }
0xb2: {  	_ =	task.clear_ibuf [dreg:s7], $0x6FFFF;
	_ =	strace $0x9000004F  }
0xb3: {  	s29 =	simm.s32 $0x9;
	_ =	strace $0x80000051  }
0xb4: {  	_ =	swait.ge [sflag:s29], $0x1  }
0xb5: {  	[sflag:s29] =	ssyncadd.s32 $0xFFFFFFFF  }
0xb6: {  	_ =	strace $0x90000051  }
0xb7: {  	_ =	sfence  }
0xb8: {  	s30 =	sld [smem:$0x0];
	_ =	sdelay $0x2  }
0xb9: {  	s31 =	sshll.u32 s1, $0xD;
	s1 =	sshrl.u32 s1, $0x2  }
0xba: {  	s3 =	sand.u32 $0x4000, s31;
	s1 =	sadd.s32 s1, s30  }
0xbb: {  	s0 =	sor.u32 s3, s0;
	s1 =	sshll.u32 s1, $0x11  }
0xbc: {  	s0 =	sor.u32 s1, s0  }
0xbd: {  	s0 =	sadd.s32 $0x8F2B, s0  }
0xbe: {  	[sflag:s0] =	ssyncadd.remote.s32 $0x1  }
0xbf: {  	_ =	sfence.sel $0xFFFF  }
0xc0: {  	[dreg:$0x0] =	wrdreg $0xFFFFFFFF;
	(pc) =	sbr.abs _section_cstart, $3  }
0xc1: {  	[dreg:$0x1] =	wrdreg $0xFFFFFFFF  }
0xc2: {  	_ =	task.clear_ibuf [dreg:s7], $0x2FFFF;
	_ =	strace $0x9FFFFFFF  }
0xc3: {  	(tm) =	ssettm $0x7FFFFFFF  }
tec
execute0_lowered:
.L_overlay_start_1:
0x0: {  	(tag) =	ssettag $0x1  }
0x1: {  	s0 =	rddreg [dreg:$0x0]  }
0x2: {  	s1 =	rddreg [dreg:$0x1]  }
0x3: {  	s2 =	rddreg [dreg:$0x2]  }
0x4: {  	s3 =	simm.s32 $0x0;
	s12 =	srdreg.scid;
	s11 =	stileid.u32  }
0x5: {  	s28 =	simm.s32 $0x1000;
	s29 =	simm.s32 $0x50;
	s30 =	simm.s32 $0x80  }
0x6: {  	s31 =	simm.s32 $0x4800;
	[smem:$0x7FF] =	sst s3;
	s3 =	sand.u32 $0x1, s12  }
0x7: {  	s4 =	smul.u32 $0x280, s11;
	s5 =	sadd.s32 $0x13000, s0;
	s6 =	sadd.s32 $0x3000, s0  }
0x8: {  	s10 =	smul.u32 $0x50000, s11;
	s0 =	sadd.s32 $0x3B000, s0;
	s13 =	sshll.u32 s11, $0x2  }
0x9: {  	_ =	strace $0x80000050;
	s7 =	ssub.s32 $0x2, s3;
	s8 =	smul.u32 $0x2800, s3  }
0xa: {  	s3 =	sshll.u32 s3, $0x6;
	s9 =	sshrl.u32 s7, $0x1;
	s10 =	sshrl.u32 s10, $0x2  }
0xb: {  	s18 =	sor.u32 $0x50, s4;
	s20 =	sadd.s32 $0xA0, s4;
	s21 =	sadd.s32 $0xF0, s4  }
0xc: {  	s24 =	sadd.s32 $0x140, s4;
	s9 =	ssub.s32 s7, s9;
	s14 =	sadd.s32 s8, s4  }
0xd: {  	s7 =	sor.u32 s13, s3;
	s16 =	sadd.s32 s10, s2;
	s19 =	sshll.u32 s18, $0x7  }
0xe: {  	s22 =	sshll.u32 s20, $0x7;
	s12 =	sshll.u32 s21, $0x7;
	s25 =	sshll.u32 s24, $0x7  }
0xf: {  	s13 =	sadd.s32 $0x190, s4;
	s10 =	sadd.s32 s8, s20;
	s11 =	sadd.s32 s8, s21  }
0x10: {  	s15 =	sshll.u32 s14, $0x4;
	s17 =	smax.u32 s9, $0x1;
	s9 =	sadd.s32 s22, s2  }
0x11: {  	s23 =	sadd.s32 s12, s2;
	s14 =	sadd.s32 $0x1E0, s4;
	[dreg:$0x4] =	wrdreg s16  }
0x12: {  	s12 =	sadd.s32 s25, s2;
	s26 =	sshll.u32 s13, $0x7;
	[dreg:$0x6] =	wrdreg s17  }
0x13: {  	s4 =	sadd.s32 $0x230, s4;
	s20 =	sshll.u32 s10, $0x4;
	[dreg:$0x8] =	wrdreg s9  }
0x14: {  	s21 =	sshll.u32 s11, $0x4;
	s10 =	simm.s32 $0x2;
	[dreg:$0x9] =	wrdreg s23  }
0x15: {  	s3 =	sadd.s32 s0, s15;
	s17 =	sadd.s32 s19, s2;
	[dreg:$0xa] =	wrdreg s12  }
0x16: {  	s15 =	sshll.u32 s14, $0x7;
	s12 =	sadd.s32 s26, s2;
	[dreg:$0x5] =	wrdreg s3  }
0x17: {  	s9 =	sadd.s32 s8, s24;
	s19 =	sadd.s32 s8, s14;
	[dreg:$0xb] =	wrdreg s12  }
0x18: {  	s15 =	sadd.s32 s15, s2;
	s3 =	sadd.s32 s8, s18;
	s18 =	sadd.s32 s8, s13  }
0x19: {  	s8 =	sadd.s32 s8, s4;
	s4 =	sshll.u32 s4, $0x7;
	s22 =	sshll.u32 s9, $0x4  }
0x1a: {  	s25 =	sshll.u32 s19, $0x4;
	s9 =	simm.s32 $0x1;
	s19 =	simm.s32 $0x4  }
0x1b: {  	[dreg:$0x7] =	wrdreg s17;
	s3 =	sshll.u32 s3, $0x4;
	s4 =	sadd.s32 s4, s2  }
0x1c: {  	s23 =	sadd.s32 s0, s22;
	s24 =	sshll.u32 s18, $0x4;
	s26 =	sshll.u32 s8, $0x4  }
0x1d: {  	s18 =	simm.s32 $0x3;
	s22 =	simm.s32 $0x1E80;
	[dreg:$0xc] =	wrdreg s15  }
0x1e: {  	s8 =	simm.s32 $0x0;
	[dreg:$0xd] =	wrdreg s4;
	s3 =	sadd.s32 s0, s3  }
0x1f: {  	[dreg:$0x11] =	wrdreg s23;
	s4 =	simm.s32 $0x9800;
	s23 =	simm.s32 $0x1F00  }
0x20: {  	[dreg:$0xe] =	wrdreg s3;
	s3 =	sadd.s32 s0, s20;
	s20 =	simm.s32 $0xF80  }
0x21: {  	[dreg:$0xf] =	wrdreg s3;
	s3 =	sadd.s32 s0, s21;
	s21 =	simm.s32 $0x1E00  }
0x22: {  	[dreg:$0x10] =	wrdreg s3;
	s3 =	sadd.s32 s0, s24;
	s24 =	simm.s32 $0x1F80  }
0x23: {  	[dreg:$0x12] =	wrdreg s3;
	s3 =	sadd.s32 s0, s25;
	s0 =	sadd.s32 s0, s26  }
0x24: {  	s25 =	simm.s32 $0x2000;
	s26 =	simm.s32 $0x5;
	[dreg:$0x13] =	wrdreg s3  }
0x25: {  	v0 =	vimm.f32 $0.0e+00;
	[dreg:$0x14] =	wrdreg s0;
	s0 =	simm.s32 $0x100;
	s3 =	simm.s32 $0x7000  }
.LBB2_1:
0x26: {  	s12 =	simm.s32 $0x0  }
0x27: {  	s11 =	sand.u32 $0xFE00, s12  }
0x28: {  	s12 =	sand.u32 $0x70, s12;
	s13 =	sshrl.u32 s11, $0x2  }
0x29: {  	s11 =	simm.s32 $0x40;
	s13 =	sor.u32 s12, s13;
	s12 =	simm.s32 $0x0  }
.LBB2_2:
0x2a: {  	p0 =	sne.s32 s11, $0x9FC0  }
0x2b: {  	[tilespmem:s13+$0x2000] =	vst v0;
	s12 =	sadd.s32 $0x10, s12;
	s13 =	smov.u32 s11;
	s11 =	sadd.s32 $0x40, s11  }
.Ltmp0:
0x2c: {  	(pc) =	sbr.rel @p0 .LBB2_2-.Ltmp0, $4  }
0x2d: {  	_ = 	snop  }
0x2e: {  	s13 =	sand.u32 $0xFE00, s13  }
0x2f: {  	s14 =	sand.u32 $0x70, s12;
	s13 =	sshrl.u32 s13, $0x2  }
0x30: {  	s13 =	sor.u32 s14, s13  }
0x31: {  	[tilespmem:s13+$0x2000] =	vst v0  }
0x32: {  	[spmem:s16] =	stream.linear.scatter [tilespmem:s25], [sflag:$0x5], $0x2800, $0x38;
	v63 =	vld [tilespmem:$0x0]  }
0x33: {  	_ =	swait.ge [sflag:s26], $0x2800  }
0x34: {  	[sflag:s26] =	ssyncset.done $0x0  }
0x35: {  	[sflag:s26] =	ssyncadd.s32 $0xFFFFD800  }
0x36: {  	[spmem:s17] =	stream.linear.scatter [tilespmem:s25], [sflag:$0x5], $0x2800, $0x38;
	v63 =	vld [tilespmem:$0x0]  }
0x37: {  	_ =	swait.ge [sflag:s26], $0x2800  }
0x38: {  	[sflag:s26] =	ssyncset.done $0x0  }
0x39: {  	s11 =	rddreg [dreg:$0x8];
	[sflag:s26] =	ssyncadd.s32 $0xFFFFD800  }
0x3a: {  	[spmem:s11] =	stream.linear.scatter [tilespmem:s25], [sflag:$0x5], $0x2800, $0x38;
	v63 =	vld [tilespmem:$0x0]  }
0x3b: {  	_ =	swait.ge [sflag:s26], $0x2800  }
0x3c: {  	[sflag:s26] =	ssyncset.done $0x0  }
0x3d: {  	s13 =	rddreg [dreg:$0x9];
	[sflag:s26] =	ssyncadd.s32 $0xFFFFD800  }
0x3e: {  	[spmem:s13] =	stream.linear.scatter [tilespmem:s25], [sflag:$0x5], $0x2800, $0x38;
	v63 =	vld [tilespmem:$0x0]  }
0x3f: {  	_ =	swait.ge [sflag:s26], $0x2800  }
0x40: {  	[sflag:s26] =	ssyncset.done $0x0  }
0x41: {  	s14 =	rddreg [dreg:$0xa];
	[sflag:s26] =	ssyncadd.s32 $0xFFFFD800  }
0x42: {  	[spmem:s14] =	stream.linear.scatter [tilespmem:s25], [sflag:$0x5], $0x2800, $0x38;
	v63 =	vld [tilespmem:$0x0]  }
0x43: {  	_ =	swait.ge [sflag:s26], $0x2800  }
0x44: {  	[sflag:s26] =	ssyncset.done $0x0  }
0x45: {  	s16 =	rddreg [dreg:$0xb];
	[sflag:s26] =	ssyncadd.s32 $0xFFFFD800  }
0x46: {  	[spmem:s16] =	stream.linear.scatter [tilespmem:s25], [sflag:$0x5], $0x2800, $0x38;
	v63 =	vld [tilespmem:$0x0]  }
0x47: {  	_ =	swait.ge [sflag:s26], $0x2800  }
0x48: {  	[sflag:s26] =	ssyncset.done $0x0  }
0x49: {  	[sflag:s26] =	ssyncadd.s32 $0xFFFFD800  }
0x4a: {  	[spmem:s15] =	stream.linear.scatter [tilespmem:s25], [sflag:$0x5], $0x2800, $0x38;
	v63 =	vld [tilespmem:$0x0]  }
0x4b: {  	_ =	swait.ge [sflag:s26], $0x2800  }
0x4c: {  	[sflag:s26] =	ssyncset.done $0x0  }
0x4d: {  	s17 =	rddreg [dreg:$0xd];
	[sflag:s26] =	ssyncadd.s32 $0xFFFFD800  }
0x4e: {  	[spmem:s17] =	stream.linear.scatter [tilespmem:s25], [sflag:$0x5], $0x2800, $0x38;
	v63 =	vld [tilespmem:$0x0]  }
0x4f: {  	_ =	swait.ge [sflag:s26], $0x2800  }
0x50: {  	[sflag:s26] =	ssyncset.done $0x0  }
0x51: {  	[sflag:s26] =	ssyncadd.s32 $0xFFFFD800  }
0x52: {  	s12 =	simm.s32 $0x0;
	s11 =	simm.s32 $0x0;
	[bflag:$0x0] =	sbarrier.arrive $0xFFFF  }
.LBB2_4:
0x53: {  	s13 =	sadd.s32 s7, s12  }
0x54: {  	s13 =	sshll.u32 s13, $0x9  }
0x55: {  	s14 =	sadd.s32 s1, s13  }
0x56: {  	[tilespmem:s11], [sflag:$0x5] =	stream.linear.gather [hbm4b:s14+s11], $0x1000, $0x38;
	v63 =	vld [tilespmem:$0x0]  }
0x57: {  	_ =	swait.ge [sflag:s26], $0x1000  }
0x58: {  	[sflag:s26] =	ssyncset.done $0x0  }
0x59: {  	s13 =	sadd.s32 s6, s13;
	[sflag:s26] =	ssyncadd.s32 $0xFFFFF000  }
0x5a: {  	[tilespmem:s28], [sflag:$0x5] =	stream.linear.gather [hbm4b:s13+s11], $0x1000, $0x38;
	v63 =	vld [tilespmem:$0x0]  }
0x5b: {  	_ =	swait.ge [sflag:s26], $0x1000  }
0x5c: {  	[sflag:s26] =	ssyncset.done $0x0  }
0x5d: {  	[sflag:s26] =	ssyncadd.s32 $0xFFFFF000  }
0x5e: {  	[tilespmem:s25], [sflag:$0x1] =	stream.indirect.gather [hbm4b:s5+s29], $0x80, s11, s29, $0xb8;
	v63 =	vld [tilespmem:$0x0]  }
0x5f: {  	_ = 	snop  }
0x60: {  	[tilespmem:s31], [sflag:$0x2] =	stream.indirect.gather [hbm4b:s5+s29], $0x80, s30, s29, $0xb8;
	v63 =	vld [tilespmem:$0x0]  }
0x61: {  	_ = 	snop  }
0x62: {  	[tilespmem:s3], [sflag:$0x3] =	stream.indirect.gather [hbm4b:s5+s29], $0x80, s0, s29, $0xb8;
	v63 =	vld [tilespmem:$0x0]  }
0x63: {  	s14 =	simm.s32 $0x180  }
0x64: {  	[tilespmem:s4], [sflag:$0x4] =	stream.indirect.gather [hbm4b:s5+s29], $0x80, s14, s29, $0xb8;
	v63 =	vld [tilespmem:$0x0]  }
0x65: {  	_ =	swait.ge [sflag:s9], $0x2800  }
0x66: {  	[sflag:s9] =	ssyncset.done $0x0  }
0x67: {  	s15 =	simm.s32 $0x1000;
	[sflag:s9] =	ssyncadd.s32 $0xFFFFD800  }
0x68: {  	[spmem:s2] =	stream.indirect.scatter.add.f32 [tilespmem:s25], [sflag:$0x5], $0x80, s15, s29, $0xb8;
	v63 =	vld [tilespmem:$0x0]  }
0x69: {  	_ =	swait.ge [sflag:s26], $0x2800  }
0x6a: {  	[sflag:s26] =	ssyncset.done $0x0  }
0x6b: {  	s16 =	simm.s32 $0x200;
	[sflag:s26] =	ssyncadd.s32 $0xFFFFD800  }
0x6c: {  	[tilespmem:s25], [sflag:$0x1] =	stream.indirect.gather [hbm4b:s5+s29], $0x80, s16, s29, $0xb8;
	v63 =	vld [tilespmem:$0x0]  }
0x6d: {  	_ =	swait.ge [sflag:s10], $0x2800  }
0x6e: {  	[sflag:s10] =	ssyncset.done $0x0  }
0x6f: {  	s17 =	simm.s32 $0x1080;
	[sflag:s10] =	ssyncadd.s32 $0xFFFFD800  }
0x70: {  	[spmem:s2] =	stream.indirect.scatter.add.f32 [tilespmem:s31], [sflag:$0x5], $0x80, s17, s29, $0xb8;
	v63 =	vld [tilespmem:$0x0]  }
0x71: {  	_ =	swait.ge [sflag:s26], $0x2800  }
0x72: {  	[sflag:s26] =	ssyncset.done $0x0  }
0x73: {  	s14 =	simm.s32 $0x280;
	[sflag:s26] =	ssyncadd.s32 $0xFFFFD800  }
0x74: {  	[tilespmem:s31], [sflag:$0x2] =	stream.indirect.gather [hbm4b:s5+s29], $0x80, s14, s29, $0xb8;
	v63 =	vld [tilespmem:$0x0]  }
0x75: {  	_ =	swait.ge [sflag:s18], $0x2800  }
0x76: {  	[sflag:s18] =	ssyncset.done $0x0  }
0x77: {  	s15 =	simm.s32 $0x1100;
	[sflag:s18] =	ssyncadd.s32 $0xFFFFD800  }
0x78: {  	[spmem:s2] =	stream.indirect.scatter.add.f32 [tilespmem:s3], [sflag:$0x5], $0x80, s15, s29, $0xb8;
	v63 =	vld [tilespmem:$0x0]  }
0x79: {  	_ =	swait.ge [sflag:s26], $0x2800  }
0x7a: {  	[sflag:s26] =	ssyncset.done $0x0  }
0x7b: {  	s16 =	simm.s32 $0x300;
	[sflag:s26] =	ssyncadd.s32 $0xFFFFD800  }
0x7c: {  	[tilespmem:s3], [sflag:$0x3] =	stream.indirect.gather [hbm4b:s5+s29], $0x80, s16, s29, $0xb8;
	v63 =	vld [tilespmem:$0x0]  }
0x7d: {  	_ =	swait.ge [sflag:s19], $0x2800  }
0x7e: {  	[sflag:s19] =	ssyncset.done $0x0  }
0x7f: {  	s17 =	simm.s32 $0x1180;
	[sflag:s19] =	ssyncadd.s32 $0xFFFFD800  }
0x80: {  	[spmem:s2] =	stream.indirect.scatter.add.f32 [tilespmem:s4], [sflag:$0x5], $0x80, s17, s29, $0xb8;
	v63 =	vld [tilespmem:$0x0]  }
0x81: {  	_ =	swait.ge [sflag:s26], $0x2800  }
0x82: {  	s13 =	simm.s32 $0x200;
	s14 =	simm.s32 $0x1000;
	[sflag:s26] =	ssyncset.done $0x0  }
.LBB2_5:
0x83: {  	s17 =	sadd.s32 $0x180, s13  }
0x84: {  	[sflag:s26] =	ssyncadd.s32 $0xFFFFD800;
	s15 =	smov.u32 s14;
	s16 =	sadd.s32 $0x800, s14  }
0x85: {  	[tilespmem:s4], [sflag:$0x4] =	stream.indirect.gather [hbm4b:s5+s29], $0x80, s17, s29, $0xb8;
	v63 =	vld [tilespmem:$0x0]  }
0x86: {  	p0 =	sne.s32 s14, $0x3000;
	_ =	swait.ge [sflag:s9], $0x2800  }
0x87: {  	[sflag:s9] =	ssyncset.done $0x0  }
0x88: {  	s14 =	sadd.s32 $0x1000, s13;
	[sflag:s9] =	ssyncadd.s32 $0xFFFFD800  }
0x89: {  	[spmem:s2] =	stream.indirect.scatter.add.f32 [tilespmem:s25], [sflag:$0x5], $0x80, s14, s29, $0xb8;
	v63 =	vld [tilespmem:$0x0]  }
0x8a: {  	_ =	swait.ge [sflag:s26], $0x2800  }
0x8b: {  	[sflag:s26] =	ssyncset.done $0x0  }
0x8c: {  	s14 =	sadd.s32 $0x200, s13;
	[sflag:s26] =	ssyncadd.s32 $0xFFFFD800  }
0x8d: {  	[tilespmem:s25], [sflag:$0x1] =	stream.indirect.gather [hbm4b:s5+s29], $0x80, s14, s29, $0xb8;
	v63 =	vld [tilespmem:$0x0]  }
0x8e: {  	_ =	swait.ge [sflag:s10], $0x2800  }
0x8f: {  	[sflag:s10] =	ssyncset.done $0x0  }
0x90: {  	s14 =	sadd.s32 $0x1080, s13;
	[sflag:s10] =	ssyncadd.s32 $0xFFFFD800  }
0x91: {  	[spmem:s2] =	stream.indirect.scatter.add.f32 [tilespmem:s31], [sflag:$0x5], $0x80, s14, s29, $0xb8;
	v63 =	vld [tilespmem:$0x0]  }
0x92: {  	_ =	swait.ge [sflag:s26], $0x2800  }
0x93: {  	[sflag:s26] =	ssyncset.done $0x0  }
0x94: {  	s14 =	sadd.s32 $0x280, s13;
	[sflag:s26] =	ssyncadd.s32 $0xFFFFD800  }
0x95: {  	[tilespmem:s31], [sflag:$0x2] =	stream.indirect.gather [hbm4b:s5+s29], $0x80, s14, s29, $0xb8;
	v63 =	vld [tilespmem:$0x0]  }
0x96: {  	_ =	swait.ge [sflag:s18], $0x2800  }
0x97: {  	[sflag:s18] =	ssyncset.done $0x0  }
0x98: {  	s14 =	sadd.s32 $0x1100, s13;
	[sflag:s18] =	ssyncadd.s32 $0xFFFFD800  }
0x99: {  	[spmem:s2] =	stream.indirect.scatter.add.f32 [tilespmem:s3], [sflag:$0x5], $0x80, s14, s29, $0xb8;
	v63 =	vld [tilespmem:$0x0]  }
0x9a: {  	_ =	swait.ge [sflag:s26], $0x2800  }
0x9b: {  	[sflag:s26] =	ssyncset.done $0x0  }
0x9c: {  	s14 =	sadd.s32 $0x300, s13;
	[sflag:s26] =	ssyncadd.s32 $0xFFFFD800  }
0x9d: {  	[tilespmem:s3], [sflag:$0x3] =	stream.indirect.gather [hbm4b:s5+s29], $0x80, s14, s29, $0xb8;
	v63 =	vld [tilespmem:$0x0]  }
0x9e: {  	_ =	swait.ge [sflag:s19], $0x2800  }
.Ltmp1:
0x9f: {  	[sflag:s19] =	ssyncset.done $0x0;
	(pc) =	sbr.rel @p0 .LBB2_5-.Ltmp1, $4  }
0xa0: {  	s13 =	sadd.s32 $0x1180, s13;
	[sflag:s19] =	ssyncadd.s32 $0xFFFFD800  }
0xa1: {  	[spmem:s2] =	stream.indirect.scatter.add.f32 [tilespmem:s4], [sflag:$0x5], $0x80, s13, s29, $0xb8;
	v63 =	vld [tilespmem:$0x0]  }
0xa2: {  	_ =	swait.ge [sflag:s26], $0x2800  }
0xa3: {  	s14 =	smov.u32 s16;
	s13 =	sshra.s32 s15, $0x2;
	[sflag:s26] =	ssyncset.done $0x0  }
0xa4: {  	s14 =	sadd.s32 $0x180, s13;
	[sflag:s26] =	ssyncadd.s32 $0xFFFFD800  }
0xa5: {  	[tilespmem:s4], [sflag:$0x4] =	stream.indirect.gather [hbm4b:s5+s29], $0x80, s14, s29, $0xb8;
	v63 =	vld [tilespmem:$0x0]  }
0xa6: {  	_ =	swait.ge [sflag:s9], $0x2800  }
0xa7: {  	[sflag:s9] =	ssyncset.done $0x0  }
0xa8: {  	s17 =	sadd.s32 $0x1000, s13;
	[sflag:s9] =	ssyncadd.s32 $0xFFFFD800  }
0xa9: {  	[spmem:s2] =	stream.indirect.scatter.add.f32 [tilespmem:s25], [sflag:$0x5], $0x80, s17, s29, $0xb8;
	v63 =	vld [tilespmem:$0x0]  }
0xaa: {  	_ =	swait.ge [sflag:s26], $0x2800  }
0xab: {  	[sflag:s26] =	ssyncset.done $0x0  }
0xac: {  	s15 =	sadd.s32 $0x200, s13;
	[sflag:s26] =	ssyncadd.s32 $0xFFFFD800  }
0xad: {  	[tilespmem:s25], [sflag:$0x1] =	stream.indirect.gather [hbm4b:s5+s29], $0x80, s15, s29, $0xb8;
	v63 =	vld [tilespmem:$0x0]  }
0xae: {  	_ =	swait.ge [sflag:s10], $0x2800  }
0xaf: {  	[sflag:s10] =	ssyncset.done $0x0  }
0xb0: {  	s16 =	sadd.s32 $0x1080, s13;
	[sflag:s10] =	ssyncadd.s32 $0xFFFFD800  }
0xb1: {  	[spmem:s2] =	stream.indirect.scatter.add.f32 [tilespmem:s31], [sflag:$0x5], $0x80, s16, s29, $0xb8;
	v63 =	vld [tilespmem:$0x0]  }
0xb2: {  	_ =	swait.ge [sflag:s26], $0x2800  }
0xb3: {  	[sflag:s26] =	ssyncset.done $0x0  }
0xb4: {  	s17 =	sadd.s32 $0x280, s13;
	[sflag:s26] =	ssyncadd.s32 $0xFFFFD800  }
0xb5: {  	[tilespmem:s31], [sflag:$0x2] =	stream.indirect.gather [hbm4b:s5+s29], $0x80, s17, s29, $0xb8;
	v63 =	vld [tilespmem:$0x0]  }
0xb6: {  	_ =	swait.ge [sflag:s18], $0x2800  }
0xb7: {  	[sflag:s18] =	ssyncset.done $0x0  }
0xb8: {  	s15 =	sadd.s32 $0x1100, s13;
	[sflag:s18] =	ssyncadd.s32 $0xFFFFD800  }
0xb9: {  	[spmem:s2] =	stream.indirect.scatter.add.f32 [tilespmem:s3], [sflag:$0x5], $0x80, s15, s29, $0xb8;
	v63 =	vld [tilespmem:$0x0]  }
0xba: {  	_ =	swait.ge [sflag:s26], $0x2800  }
0xbb: {  	[sflag:s26] =	ssyncset.done $0x0  }
0xbc: {  	s16 =	sadd.s32 $0x300, s13;
	[sflag:s26] =	ssyncadd.s32 $0xFFFFD800  }
0xbd: {  	[tilespmem:s3], [sflag:$0x3] =	stream.indirect.gather [hbm4b:s5+s29], $0x80, s16, s29, $0xb8;
	v63 =	vld [tilespmem:$0x0]  }
0xbe: {  	_ =	swait.ge [sflag:s19], $0x2800  }
0xbf: {  	[sflag:s19] =	ssyncset.done $0x0  }
0xc0: {  	s17 =	sadd.s32 $0x1180, s13;
	[sflag:s19] =	ssyncadd.s32 $0xFFFFD800  }
0xc1: {  	[spmem:s2] =	stream.indirect.scatter.add.f32 [tilespmem:s4], [sflag:$0x5], $0x80, s17, s29, $0xb8;
	v63 =	vld [tilespmem:$0x0]  }
0xc2: {  	_ =	swait.ge [sflag:s26], $0x2800  }
0xc3: {  	[sflag:s26] =	ssyncset.done $0x0  }
0xc4: {  	[sflag:s26] =	ssyncadd.s32 $0xFFFFD800  }
0xc5: {  	[tilespmem:s4], [sflag:$0x4] =	stream.indirect.gather [hbm4b:s5+s29], $0x80, s20, s29, $0xb8;
	v63 =	vld [tilespmem:$0x0]  }
0xc6: {  	_ =	swait.ge [sflag:s9], $0x2800  }
0xc7: {  	[sflag:s9] =	ssyncset.done $0x0  }
0xc8: {  	[sflag:s9] =	ssyncadd.s32 $0xFFFFD800  }
0xc9: {  	[spmem:s2] =	stream.indirect.scatter.add.f32 [tilespmem:s25], [sflag:$0x5], $0x80, s21, s29, $0xb8;
	v63 =	vld [tilespmem:$0x0]  }
0xca: {  	_ =	swait.ge [sflag:s26], $0x2800  }
0xcb: {  	[sflag:s26] =	ssyncset.done $0x0  }
0xcc: {  	[sflag:s26] =	ssyncadd.s32 $0xFFFFD800  }
0xcd: {  	_ =	swait.ge [sflag:s10], $0x2800  }
0xce: {  	[sflag:s10] =	ssyncset.done $0x0  }
0xcf: {  	[sflag:s10] =	ssyncadd.s32 $0xFFFFD800  }
0xd0: {  	[spmem:s2] =	stream.indirect.scatter.add.f32 [tilespmem:s31], [sflag:$0x5], $0x80, s22, s29, $0xb8;
	v63 =	vld [tilespmem:$0x0]  }
0xd1: {  	_ =	swait.ge [sflag:s26], $0x2800  }
0xd2: {  	[sflag:s26] =	ssyncset.done $0x0  }
0xd3: {  	[sflag:s26] =	ssyncadd.s32 $0xFFFFD800  }
0xd4: {  	_ =	swait.ge [sflag:s18], $0x2800  }
0xd5: {  	[sflag:s18] =	ssyncset.done $0x0  }
0xd6: {  	[sflag:s18] =	ssyncadd.s32 $0xFFFFD800  }
0xd7: {  	[spmem:s2] =	stream.indirect.scatter.add.f32 [tilespmem:s3], [sflag:$0x5], $0x80, s23, s29, $0xb8;
	v63 =	vld [tilespmem:$0x0]  }
0xd8: {  	_ =	swait.ge [sflag:s26], $0x2800  }
0xd9: {  	[sflag:s26] =	ssyncset.done $0x0  }
0xda: {  	[sflag:s26] =	ssyncadd.s32 $0xFFFFD800  }
0xdb: {  	s12 =	sadd.s32 $0x1, s12;
	_ =	swait.ge [sflag:s19], $0x2800  }
0xdc: {  	p0 =	sne.s32 s12, $0x4;
	[sflag:s19] =	ssyncset.done $0x0  }
.Ltmp2:
0xdd: {  	[sflag:s19] =	ssyncadd.s32 $0xFFFFD800;
	(pc) =	sbr.rel @p0 .LBB2_4-.Ltmp2, $4  }
0xde: {  	[spmem:s2] =	stream.indirect.scatter.add.f32 [tilespmem:s4], [sflag:$0x5], $0x80, s24, s29, $0xb8;
	v63 =	vld [tilespmem:$0x0]  }
0xdf: {  	_ =	swait.ge [sflag:s26], $0x2800  }
0xe0: {  	[sflag:s26] =	ssyncset.done $0x0  }
0xe1: {  	[sflag:s26] =	ssyncadd.s32 $0xFFFFD800  }
0xe2: {  	s11 =	stileid.u32;
	[bflag:$0x0] =	sbarrier.arrive $0xFFFF  }
0xe3: {  	s11 =	sshll.u32 s11, $0x6;
	s16 =	rddreg [dreg:$0x4]  }
0xe4: {  	s13 =	rddreg [dreg:$0x5];
	s11 =	sor.u32 $0x1C05, s11;
	s12 =	sshrl.u32 s16, $0x3  }
0xe5: {  	[hbm:s13], [sflag:s11] =	dma.local [spmem:s12], $0x500  }
0xe6: {  	_ =	swait.ge [sflag:s26], $0x500  }
0xe7: {  	[sflag:s26] =	ssyncset.done $0x0;
	s17 =	rddreg [dreg:$0x7]  }
0xe8: {  	s15 =	rddreg [dreg:$0xe];
	[sflag:s26] =	ssyncadd.s32 $0xFFFFFB00;
	s14 =	sshrl.u32 s17, $0x3  }
0xe9: {  	[hbm:s15], [sflag:s11] =	dma.local [spmem:s14], $0x500  }
0xea: {  	_ =	swait.ge [sflag:s26], $0x500  }
0xeb: {  	[sflag:s26] =	ssyncset.done $0x0;
	s14 =	rddreg [dreg:$0x8]  }
0xec: {  	s15 =	rddreg [dreg:$0xf];
	[sflag:s26] =	ssyncadd.s32 $0xFFFFFB00;
	s12 =	sshrl.u32 s14, $0x3  }
0xed: {  	[hbm:s15], [sflag:s11] =	dma.local [spmem:s12], $0x500  }
0xee: {  	_ =	swait.ge [sflag:s26], $0x500  }
0xef: {  	[sflag:s26] =	ssyncset.done $0x0;
	s14 =	rddreg [dreg:$0x9]  }
0xf0: {  	s15 =	rddreg [dreg:$0x10];
	[sflag:s26] =	ssyncadd.s32 $0xFFFFFB00;
	s12 =	sshrl.u32 s14, $0x3  }
0xf1: {  	[hbm:s15], [sflag:s11] =	dma.local [spmem:s12], $0x500  }
0xf2: {  	_ =	swait.ge [sflag:s26], $0x500  }
0xf3: {  	[sflag:s26] =	ssyncset.done $0x0;
	s14 =	rddreg [dreg:$0xa]  }
0xf4: {  	s15 =	rddreg [dreg:$0x11];
	[sflag:s26] =	ssyncadd.s32 $0xFFFFFB00;
	s12 =	sshrl.u32 s14, $0x3  }
0xf5: {  	[hbm:s15], [sflag:s11] =	dma.local [spmem:s12], $0x500  }
0xf6: {  	_ =	swait.ge [sflag:s26], $0x500  }
0xf7: {  	[sflag:s26] =	ssyncset.done $0x0;
	s14 =	rddreg [dreg:$0xb]  }
0xf8: {  	s15 =	rddreg [dreg:$0x12];
	[sflag:s26] =	ssyncadd.s32 $0xFFFFFB00;
	s12 =	sshrl.u32 s14, $0x3  }
0xf9: {  	[hbm:s15], [sflag:s11] =	dma.local [spmem:s12], $0x500  }
0xfa: {  	_ =	swait.ge [sflag:s26], $0x500  }
0xfb: {  	[sflag:s26] =	ssyncset.done $0x0;
	s15 =	rddreg [dreg:$0xc]  }
0xfc: {  	s14 =	rddreg [dreg:$0x13];
	[sflag:s26] =	ssyncadd.s32 $0xFFFFFB00;
	s13 =	sshrl.u32 s15, $0x3  }
0xfd: {  	[hbm:s14], [sflag:s11] =	dma.local [spmem:s13], $0x500  }
0xfe: {  	_ =	swait.ge [sflag:s26], $0x500  }
0xff: {  	[sflag:s26] =	ssyncset.done $0x0;
	s13 =	rddreg [dreg:$0xd]  }
0x100: {  	s14 =	rddreg [dreg:$0x14];
	[sflag:s26] =	ssyncadd.s32 $0xFFFFFB00;
	s12 =	sshrl.u32 s13, $0x3  }
0x101: {  	[hbm:s14], [sflag:s11] =	dma.local [spmem:s12], $0x500  }
0x102: {  	_ =	swait.ge [sflag:s26], $0x500  }
0x103: {  	s8 =	sadd.s32 $0x1, s8;
	s14 =	rddreg [dreg:$0x6]  }
0x104: {  	p0 =	sne.s32 s8, s14  }
.Ltmp3:
0x105: {  	_ = 	snop;
	(pc) =	sbr.rel @p0 .LBB2_1-.Ltmp3, $3  }
0x106: {  	_ =	sdelay $0x1  }
0x107: {  	[sflag:s26] =	ssyncset.done $0x0  }
0x108: {  	[sflag:s26] =	ssyncadd.s32 $0xFFFFFB00  }
0x109: {  	_ =	sfence.sel $0x180000  }
0x10a: {  	[bflag:$0x0] =	sbarrier.arrive $0xFFFF  }
0x10b: {  	_ =	strace $0x90000050  }
0x10c: {  	s0 =	stileid.u32;
	[bflag:$0x2] =	sbarrier.arrive $0xFFFF  }
0x10d: {  	p0 =	sne.s32 s0, $0x0;
	s0 =	rddreg [dreg:$0x3]  }
0x10e: {  	s0 =	sadd.s32 @!p0 $0x100000, s0  }
0x10f: {  	[sflag:s0] =	ssyncadd.tile.s32 @!p0 $0x1;
	_ =	shalt  }
.Lfunc_end2:
_tile_overlayer_lowered:
.L_overlay_start_2:
0x110: {  	(tag) =	ssettag $0x2  }
0x111: {  	s0 =	rddreg [dreg:$0x0];
	s2 =	stileid.u32  }
0x112: {  	s1 =	rddreg [dreg:$0x1];
	p0 =	sne.s32 s2, $0x0  }
0x113: {  	s3 =	rddreg [dreg:$0x2];
	[bflag:$0x3] =	sbarrier.arrive $0xFFFF;
	s2 =	simm.s32 @!p0 $0x1C05  }
0x114: {  	[timem:s3], [sflag:s2] =	dma.local @!p0 [hbm:s0], s1  }
0x115: {  	s0 =	simm.s32 @!p0 $0x5  }
0x116: {  	_ =	swait.ge @!p0 [sflag:s0], s1  }
0x117: {  	s1 =	ssub.s32 @!p0 $0x0, s1;
	[sflag:s0] =	ssyncset.done @!p0 $0x0  }
0x118: {  	[sflag:s0] =	ssyncadd.s32 @!p0 s1  }
0x119: {  	[bflag:$0x3] =	sbarrier.arrive $0xFFFF  }
0x11a: {  	_ =	shalt  }

</sc_bundles>
